<compile_context>
chip_gen: v7x
topology: tpu7x:2x2x1
jax: 0.10.2.dev20260603
libtpu: 0.0.44.dev20260713+nightly
codegen_flags: <defaults>
</compile_context>

<pallas_src>
import functools

import jax
import jax.numpy as jnp
from jax import lax
from jax.experimental import pallas as pl
from jax.experimental.pallas import tpu as pltpu
from jax.experimental.pallas import tpu_sc as plsc

K = 30
B = 64
N = 10000
E = 160000
H = 256

NC = 2
NS = 16
CH = H // NC
EPT = E // NS
C = 125
NCHUNK = EPT // C
NPAD = 10240
STRIPE = NPAD // NS
NP2 = 10240
RB = 1000


@functools.cache
def _make_agg():
  mesh = plsc.VectorSubcoreMesh(
      core_axis_name="c", subcore_axis_name="s", num_cores=NC, num_subcores=NS)

  def body(hsplit, srcidx, dstidx, zr, aggout, srcv, dstv, rowsv, acc):
    c = lax.axis_index("c")
    s = lax.axis_index("s")
    pltpu.sync_copy(zr, acc.at[pl.ds(s * STRIPE, STRIPE)])
    pltpu.sync_copy(srcidx.at[c, s], srcv)
    pltpu.sync_copy(dstidx.at[s], dstv)
    plsc.subcore_barrier()
    def chunk(j, carry):
      pltpu.sync_copy(hsplit.at[srcv.at[j]], rowsv)
      pltpu.sync_copy(rowsv, acc.at[dstv.at[j]], add=True)
      return carry
    lax.fori_loop(0, NCHUNK, chunk, 0)
    plsc.subcore_barrier()
    pltpu.sync_copy(acc.at[pl.ds(s * STRIPE, STRIPE)],
                    aggout.at[c, pl.ds(s * STRIPE, STRIPE)])

  return pl.kernel(
      body,
      out_type=jax.ShapeDtypeStruct((NC, NPAD, CH), jnp.float32),
      mesh=mesh,
      scratch_types=[
          pltpu.VMEM((NCHUNK, C), jnp.int32),
          pltpu.VMEM((NCHUNK, C), jnp.int32),
          pltpu.VMEM((C, CH), jnp.float32),
          pltpu.VMEM_SHARED((NPAD, CH), jnp.float32),
      ])


@functools.cache
def _make_cnt():
  mesh = plsc.VectorSubcoreMesh(
      core_axis_name="c", subcore_axis_name="s", num_cores=NC, num_subcores=NS)

  def body(dstidx, zr, ones_h, cntout, dstv, onesv, cacc):
    c = lax.axis_index("c")
    s = lax.axis_index("s")
    @pl.when(c == 0)
    def _():
      pltpu.sync_copy(zr, cacc.at[pl.ds(s * STRIPE, STRIPE)])
      pltpu.sync_copy(dstidx.at[s], dstv)
      pltpu.sync_copy(ones_h, onesv)
    plsc.subcore_barrier()
    @pl.when(c == 0)
    def _():
      def chunk(j, carry):
        pltpu.sync_copy(onesv, cacc.at[dstv.at[j]], add=True)
        return carry
      lax.fori_loop(0, NCHUNK, chunk, 0)
    plsc.subcore_barrier()
    @pl.when(c == 0)
    def _():
      pltpu.sync_copy(cacc.at[pl.ds(s * STRIPE, STRIPE)],
                      cntout.at[pl.ds(s * STRIPE, STRIPE)])

  return pl.kernel(
      body,
      out_type=jax.ShapeDtypeStruct((NPAD, CH), jnp.float32),
      mesh=mesh,
      scratch_types=[
          pltpu.VMEM((NCHUNK, C), jnp.int32),
          pltpu.VMEM((C, CH), jnp.float32),
          pltpu.VMEM_SHARED((NPAD, CH), jnp.float32),
      ])


def _mm_body(agg_ref, cnt_ref, h_ref, wl_ref, bl_ref, wr_ref, o_ref):
  a = agg_ref[...] / jnp.maximum(cnt_ref[...], 1.0)
  o = (jnp.dot(a, wl_ref[...], preferred_element_type=jnp.float32)
       + bl_ref[...]
       + jnp.dot(h_ref[...], wr_ref[...], preferred_element_type=jnp.float32))
  o_ref[...] = jnp.maximum(o, 0.0)


def _sage_dense(agg, cnt2, h, wl, bl2, wr):
  return pl.pallas_call(
      _mm_body,
      grid=(N // RB,),
      in_specs=[
          pl.BlockSpec((RB, H), lambda i: (i, 0)),
          pl.BlockSpec((RB, 1), lambda i: (i, 0)),
          pl.BlockSpec((RB, H), lambda i: (i, 0)),
          pl.BlockSpec((H, H), lambda i: (0, 0)),
          pl.BlockSpec((1, H), lambda i: (0, 0)),
          pl.BlockSpec((H, H), lambda i: (0, 0)),
      ],
      out_specs=pl.BlockSpec((RB, H), lambda i: (i, 0)),
      out_shape=jax.ShapeDtypeStruct((N, H), jnp.float32),
  )(agg, cnt2, h, wl, bl2, wr)


GB = 8


def _pool_idx_body(keys_ref, bt_ref, oi_ref):
  g0 = pl.program_id(0) * GB
  neg = jnp.float32(-jnp.inf)
  big = jnp.int32(2 ** 30)
  gvec = g0 + lax.broadcasted_iota(jnp.int32, (GB, 1), 0)
  flat = lax.broadcasted_iota(jnp.int32, (GB, NP2), 1)
  masked = jnp.where(bt_ref[...] == gvec, keys_ref[...], neg)
  for k in range(K):
    m = jnp.max(masked, axis=1, keepdims=True)
    idx = jnp.min(jnp.where(masked == m, flat, big), axis=1, keepdims=True)
    oi_ref[:, k:k + 1] = jnp.where(m > neg, idx, N)
    masked = jnp.where(flat == idx, neg, masked)


def _pool_idx(keys, bt):
  return pl.pallas_call(
      _pool_idx_body,
      grid=(B // GB,),
      in_specs=[
          pl.BlockSpec((1, NP2), lambda i: (0, 0)),
          pl.BlockSpec((1, NP2), lambda i: (0, 0)),
      ],
      out_specs=pl.BlockSpec((GB, K), lambda i: (i, 0)),
      out_shape=jax.ShapeDtypeStruct((B, K), jnp.int32),
  )(keys, bt)


GROWS = B * K // (NC * NS)
GPAD = 64


@functools.cache
def _make_rowgather():
  mesh = plsc.VectorSubcoreMesh(
      core_axis_name="c", subcore_axis_name="s", num_cores=NC, num_subcores=NS)

  def body(hpad, idx, out, idxv, rowsv):
    c = lax.axis_index("c")
    s = lax.axis_index("s")
    w = c * NS + s
    pltpu.sync_copy(idx.at[w], idxv)
    pltpu.sync_copy(hpad.at[idxv], rowsv)
    pltpu.sync_copy(rowsv, out.at[w])

  return pl.kernel(
      body,
      out_type=jax.ShapeDtypeStruct((NC * NS, GPAD, H), jnp.float32),
      mesh=mesh,
      scratch_types=[
          pltpu.VMEM((GPAD,), jnp.int32),
          pltpu.VMEM((GPAD, H), jnp.float32),
      ])


def _split(h):
  return jnp.concatenate([h[:, :CH], h[:, CH:]], axis=0)


def _unsplit(aggout):
  return jnp.concatenate([aggout[0, :N], aggout[1, :N]], axis=1)


@jax.jit
def kernel(x, edge_index, batch, Wl1, bl1, Wr1, Wl2, bl2, Wr2, Wl3, bl3, Wr3):
  src = edge_index[0].astype(jnp.int32)
  dst = edge_index[1].astype(jnp.int32)
  src_t = src.reshape(NS, NCHUNK, C)
  srcidx = jnp.stack([src_t, src_t + N])
  dstidx = dst.reshape(NS, NCHUNK, C)
  zr = jnp.zeros((STRIPE, CH), jnp.float32)
  ones_h = jnp.ones((C, CH), jnp.float32)

  cntout = _make_cnt()(dstidx, zr, ones_h)
  cnt2 = cntout[:N, :1]

  h = x
  for wl, bl, wr in ((Wl1, bl1, Wr1), (Wl2, bl2, Wr2), (Wl3, bl3, Wr3)):
    hs = _split(h)
    aggout = _make_agg()(hs, srcidx, dstidx, zr)
    agg = _unsplit(aggout)
    h = _sage_dense(agg, cnt2, h, wl, bl.reshape(1, H), wr)

  keys = jnp.concatenate(
      [h[:, -1], jnp.full((NP2 - N,), -jnp.inf, jnp.float32)]
  ).reshape(1, NP2)
  bt = jnp.concatenate(
      [batch.astype(jnp.int32), jnp.full((NP2 - N,), -1, jnp.int32)]
  ).reshape(1, NP2)
  topidx = _pool_idx(keys, bt)
  hpad = jnp.concatenate([h, jnp.zeros((16, H), jnp.float32)], axis=0)
  idx64 = jnp.full((NC * NS, GPAD), N, jnp.int32)
  idx64 = idx64.at[:, :GROWS].set(topidx.reshape(NC * NS, GROWS))
  rows = _make_rowgather()(hpad, idx64)
  return rows[:, :GROWS].reshape(B, K * H)

# --- scband reference (transcript-rebuilt; emitter-appended) ---
"""Pipeline reference for scband-sort-pool-77446850281723 (READ-ONLY COPY).

The authoritative reference and input builder live on the scoring server;
editing this copy changes nothing except your own understanding.
"""

import jax, jax.numpy as jnp
import numpy as np

K = 30
B = 64
N = 10000
E = 160000
IN = 256
H = 256


def setup_inputs(seed: int = 0) -> dict:
    key = jax.random.key(seed)
    ks = jax.random.split(key, 16)
    x = jax.random.normal(ks[0], (N, IN), jnp.float32)
    edge_index = jax.random.randint(ks[1], (2, E), 0, N, jnp.int32)
    batch = jnp.sort(jax.random.randint(ks[2], (N,), 0, B, jnp.int32))
    def lin(k, fan_in, fan_out):
        return jax.random.normal(k, (fan_in, fan_out), jnp.float32) * (1.0 / np.sqrt(fan_in))
    return {
        'x': x, 'edge_index': edge_index, 'batch': batch,
        'Wl1': lin(ks[3], IN, H), 'bl1': jnp.zeros((H,), jnp.float32), 'Wr1': lin(ks[4], IN, H),
        'Wl2': lin(ks[5], H, H), 'bl2': jnp.zeros((H,), jnp.float32), 'Wr2': lin(ks[6], H, H),
        'Wl3': lin(ks[7], H, H), 'bl3': jnp.zeros((H,), jnp.float32), 'Wr3': lin(ks[8], H, H),
    }


def _sage_conv(x, edge_index, Wl, bl, Wr):
    # torch_geometric SAGEConv: out = lin_l(mean_{j in N(i)} x_j) + lin_r(x_i)
    src = edge_index[0]
    dst = edge_index[1]
    n = x.shape[0]
    msg = jnp.take(x, src, axis=0)
    agg = jax.ops.segment_sum(msg, dst, num_segments=n)
    cnt = jax.ops.segment_sum(jnp.ones((src.shape[0],), x.dtype), dst, num_segments=n)
    agg = agg / jnp.clip(cnt, 1.0)[:, None]
    return agg @ Wl + bl + x @ Wr


def _global_sort_pool(x, batch, k, num_graphs):
    fill = jax.lax.stop_gradient(jnp.min(x)) - 1.0
    counts = jnp.bincount(batch, length=num_graphs)
    nmax = x.shape[0]
    offsets = jnp.concatenate([jnp.zeros((1,), counts.dtype), jnp.cumsum(counts)[:-1]])
    pos = jnp.arange(x.shape[0]) - jnp.take(offsets, batch)
    d = x.shape[1]
    dense = jnp.full((num_graphs, nmax, d), fill, x.dtype).at[batch, pos].set(x)
    order = jnp.argsort(-dense[:, :, -1], axis=1)
    dense = jnp.take_along_axis(dense, order[:, :, None], axis=1)
    if nmax >= k:
        dense = dense[:, :k]
    else:
        pad = jnp.full((num_graphs, k - nmax, d), fill, x.dtype)
        dense = jnp.concatenate([dense, pad], axis=1)
    dense = jnp.where(dense == fill, jnp.zeros_like(dense), dense)
    return dense.reshape(num_graphs, k * d)


def reference(x, edge_index, batch, Wl1, bl1, Wr1, Wl2, bl2, Wr2, Wl3, bl3, Wr3):
    h = jax.nn.relu(_sage_conv(x, edge_index, Wl1, bl1, Wr1))
    h = jax.nn.relu(_sage_conv(h, edge_index, Wl2, bl2, Wr2))
    h = jax.nn.relu(_sage_conv(h, edge_index, Wl3, bl3, Wr3))
    return _global_sort_pool(h, batch, K, B)

if __name__ == "__main__":
    import jax
    _d = setup_inputs()
    print(jax.jit(kernel)(*tuple(_d.values())))

</pallas_src>

<mosaic_0001>
#map = affine_map<(d0, d1) -> (0, 0)>
#map1 = affine_map<(d0, d1) -> (0, 0, 0, 0)>
#map2 = affine_map<(d0, d1) -> (0, 0, 0)>
module attributes {stable_mosaic.version = 14 : i64} {
  func.func @body(%arg0: i32, %arg1: i32, %arg2: memref<20000x128xf32, #tpu.memory_space<hbm>>, %arg3: memref<2x16x80x125xi32, #tpu.memory_space<hbm>>, %arg4: memref<16x80x125xi32, #tpu.memory_space<hbm>>, %arg5: memref<640x128xf32, #tpu.memory_space<hbm>>, %arg6: memref<2x10240x128xf32, #tpu.memory_space<hbm>>, %arg7: memref<80x125xi32, #tpu.memory_space<vmem>>, %arg8: memref<80x125xi32, #tpu.memory_space<vmem>>, %arg9: memref<125x128xf32, #tpu.memory_space<vmem>>, %arg10: memref<10240x128xf32, #tpu.memory_space<vmem_shared>>) attributes {dimension_semantics = [#tpu.dimension_semantics<core_parallel>, #tpu.dimension_semantics<subcore_parallel>], iteration_bounds = array<i64: 2, 16>, scalar_prefetch = 0 : i64, scratch_operands = 4 : i64, tpu.core_type = #tpu.core_type<sc_vector_subcore>, window_params = [{transform_indices = #map}, {transform_indices = #map1}, {transform_indices = #map2}, {transform_indices = #map}, {transform_indices = #map2}]} {
    %mul3A = arith.constant 640 : i32
    %mul3A_0 = arith.muli %arg1, %mul3A : i32
    "tpu.region"() ({
      %run_scoped3A = tpu.sem_alloc : memref<!tpu.dma_semaphore, #tpu.memory_space<semaphore_mem>>
      %dma_start3A = arith.constant 0 : i32
      %dma_start3A_11 = tpu.memref_slice %arg10[%mul3A_0, %dma_start3A] : memref<10240x128xf32, #tpu.memory_space<vmem_shared>> -> memref<640x128xf32, #tpu.memory_space<vmem_shared>>
      tpu.enqueue_dma source(%arg5 : memref<640x128xf32, #tpu.memory_space<hbm>>) target(%dma_start3A_11 : memref<640x128xf32, #tpu.memory_space<vmem_shared>>) target_semaphore(%run_scoped3A : memref<!tpu.dma_semaphore, #tpu.memory_space<semaphore_mem>>)
      %dma_wait3A = arith.constant 0 : i32
      %dma_wait3A_12 = tpu.memref_slice %arg10[%mul3A_0, %dma_wait3A] : memref<10240x128xf32, #tpu.memory_space<vmem_shared>> -> memref<640x128xf32, #tpu.memory_space<vmem_shared>>
      tpu.wait_dma2 semaphore(%run_scoped3A : memref<!tpu.dma_semaphore, #tpu.memory_space<semaphore_mem>>) src(%arg5 : memref<640x128xf32, #tpu.memory_space<hbm>>) dst(%dma_wait3A_12 : memref<640x128xf32, #tpu.memory_space<vmem_shared>>)
      tpu.yield
    }) : () -> ()
    "tpu.region"() ({
      %run_scoped3A = tpu.sem_alloc : memref<!tpu.dma_semaphore, #tpu.memory_space<semaphore_mem>>
      %dma_start3A = arith.constant 0 : i32
      %dma_start3A_11 = arith.constant 0 : i32
      %dma_start3A_12 = tpu.memref_slice %arg3[%arg0, %arg1, %dma_start3A, %dma_start3A_11] : memref<2x16x80x125xi32, #tpu.memory_space<hbm>> -> memref<1x1x80x125xi32, #tpu.memory_space<hbm>>
      %dma_start3A_13 = tpu.memref_squeeze %dma_start3A_12 : memref<1x1x80x125xi32, #tpu.memory_space<hbm>> -> memref<80x125xi32, #tpu.memory_space<hbm>>
      %dma_start3A_14 = arith.constant 0 : i32
      %dma_start3A_15 = arith.constant 0 : i32
      %dma_start3A_16 = tpu.memref_slice %arg3[%arg0, %arg1, %dma_start3A_14, %dma_start3A_15] : memref<2x16x80x125xi32, #tpu.memory_space<hbm>> -> memref<1x1x80x125xi32, #tpu.memory_space<hbm>>
      %dma_start3A_17 = tpu.memref_squeeze %dma_start3A_16 : memref<1x1x80x125xi32, #tpu.memory_space<hbm>> -> memref<80x125xi32, #tpu.memory_space<hbm>>
      tpu.enqueue_dma source(%dma_start3A_17 : memref<80x125xi32, #tpu.memory_space<hbm>>) target(%arg7 : memref<80x125xi32, #tpu.memory_space<vmem>>) target_semaphore(%run_scoped3A : memref<!tpu.dma_semaphore, #tpu.memory_space<semaphore_mem>>)
      %dma_wait3A = arith.constant 0 : i32
      %dma_wait3A_18 = arith.constant 0 : i32
      %dma_wait3A_19 = tpu.memref_slice %arg3[%arg0, %arg1, %dma_wait3A, %dma_wait3A_18] : memref<2x16x80x125xi32, #tpu.memory_space<hbm>> -> memref<1x1x80x125xi32, #tpu.memory_space<hbm>>
      %dma_wait3A_20 = tpu.memref_squeeze %dma_wait3A_19 : memref<1x1x80x125xi32, #tpu.memory_space<hbm>> -> memref<80x125xi32, #tpu.memory_space<hbm>>
      %dma_wait3A_21 = arith.constant 0 : i32
      %dma_wait3A_22 = arith.constant 0 : i32
      %dma_wait3A_23 = tpu.memref_slice %arg3[%arg0, %arg1, %dma_wait3A_21, %dma_wait3A_22] : memref<2x16x80x125xi32, #tpu.memory_space<hbm>> -> memref<1x1x80x125xi32, #tpu.memory_space<hbm>>
      %dma_wait3A_24 = tpu.memref_squeeze %dma_wait3A_23 : memref<1x1x80x125xi32, #tpu.memory_space<hbm>> -> memref<80x125xi32, #tpu.memory_space<hbm>>
      tpu.wait_dma2 semaphore(%run_scoped3A : memref<!tpu.dma_semaphore, #tpu.memory_space<semaphore_mem>>) src(%dma_wait3A_24 : memref<80x125xi32, #tpu.memory_space<hbm>>) dst(%arg7 : memref<80x125xi32, #tpu.memory_space<vmem>>)
      tpu.yield
    }) : () -> ()
    "tpu.region"() ({
      %run_scoped3A = tpu.sem_alloc : memref<!tpu.dma_semaphore, #tpu.memory_space<semaphore_mem>>
      %dma_start3A = arith.constant 0 : i32
      %dma_start3A_11 = arith.constant 0 : i32
      %dma_start3A_12 = tpu.memref_slice %arg4[%arg1, %dma_start3A, %dma_start3A_11] : memref<16x80x125xi32, #tpu.memory_space<hbm>> -> memref<1x80x125xi32, #tpu.memory_space<hbm>>
      %dma_start3A_13 = tpu.memref_squeeze %dma_start3A_12 : memref<1x80x125xi32, #tpu.memory_space<hbm>> -> memref<80x125xi32, #tpu.memory_space<hbm>>
      %dma_start3A_14 = arith.constant 0 : i32
      %dma_start3A_15 = arith.constant 0 : i32
      %dma_start3A_16 = tpu.memref_slice %arg4[%arg1, %dma_start3A_14, %dma_start3A_15] : memref<16x80x125xi32, #tpu.memory_space<hbm>> -> memref<1x80x125xi32, #tpu.memory_space<hbm>>
      %dma_start3A_17 = tpu.memref_squeeze %dma_start3A_16 : memref<1x80x125xi32, #tpu.memory_space<hbm>> -> memref<80x125xi32, #tpu.memory_space<hbm>>
      tpu.enqueue_dma source(%dma_start3A_17 : memref<80x125xi32, #tpu.memory_space<hbm>>) target(%arg8 : memref<80x125xi32, #tpu.memory_space<vmem>>) target_semaphore(%run_scoped3A : memref<!tpu.dma_semaphore, #tpu.memory_space<semaphore_mem>>)
      %dma_wait3A = arith.constant 0 : i32
      %dma_wait3A_18 = arith.constant 0 : i32
      %dma_wait3A_19 = tpu.memref_slice %arg4[%arg1, %dma_wait3A, %dma_wait3A_18] : memref<16x80x125xi32, #tpu.memory_space<hbm>> -> memref<1x80x125xi32, #tpu.memory_space<hbm>>
      %dma_wait3A_20 = tpu.memref_squeeze %dma_wait3A_19 : memref<1x80x125xi32, #tpu.memory_space<hbm>> -> memref<80x125xi32, #tpu.memory_space<hbm>>
      %dma_wait3A_21 = arith.constant 0 : i32
      %dma_wait3A_22 = arith.constant 0 : i32
      %dma_wait3A_23 = tpu.memref_slice %arg4[%arg1, %dma_wait3A_21, %dma_wait3A_22] : memref<16x80x125xi32, #tpu.memory_space<hbm>> -> memref<1x80x125xi32, #tpu.memory_space<hbm>>
      %dma_wait3A_24 = tpu.memref_squeeze %dma_wait3A_23 : memref<1x80x125xi32, #tpu.memory_space<hbm>> -> memref<80x125xi32, #tpu.memory_space<hbm>>
      tpu.wait_dma2 semaphore(%run_scoped3A : memref<!tpu.dma_semaphore, #tpu.memory_space<semaphore_mem>>) src(%dma_wait3A_24 : memref<80x125xi32, #tpu.memory_space<hbm>>) dst(%arg8 : memref<80x125xi32, #tpu.memory_space<vmem>>)
      tpu.yield
    }) : () -> ()
    %barrier3A = arith.constant 0 : index
    tpu.barrier barrier_id(%barrier3A)
    %scan3A = arith.constant 0 : i32
    %scan3A_1 = arith.constant 0 : i32
    %scan3A_2 = arith.constant 80 : i32
    %scan3A_3 = arith.addi %scan3A_1, %scan3A_2 : i32
    %scan3A_4 = arith.constant 1 : i32
    scf.for %scan3A_11 = %scan3A_1 to %scan3A_3 step %scan3A_4  : i32 {
      "tpu.region"() ({
        %run_scoped3A = tpu.sem_alloc : memref<!tpu.dma_semaphore, #tpu.memory_space<semaphore_mem>>
        %dma_start3A = arith.constant 0 : i32
        %dma_start3A_12 = tpu.memref_slice %arg7[%scan3A_11, %dma_start3A] : memref<80x125xi32, #tpu.memory_space<vmem>> -> memref<1x125xi32, #tpu.memory_space<vmem>>
        %dma_start3A_13 = tpu.memref_squeeze %dma_start3A_12 : memref<1x125xi32, #tpu.memory_space<vmem>> -> memref<125xi32, #tpu.memory_space<vmem>>
        %dma_start3A_14 = arith.constant 0 : i32
        %dma_start3A_15 = arith.constant 0 : i32
        %dma_start3A_16 = tpu.memref_slice %arg2[%dma_start3A_14, %dma_start3A_15] : memref<20000x128xf32, #tpu.memory_space<hbm>> -> memref<20000x128xf32, #tpu.memory_space<hbm>>
        tpu.enqueue_indirect_dma source(%dma_start3A_16 : memref<20000x128xf32, #tpu.memory_space<hbm>>) target(%arg9 : memref<125x128xf32, #tpu.memory_space<vmem>>) offsets(%dma_start3A_13 : memref<125xi32, #tpu.memory_space<vmem>>) semaphore(%run_scoped3A : memref<!tpu.dma_semaphore, #tpu.memory_space<semaphore_mem>>)
        %dma_wait3A = arith.constant 0 : i32
        %dma_wait3A_17 = tpu.memref_slice %arg7[%scan3A_11, %dma_wait3A] : memref<80x125xi32, #tpu.memory_space<vmem>> -> memref<1x125xi32, #tpu.memory_space<vmem>>
        %dma_wait3A_18 = tpu.memref_squeeze %dma_wait3A_17 : memref<1x125xi32, #tpu.memory_space<vmem>> -> memref<125xi32, #tpu.memory_space<vmem>>
        %dma_wait3A_19 = arith.constant 0 : i32
        %dma_wait3A_20 = arith.constant 0 : i32
        %dma_wait3A_21 = tpu.memref_slice %arg2[%dma_wait3A_19, %dma_wait3A_20] : memref<20000x128xf32, #tpu.memory_space<hbm>> -> memref<20000x128xf32, #tpu.memory_space<hbm>>
        tpu.wait_indirect_dma semaphore(%run_scoped3A : memref<!tpu.dma_semaphore, #tpu.memory_space<semaphore_mem>>) src(%dma_wait3A_21 : memref<20000x128xf32, #tpu.memory_space<hbm>>) dst(%arg9 : memref<125x128xf32, #tpu.memory_space<vmem>>)
        tpu.yield
      }) : () -> ()
      "tpu.region"() ({
        %run_scoped3A = tpu.sem_alloc : memref<!tpu.dma_semaphore, #tpu.memory_space<semaphore_mem>>
        %dma_start3A = arith.constant 0 : i32
        %dma_start3A_12 = tpu.memref_slice %arg8[%scan3A_11, %dma_start3A] : memref<80x125xi32, #tpu.memory_space<vmem>> -> memref<1x125xi32, #tpu.memory_space<vmem>>
        %dma_start3A_13 = tpu.memref_squeeze %dma_start3A_12 : memref<1x125xi32, #tpu.memory_space<vmem>> -> memref<125xi32, #tpu.memory_space<vmem>>
        %dma_start3A_14 = arith.constant 0 : i32
        %dma_start3A_15 = arith.constant 0 : i32
        %dma_start3A_16 = tpu.memref_slice %arg10[%dma_start3A_14, %dma_start3A_15] : memref<10240x128xf32, #tpu.memory_space<vmem_shared>> -> memref<10240x128xf32, #tpu.memory_space<vmem_shared>>
        tpu.enqueue_indirect_dma source(%arg9 : memref<125x128xf32, #tpu.memory_space<vmem>>) target(%dma_start3A_16 : memref<10240x128xf32, #tpu.memory_space<vmem_shared>>) offsets(%dma_start3A_13 : memref<125xi32, #tpu.memory_space<vmem>>) semaphore(%run_scoped3A : memref<!tpu.dma_semaphore, #tpu.memory_space<semaphore_mem>>) {add = true}
        %dma_wait3A = arith.constant 0 : i32
        %dma_wait3A_17 = tpu.memref_slice %arg8[%scan3A_11, %dma_wait3A] : memref<80x125xi32, #tpu.memory_space<vmem>> -> memref<1x125xi32, #tpu.memory_space<vmem>>
        %dma_wait3A_18 = tpu.memref_squeeze %dma_wait3A_17 : memref<1x125xi32, #tpu.memory_space<vmem>> -> memref<125xi32, #tpu.memory_space<vmem>>
        %dma_wait3A_19 = arith.constant 0 : i32
        %dma_wait3A_20 = arith.constant 0 : i32
        %dma_wait3A_21 = tpu.memref_slice %arg10[%dma_wait3A_19, %dma_wait3A_20] : memref<10240x128xf32, #tpu.memory_space<vmem_shared>> -> memref<10240x128xf32, #tpu.memory_space<vmem_shared>>
        tpu.wait_indirect_dma semaphore(%run_scoped3A : memref<!tpu.dma_semaphore, #tpu.memory_space<semaphore_mem>>) src(%arg9 : memref<125x128xf32, #tpu.memory_space<vmem>>) dst(%dma_wait3A_21 : memref<10240x128xf32, #tpu.memory_space<vmem_shared>>)
        tpu.yield
      }) : () -> ()
    }
    %scan3A_5 = arith.constant 80 : i32
    %barrier3A_6 = arith.constant 0 : index
    tpu.barrier barrier_id(%barrier3A_6)
    %mul3A_7 = arith.constant 640 : i32
    %mul3A_8 = arith.muli %arg1, %mul3A_7 : i32
    %mul3A_9 = arith.constant 640 : i32
    %mul3A_10 = arith.muli %arg1, %mul3A_9 : i32
    "tpu.region"() ({
      %run_scoped3A = tpu.sem_alloc : memref<!tpu.dma_semaphore, #tpu.memory_space<semaphore_mem>>
      %dma_start3A = arith.constant 0 : i32
      %dma_start3A_11 = tpu.memref_slice %arg6[%arg0, %mul3A_10, %dma_start3A] : memref<2x10240x128xf32, #tpu.memory_space<hbm>> -> memref<1x640x128xf32, #tpu.memory_space<hbm>>
      %dma_start3A_12 = tpu.memref_squeeze %dma_start3A_11 : memref<1x640x128xf32, #tpu.memory_space<hbm>> -> memref<640x128xf32, #tpu.memory_space<hbm>>
      %dma_start3A_13 = arith.constant 0 : i32
      %dma_start3A_14 = tpu.memref_slice %arg10[%mul3A_8, %dma_start3A_13] : memref<10240x128xf32, #tpu.memory_space<vmem_shared>> -> memref<640x128xf32, #tpu.memory_space<vmem_shared>>
      tpu.enqueue_dma source(%dma_start3A_14 : memref<640x128xf32, #tpu.memory_space<vmem_shared>>) target(%dma_start3A_12 : memref<640x128xf32, #tpu.memory_space<hbm>>) target_semaphore(%run_scoped3A : memref<!tpu.dma_semaphore, #tpu.memory_space<semaphore_mem>>)
      %dma_wait3A = arith.constant 0 : i32
      %dma_wait3A_15 = tpu.memref_slice %arg6[%arg0, %mul3A_10, %dma_wait3A] : memref<2x10240x128xf32, #tpu.memory_space<hbm>> -> memref<1x640x128xf32, #tpu.memory_space<hbm>>
      %dma_wait3A_16 = tpu.memref_squeeze %dma_wait3A_15 : memref<1x640x128xf32, #tpu.memory_space<hbm>> -> memref<640x128xf32, #tpu.memory_space<hbm>>
      %dma_wait3A_17 = arith.constant 0 : i32
      %dma_wait3A_18 = tpu.memref_slice %arg10[%mul3A_8, %dma_wait3A_17] : memref<10240x128xf32, #tpu.memory_space<vmem_shared>> -> memref<640x128xf32, #tpu.memory_space<vmem_shared>>
      tpu.wait_dma2 semaphore(%run_scoped3A : memref<!tpu.dma_semaphore, #tpu.memory_space<semaphore_mem>>) src(%dma_wait3A_18 : memref<640x128xf32, #tpu.memory_space<vmem_shared>>) dst(%dma_wait3A_16 : memref<640x128xf32, #tpu.memory_space<hbm>>)
      tpu.yield
    }) : () -> ()
    return
  }
}

#map = affine_map<(d0, d1) -> (0, 0)>
#map1 = affine_map<(d0, d1) -> (0, 0, 0, 0)>
#map2 = affine_map<(d0, d1) -> (0, 0, 0)>
module attributes {stable_mosaic.version = 14 : i64} {
  func.func @body(%arg0: i32, %arg1: i32, %arg2: memref<20000x128xf32, #tpu.memory_space<hbm>>, %arg3: memref<2x16x80x125xi32, #tpu.memory_space<hbm>>, %arg4: memref<16x80x125xi32, #tpu.memory_space<hbm>>, %arg5: memref<640x128xf32, #tpu.memory_space<hbm>>, %arg6: memref<2x10240x128xf32, #tpu.memory_space<hbm>>, %arg7: memref<80x125xi32, #tpu.memory_space<vmem>>, %arg8: memref<80x125xi32, #tpu.memory_space<vmem>>, %arg9: memref<125x128xf32, #tpu.memory_space<vmem>>, %arg10: memref<10240x128xf32, #tpu.memory_space<vmem_shared>>) attributes {dimension_semantics = [#tpu.dimension_semantics<core_parallel>, #tpu.dimension_semantics<subcore_parallel>], iteration_bounds = array<i64: 2, 16>, scalar_prefetch = 0 : i64, scratch_operands = 4 : i64, tpu.core_type = #tpu.core_type<sc_vector_subcore>, window_params = [{transform_indices = #map}, {transform_indices = #map1}, {transform_indices = #map2}, {transform_indices = #map}, {transform_indices = #map2}]} {
    %mul3A = arith.constant 640 : i32
    %mul3A_0 = arith.muli %arg1, %mul3A : i32
    "tpu.region"() ({
      %run_scoped3A = tpu.sem_alloc : memref<!tpu.dma_semaphore, #tpu.memory_space<semaphore_mem>>
      %dma_start3A = arith.constant 0 : i32
      %dma_start3A_11 = tpu.memref_slice %arg10[%mul3A_0, %dma_start3A] : memref<10240x128xf32, #tpu.memory_space<vmem_shared>> -> memref<640x128xf32, #tpu.memory_space<vmem_shared>>
      tpu.enqueue_dma source(%arg5 : memref<640x128xf32, #tpu.memory_space<hbm>>) target(%dma_start3A_11 : memref<640x128xf32, #tpu.memory_space<vmem_shared>>) target_semaphore(%run_scoped3A : memref<!tpu.dma_semaphore, #tpu.memory_space<semaphore_mem>>)
      %dma_wait3A = arith.constant 0 : i32
      %dma_wait3A_12 = tpu.memref_slice %arg10[%mul3A_0, %dma_wait3A] : memref<10240x128xf32, #tpu.memory_space<vmem_shared>> -> memref<640x128xf32, #tpu.memory_space<vmem_shared>>
      tpu.wait_dma2 semaphore(%run_scoped3A : memref<!tpu.dma_semaphore, #tpu.memory_space<semaphore_mem>>) src(%arg5 : memref<640x128xf32, #tpu.memory_space<hbm>>) dst(%dma_wait3A_12 : memref<640x128xf32, #tpu.memory_space<vmem_shared>>)
      tpu.yield
    }) : () -> ()
    "tpu.region"() ({
      %run_scoped3A = tpu.sem_alloc : memref<!tpu.dma_semaphore, #tpu.memory_space<semaphore_mem>>
      %dma_start3A = arith.constant 0 : i32
      %dma_start3A_11 = arith.constant 0 : i32
      %dma_start3A_12 = tpu.memref_slice %arg3[%arg0, %arg1, %dma_start3A, %dma_start3A_11] : memref<2x16x80x125xi32, #tpu.memory_space<hbm>> -> memref<1x1x80x125xi32, #tpu.memory_space<hbm>>
      %dma_start3A_13 = tpu.memref_squeeze %dma_start3A_12 : memref<1x1x80x125xi32, #tpu.memory_space<hbm>> -> memref<80x125xi32, #tpu.memory_space<hbm>>
      %dma_start3A_14 = arith.constant 0 : i32
      %dma_start3A_15 = arith.constant 0 : i32
      %dma_start3A_16 = tpu.memref_slice %arg3[%arg0, %arg1, %dma_start3A_14, %dma_start3A_15] : memref<2x16x80x125xi32, #tpu.memory_space<hbm>> -> memref<1x1x80x125xi32, #tpu.memory_space<hbm>>
      %dma_start3A_17 = tpu.memref_squeeze %dma_start3A_16 : memref<1x1x80x125xi32, #tpu.memory_space<hbm>> -> memref<80x125xi32, #tpu.memory_space<hbm>>
      tpu.enqueue_dma source(%dma_start3A_17 : memref<80x125xi32, #tpu.memory_space<hbm>>) target(%arg7 : memref<80x125xi32, #tpu.memory_space<vmem>>) target_semaphore(%run_scoped3A : memref<!tpu.dma_semaphore, #tpu.memory_space<semaphore_mem>>)
      %dma_wait3A = arith.constant 0 : i32
      %dma_wait3A_18 = arith.constant 0 : i32
      %dma_wait3A_19 = tpu.memref_slice %arg3[%arg0, %arg1, %dma_wait3A, %dma_wait3A_18] : memref<2x16x80x125xi32, #tpu.memory_space<hbm>> -> memref<1x1x80x125xi32, #tpu.memory_space<hbm>>
      %dma_wait3A_20 = tpu.memref_squeeze %dma_wait3A_19 : memref<1x1x80x125xi32, #tpu.memory_space<hbm>> -> memref<80x125xi32, #tpu.memory_space<hbm>>
      %dma_wait3A_21 = arith.constant 0 : i32
      %dma_wait3A_22 = arith.constant 0 : i32
      %dma_wait3A_23 = tpu.memref_slice %arg3[%arg0, %arg1, %dma_wait3A_21, %dma_wait3A_22] : memref<2x16x80x125xi32, #tpu.memory_space<hbm>> -> memref<1x1x80x125xi32, #tpu.memory_space<hbm>>
      %dma_wait3A_24 = tpu.memref_squeeze %dma_wait3A_23 : memref<1x1x80x125xi32, #tpu.memory_space<hbm>> -> memref<80x125xi32, #tpu.memory_space<hbm>>
      tpu.wait_dma2 semaphore(%run_scoped3A : memref<!tpu.dma_semaphore, #tpu.memory_space<semaphore_mem>>) src(%dma_wait3A_24 : memref<80x125xi32, #tpu.memory_space<hbm>>) dst(%arg7 : memref<80x125xi32, #tpu.memory_space<vmem>>)
      tpu.yield
    }) : () -> ()
    "tpu.region"() ({
      %run_scoped3A = tpu.sem_alloc : memref<!tpu.dma_semaphore, #tpu.memory_space<semaphore_mem>>
      %dma_start3A = arith.constant 0 : i32
      %dma_start3A_11 = arith.constant 0 : i32
      %dma_start3A_12 = tpu.memref_slice %arg4[%arg1, %dma_start3A, %dma_start3A_11] : memref<16x80x125xi32, #tpu.memory_space<hbm>> -> memref<1x80x125xi32, #tpu.memory_space<hbm>>
      %dma_start3A_13 = tpu.memref_squeeze %dma_start3A_12 : memref<1x80x125xi32, #tpu.memory_space<hbm>> -> memref<80x125xi32, #tpu.memory_space<hbm>>
      %dma_start3A_14 = arith.constant 0 : i32
      %dma_start3A_15 = arith.constant 0 : i32
      %dma_start3A_16 = tpu.memref_slice %arg4[%arg1, %dma_start3A_14, %dma_start3A_15] : memref<16x80x125xi32, #tpu.memory_space<hbm>> -> memref<1x80x125xi32, #tpu.memory_space<hbm>>
      %dma_start3A_17 = tpu.memref_squeeze %dma_start3A_16 : memref<1x80x125xi32, #tpu.memory_space<hbm>> -> memref<80x125xi32, #tpu.memory_space<hbm>>
      tpu.enqueue_dma source(%dma_start3A_17 : memref<80x125xi32, #tpu.memory_space<hbm>>) target(%arg8 : memref<80x125xi32, #tpu.memory_space<vmem>>) target_semaphore(%run_scoped3A : memref<!tpu.dma_semaphore, #tpu.memory_space<semaphore_mem>>)
      %dma_wait3A = arith.constant 0 : i32
      %dma_wait3A_18 = arith.constant 0 : i32
      %dma_wait3A_19 = tpu.memref_slice %arg4[%arg1, %dma_wait3A, %dma_wait3A_18] : memref<16x80x125xi32, #tpu.memory_space<hbm>> -> memref<1x80x125xi32, #tpu.memory_space<hbm>>
      %dma_wait3A_20 = tpu.memref_squeeze %dma_wait3A_19 : memref<1x80x125xi32, #tpu.memory_space<hbm>> -> memref<80x125xi32, #tpu.memory_space<hbm>>
      %dma_wait3A_21 = arith.constant 0 : i32
      %dma_wait3A_22 = arith.constant 0 : i32
      %dma_wait3A_23 = tpu.memref_slice %arg4[%arg1, %dma_wait3A_21, %dma_wait3A_22] : memref<16x80x125xi32, #tpu.memory_space<hbm>> -> memref<1x80x125xi32, #tpu.memory_space<hbm>>
      %dma_wait3A_24 = tpu.memref_squeeze %dma_wait3A_23 : memref<1x80x125xi32, #tpu.memory_space<hbm>> -> memref<80x125xi32, #tpu.memory_space<hbm>>
      tpu.wait_dma2 semaphore(%run_scoped3A : memref<!tpu.dma_semaphore, #tpu.memory_space<semaphore_mem>>) src(%dma_wait3A_24 : memref<80x125xi32, #tpu.memory_space<hbm>>) dst(%arg8 : memref<80x125xi32, #tpu.memory_space<vmem>>)
      tpu.yield
    }) : () -> ()
    %barrier3A = arith.constant 0 : index
    tpu.barrier barrier_id(%barrier3A)
    %scan3A = arith.constant 0 : i32
    %scan3A_1 = arith.constant 0 : i32
    %scan3A_2 = arith.constant 80 : i32
    %scan3A_3 = arith.addi %scan3A_1, %scan3A_2 : i32
    %scan3A_4 = arith.constant 1 : i32
    scf.for %scan3A_11 = %scan3A_1 to %scan3A_3 step %scan3A_4  : i32 {
      "tpu.region"() ({
        %run_scoped3A = tpu.sem_alloc : memref<!tpu.dma_semaphore, #tpu.memory_space<semaphore_mem>>
        %dma_start3A = arith.constant 0 : i32
        %dma_start3A_12 = tpu.memref_slice %arg7[%scan3A_11, %dma_start3A] : memref<80x125xi32, #tpu.memory_space<vmem>> -> memref<1x125xi32, #tpu.memory_space<vmem>>
        %dma_start3A_13 = tpu.memref_squeeze %dma_start3A_12 : memref<1x125xi32, #tpu.memory_space<vmem>> -> memref<125xi32, #tpu.memory_space<vmem>>
        %dma_start3A_14 = arith.constant 0 : i32
        %dma_start3A_15 = arith.constant 0 : i32
        %dma_start3A_16 = tpu.memref_slice %arg2[%dma_start3A_14, %dma_start3A_15] : memref<20000x128xf32, #tpu.memory_space<hbm>> -> memref<20000x128xf32, #tpu.memory_space<hbm>>
        tpu.enqueue_indirect_dma source(%dma_start3A_16 : memref<20000x128xf32, #tpu.memory_space<hbm>>) target(%arg9 : memref<125x128xf32, #tpu.memory_space<vmem>>) offsets(%dma_start3A_13 : memref<125xi32, #tpu.memory_space<vmem>>) semaphore(%run_scoped3A : memref<!tpu.dma_semaphore, #tpu.memory_space<semaphore_mem>>)
        %dma_wait3A = arith.constant 0 : i32
        %dma_wait3A_17 = tpu.memref_slice %arg7[%scan3A_11, %dma_wait3A] : memref<80x125xi32, #tpu.memory_space<vmem>> -> memref<1x125xi32, #tpu.memory_space<vmem>>
        %dma_wait3A_18 = tpu.memref_squeeze %dma_wait3A_17 : memref<1x125xi32, #tpu.memory_space<vmem>> -> memref<125xi32, #tpu.memory_space<vmem>>
        %dma_wait3A_19 = arith.constant 0 : i32
        %dma_wait3A_20 = arith.constant 0 : i32
        %dma_wait3A_21 = tpu.memref_slice %arg2[%dma_wait3A_19, %dma_wait3A_20] : memref<20000x128xf32, #tpu.memory_space<hbm>> -> memref<20000x128xf32, #tpu.memory_space<hbm>>
        tpu.wait_indirect_dma semaphore(%run_scoped3A : memref<!tpu.dma_semaphore, #tpu.memory_space<semaphore_mem>>) src(%dma_wait3A_21 : memref<20000x128xf32, #tpu.memory_space<hbm>>) dst(%arg9 : memref<125x128xf32, #tpu.memory_space<vmem>>)
        tpu.yield
      }) : () -> ()
      "tpu.region"() ({
        %run_scoped3A = tpu.sem_alloc : memref<!tpu.dma_semaphore, #tpu.memory_space<semaphore_mem>>
        %dma_start3A = arith.constant 0 : i32
        %dma_start3A_12 = tpu.memref_slice %arg8[%scan3A_11, %dma_start3A] : memref<80x125xi32, #tpu.memory_space<vmem>> -> memref<1x125xi32, #tpu.memory_space<vmem>>
        %dma_start3A_13 = tpu.memref_squeeze %dma_start3A_12 : memref<1x125xi32, #tpu.memory_space<vmem>> -> memref<125xi32, #tpu.memory_space<vmem>>
        %dma_start3A_14 = arith.constant 0 : i32
        %dma_start3A_15 = arith.constant 0 : i32
        %dma_start3A_16 = tpu.memref_slice %arg10[%dma_start3A_14, %dma_start3A_15] : memref<10240x128xf32, #tpu.memory_space<vmem_shared>> -> memref<10240x128xf32, #tpu.memory_space<vmem_shared>>
        tpu.enqueue_indirect_dma source(%arg9 : memref<125x128xf32, #tpu.memory_space<vmem>>) target(%dma_start3A_16 : memref<10240x128xf32, #tpu.memory_space<vmem_shared>>) offsets(%dma_start3A_13 : memref<125xi32, #tpu.memory_space<vmem>>) semaphore(%run_scoped3A : memref<!tpu.dma_semaphore, #tpu.memory_space<semaphore_mem>>) {add = true}
        %dma_wait3A = arith.constant 0 : i32
        %dma_wait3A_17 = tpu.memref_slice %arg8[%scan3A_11, %dma_wait3A] : memref<80x125xi32, #tpu.memory_space<vmem>> -> memref<1x125xi32, #tpu.memory_space<vmem>>
        %dma_wait3A_18 = tpu.memref_squeeze %dma_wait3A_17 : memref<1x125xi32, #tpu.memory_space<vmem>> -> memref<125xi32, #tpu.memory_space<vmem>>
        %dma_wait3A_19 = arith.constant 0 : i32
        %dma_wait3A_20 = arith.constant 0 : i32
        %dma_wait3A_21 = tpu.memref_slice %arg10[%dma_wait3A_19, %dma_wait3A_20] : memref<10240x128xf32, #tpu.memory_space<vmem_shared>> -> memref<10240x128xf32, #tpu.memory_space<vmem_shared>>
        tpu.wait_indirect_dma semaphore(%run_scoped3A : memref<!tpu.dma_semaphore, #tpu.memory_space<semaphore_mem>>) src(%arg9 : memref<125x128xf32, #tpu.memory_space<vmem>>) dst(%dma_wait3A_21 : memref<10240x128xf32, #tpu.memory_space<vmem_shared>>)
        tpu.yield
      }) : () -> ()
    }
    %scan3A_5 = arith.constant 80 : i32
    %barrier3A_6 = arith.constant 0 : index
    tpu.barrier barrier_id(%barrier3A_6)
    %mul3A_7 = arith.constant 640 : i32
    %mul3A_8 = arith.muli %arg1, %mul3A_7 : i32
    %mul3A_9 = arith.constant 640 : i32
    %mul3A_10 = arith.muli %arg1, %mul3A_9 : i32
    "tpu.region"() ({
      %run_scoped3A = tpu.sem_alloc : memref<!tpu.dma_semaphore, #tpu.memory_space<semaphore_mem>>
      %dma_start3A = arith.constant 0 : i32
      %dma_start3A_11 = tpu.memref_slice %arg6[%arg0, %mul3A_10, %dma_start3A] : memref<2x10240x128xf32, #tpu.memory_space<hbm>> -> memref<1x640x128xf32, #tpu.memory_space<hbm>>
      %dma_start3A_12 = tpu.memref_squeeze %dma_start3A_11 : memref<1x640x128xf32, #tpu.memory_space<hbm>> -> memref<640x128xf32, #tpu.memory_space<hbm>>
      %dma_start3A_13 = arith.constant 0 : i32
      %dma_start3A_14 = tpu.memref_slice %arg10[%mul3A_8, %dma_start3A_13] : memref<10240x128xf32, #tpu.memory_space<vmem_shared>> -> memref<640x128xf32, #tpu.memory_space<vmem_shared>>
      tpu.enqueue_dma source(%dma_start3A_14 : memref<640x128xf32, #tpu.memory_space<vmem_shared>>) target(%dma_start3A_12 : memref<640x128xf32, #tpu.memory_space<hbm>>) target_semaphore(%run_scoped3A : memref<!tpu.dma_semaphore, #tpu.memory_space<semaphore_mem>>)
      %dma_wait3A = arith.constant 0 : i32
      %dma_wait3A_15 = tpu.memref_slice %arg6[%arg0, %mul3A_10, %dma_wait3A] : memref<2x10240x128xf32, #tpu.memory_space<hbm>> -> memref<1x640x128xf32, #tpu.memory_space<hbm>>
      %dma_wait3A_16 = tpu.memref_squeeze %dma_wait3A_15 : memref<1x640x128xf32, #tpu.memory_space<hbm>> -> memref<640x128xf32, #tpu.memory_space<hbm>>
      %dma_wait3A_17 = arith.constant 0 : i32
      %dma_wait3A_18 = tpu.memref_slice %arg10[%mul3A_8, %dma_wait3A_17] : memref<10240x128xf32, #tpu.memory_space<vmem_shared>> -> memref<640x128xf32, #tpu.memory_space<vmem_shared>>
      tpu.wait_dma2 semaphore(%run_scoped3A : memref<!tpu.dma_semaphore, #tpu.memory_space<semaphore_mem>>) src(%dma_wait3A_18 : memref<640x128xf32, #tpu.memory_space<vmem_shared>>) dst(%dma_wait3A_16 : memref<640x128xf32, #tpu.memory_space<hbm>>)
      tpu.yield
    }) : () -> ()
    return
  }
}

#map = affine_map<(d0, d1) -> (0, 0)>
#map1 = affine_map<(d0, d1) -> (0, 0, 0, 0)>
#map2 = affine_map<(d0, d1) -> (0, 0, 0)>
module attributes {stable_mosaic.version = 14 : i64} {
  func.func @body(%arg0: i32, %arg1: i32, %arg2: memref<20000x128xf32, #tpu.memory_space<hbm>>, %arg3: memref<2x16x80x125xi32, #tpu.memory_space<hbm>>, %arg4: memref<16x80x125xi32, #tpu.memory_space<hbm>>, %arg5: memref<640x128xf32, #tpu.memory_space<hbm>>, %arg6: memref<2x10240x128xf32, #tpu.memory_space<hbm>>, %arg7: memref<80x125xi32, #tpu.memory_space<vmem>>, %arg8: memref<80x125xi32, #tpu.memory_space<vmem>>, %arg9: memref<125x128xf32, #tpu.memory_space<vmem>>, %arg10: memref<10240x128xf32, #tpu.memory_space<vmem_shared>>) attributes {dimension_semantics = [#tpu.dimension_semantics<core_parallel>, #tpu.dimension_semantics<subcore_parallel>], iteration_bounds = array<i64: 2, 16>, scalar_prefetch = 0 : i64, scratch_operands = 4 : i64, tpu.core_type = #tpu.core_type<sc_vector_subcore>, window_params = [{transform_indices = #map}, {transform_indices = #map1}, {transform_indices = #map2}, {transform_indices = #map}, {transform_indices = #map2}]} {
    %mul3A = arith.constant 640 : i32
    %mul3A_0 = arith.muli %arg1, %mul3A : i32
    "tpu.region"() ({
      %run_scoped3A = tpu.sem_alloc : memref<!tpu.dma_semaphore, #tpu.memory_space<semaphore_mem>>
      %dma_start3A = arith.constant 0 : i32
      %dma_start3A_11 = tpu.memref_slice %arg10[%mul3A_0, %dma_start3A] : memref<10240x128xf32, #tpu.memory_space<vmem_shared>> -> memref<640x128xf32, #tpu.memory_space<vmem_shared>>
      tpu.enqueue_dma source(%arg5 : memref<640x128xf32, #tpu.memory_space<hbm>>) target(%dma_start3A_11 : memref<640x128xf32, #tpu.memory_space<vmem_shared>>) target_semaphore(%run_scoped3A : memref<!tpu.dma_semaphore, #tpu.memory_space<semaphore_mem>>)
      %dma_wait3A = arith.constant 0 : i32
      %dma_wait3A_12 = tpu.memref_slice %arg10[%mul3A_0, %dma_wait3A] : memref<10240x128xf32, #tpu.memory_space<vmem_shared>> -> memref<640x128xf32, #tpu.memory_space<vmem_shared>>
      tpu.wait_dma2 semaphore(%run_scoped3A : memref<!tpu.dma_semaphore, #tpu.memory_space<semaphore_mem>>) src(%arg5 : memref<640x128xf32, #tpu.memory_space<hbm>>) dst(%dma_wait3A_12 : memref<640x128xf32, #tpu.memory_space<vmem_shared>>)
      tpu.yield
    }) : () -> ()
    "tpu.region"() ({
      %run_scoped3A = tpu.sem_alloc : memref<!tpu.dma_semaphore, #tpu.memory_space<semaphore_mem>>
      %dma_start3A = arith.constant 0 : i32
      %dma_start3A_11 = arith.constant 0 : i32
      %dma_start3A_12 = tpu.memref_slice %arg3[%arg0, %arg1, %dma_start3A, %dma_start3A_11] : memref<2x16x80x125xi32, #tpu.memory_space<hbm>> -> memref<1x1x80x125xi32, #tpu.memory_space<hbm>>
      %dma_start3A_13 = tpu.memref_squeeze %dma_start3A_12 : memref<1x1x80x125xi32, #tpu.memory_space<hbm>> -> memref<80x125xi32, #tpu.memory_space<hbm>>
      %dma_start3A_14 = arith.constant 0 : i32
      %dma_start3A_15 = arith.constant 0 : i32
      %dma_start3A_16 = tpu.memref_slice %arg3[%arg0, %arg1, %dma_start3A_14, %dma_start3A_15] : memref<2x16x80x125xi32, #tpu.memory_space<hbm>> -> memref<1x1x80x125xi32, #tpu.memory_space<hbm>>
      %dma_start3A_17 = tpu.memref_squeeze %dma_start3A_16 : memref<1x1x80x125xi32, #tpu.memory_space<hbm>> -> memref<80x125xi32, #tpu.memory_space<hbm>>
      tpu.enqueue_dma source(%dma_start3A_17 : memref<80x125xi32, #tpu.memory_space<hbm>>) target(%arg7 : memref<80x125xi32, #tpu.memory_space<vmem>>) target_semaphore(%run_scoped3A : memref<!tpu.dma_semaphore, #tpu.memory_space<semaphore_mem>>)
      %dma_wait3A = arith.constant 0 : i32
      %dma_wait3A_18 = arith.constant 0 : i32
      %dma_wait3A_19 = tpu.memref_slice %arg3[%arg0, %arg1, %dma_wait3A, %dma_wait3A_18] : memref<2x16x80x125xi32, #tpu.memory_space<hbm>> -> memref<1x1x80x125xi32, #tpu.memory_space<hbm>>
      %dma_wait3A_20 = tpu.memref_squeeze %dma_wait3A_19 : memref<1x1x80x125xi32, #tpu.memory_space<hbm>> -> memref<80x125xi32, #tpu.memory_space<hbm>>
      %dma_wait3A_21 = arith.constant 0 : i32
      %dma_wait3A_22 = arith.constant 0 : i32
      %dma_wait3A_23 = tpu.memref_slice %arg3[%arg0, %arg1, %dma_wait3A_21, %dma_wait3A_22] : memref<2x16x80x125xi32, #tpu.memory_space<hbm>> -> memref<1x1x80x125xi32, #tpu.memory_space<hbm>>
      %dma_wait3A_24 = tpu.memref_squeeze %dma_wait3A_23 : memref<1x1x80x125xi32, #tpu.memory_space<hbm>> -> memref<80x125xi32, #tpu.memory_space<hbm>>
      tpu.wait_dma2 semaphore(%run_scoped3A : memref<!tpu.dma_semaphore, #tpu.memory_space<semaphore_mem>>) src(%dma_wait3A_24 : memref<80x125xi32, #tpu.memory_space<hbm>>) dst(%arg7 : memref<80x125xi32, #tpu.memory_space<vmem>>)
      tpu.yield
    }) : () -> ()
    "tpu.region"() ({
      %run_scoped3A = tpu.sem_alloc : memref<!tpu.dma_semaphore, #tpu.memory_space<semaphore_mem>>
      %dma_start3A = arith.constant 0 : i32
      %dma_start3A_11 = arith.constant 0 : i32
      %dma_start3A_12 = tpu.memref_slice %arg4[%arg1, %dma_start3A, %dma_start3A_11] : memref<16x80x125xi32, #tpu.memory_space<hbm>> -> memref<1x80x125xi32, #tpu.memory_space<hbm>>
      %dma_start3A_13 = tpu.memref_squeeze %dma_start3A_12 : memref<1x80x125xi32, #tpu.memory_space<hbm>> -> memref<80x125xi32, #tpu.memory_space<hbm>>
      %dma_start3A_14 = arith.constant 0 : i32
      %dma_start3A_15 = arith.constant 0 : i32
      %dma_start3A_16 = tpu.memref_slice %arg4[%arg1, %dma_start3A_14, %dma_start3A_15] : memref<16x80x125xi32, #tpu.memory_space<hbm>> -> memref<1x80x125xi32, #tpu.memory_space<hbm>>
      %dma_start3A_17 = tpu.memref_squeeze %dma_start3A_16 : memref<1x80x125xi32, #tpu.memory_space<hbm>> -> memref<80x125xi32, #tpu.memory_space<hbm>>
      tpu.enqueue_dma source(%dma_start3A_17 : memref<80x125xi32, #tpu.memory_space<hbm>>) target(%arg8 : memref<80x125xi32, #tpu.memory_space<vmem>>) target_semaphore(%run_scoped3A : memref<!tpu.dma_semaphore, #tpu.memory_space<semaphore_mem>>)
      %dma_wait3A = arith.constant 0 : i32
      %dma_wait3A_18 = arith.constant 0 : i32
      %dma_wait3A_19 = tpu.memref_slice %arg4[%arg1, %dma_wait3A, %dma_wait3A_18] : memref<16x80x125xi32, #tpu.memory_space<hbm>> -> memref<1x80x125xi32, #tpu.memory_space<hbm>>
      %dma_wait3A_20 = tpu.memref_squeeze %dma_wait3A_19 : memref<1x80x125xi32, #tpu.memory_space<hbm>> -> memref<80x125xi32, #tpu.memory_space<hbm>>
      %dma_wait3A_21 = arith.constant 0 : i32
      %dma_wait3A_22 = arith.constant 0 : i32
      %dma_wait3A_23 = tpu.memref_slice %arg4[%arg1, %dma_wait3A_21, %dma_wait3A_22] : memref<16x80x125xi32, #tpu.memory_space<hbm>> -> memref<1x80x125xi32, #tpu.memory_space<hbm>>
      %dma_wait3A_24 = tpu.memref_squeeze %dma_wait3A_23 : memref<1x80x125xi32, #tpu.memory_space<hbm>> -> memref<80x125xi32, #tpu.memory_space<hbm>>
      tpu.wait_dma2 semaphore(%run_scoped3A : memref<!tpu.dma_semaphore, #tpu.memory_space<semaphore_mem>>) src(%dma_wait3A_24 : memref<80x125xi32, #tpu.memory_space<hbm>>) dst(%arg8 : memref<80x125xi32, #tpu.memory_space<vmem>>)
      tpu.yield
    }) : () -> ()
    %barrier3A = arith.constant 0 : index
    tpu.barrier barrier_id(%barrier3A)
    %scan3A = arith.constant 0 : i32
    %scan3A_1 = arith.constant 0 : i32
    %scan3A_2 = arith.constant 80 : i32
    %scan3A_3 = arith.addi %scan3A_1, %scan3A_2 : i32
    %scan3A_4 = arith.constant 1 : i32
    scf.for %scan3A_11 = %scan3A_1 to %scan3A_3 step %scan3A_4  : i32 {
      "tpu.region"() ({
        %run_scoped3A = tpu.sem_alloc : memref<!tpu.dma_semaphore, #tpu.memory_space<semaphore_mem>>
        %dma_start3A = arith.constant 0 : i32
        %dma_start3A_12 = tpu.memref_slice %arg7[%scan3A_11, %dma_start3A] : memref<80x125xi32, #tpu.memory_space<vmem>> -> memref<1x125xi32, #tpu.memory_space<vmem>>
        %dma_start3A_13 = tpu.memref_squeeze %dma_start3A_12 : memref<1x125xi32, #tpu.memory_space<vmem>> -> memref<125xi32, #tpu.memory_space<vmem>>
        %dma_start3A_14 = arith.constant 0 : i32
        %dma_start3A_15 = arith.constant 0 : i32
        %dma_start3A_16 = tpu.memref_slice %arg2[%dma_start3A_14, %dma_start3A_15] : memref<20000x128xf32, #tpu.memory_space<hbm>> -> memref<20000x128xf32, #tpu.memory_space<hbm>>
        tpu.enqueue_indirect_dma source(%dma_start3A_16 : memref<20000x128xf32, #tpu.memory_space<hbm>>) target(%arg9 : memref<125x128xf32, #tpu.memory_space<vmem>>) offsets(%dma_start3A_13 : memref<125xi32, #tpu.memory_space<vmem>>) semaphore(%run_scoped3A : memref<!tpu.dma_semaphore, #tpu.memory_space<semaphore_mem>>)
        %dma_wait3A = arith.constant 0 : i32
        %dma_wait3A_17 = tpu.memref_slice %arg7[%scan3A_11, %dma_wait3A] : memref<80x125xi32, #tpu.memory_space<vmem>> -> memref<1x125xi32, #tpu.memory_space<vmem>>
        %dma_wait3A_18 = tpu.memref_squeeze %dma_wait3A_17 : memref<1x125xi32, #tpu.memory_space<vmem>> -> memref<125xi32, #tpu.memory_space<vmem>>
        %dma_wait3A_19 = arith.constant 0 : i32
        %dma_wait3A_20 = arith.constant 0 : i32
        %dma_wait3A_21 = tpu.memref_slice %arg2[%dma_wait3A_19, %dma_wait3A_20] : memref<20000x128xf32, #tpu.memory_space<hbm>> -> memref<20000x128xf32, #tpu.memory_space<hbm>>
        tpu.wait_indirect_dma semaphore(%run_scoped3A : memref<!tpu.dma_semaphore, #tpu.memory_space<semaphore_mem>>) src(%dma_wait3A_21 : memref<20000x128xf32, #tpu.memory_space<hbm>>) dst(%arg9 : memref<125x128xf32, #tpu.memory_space<vmem>>)
        tpu.yield
      }) : () -> ()
      "tpu.region"() ({
        %run_scoped3A = tpu.sem_alloc : memref<!tpu.dma_semaphore, #tpu.memory_space<semaphore_mem>>
        %dma_start3A = arith.constant 0 : i32
        %dma_start3A_12 = tpu.memref_slice %arg8[%scan3A_11, %dma_start3A] : memref<80x125xi32, #tpu.memory_space<vmem>> -> memref<1x125xi32, #tpu.memory_space<vmem>>
        %dma_start3A_13 = tpu.memref_squeeze %dma_start3A_12 : memref<1x125xi32, #tpu.memory_space<vmem>> -> memref<125xi32, #tpu.memory_space<vmem>>
        %dma_start3A_14 = arith.constant 0 : i32
        %dma_start3A_15 = arith.constant 0 : i32
        %dma_start3A_16 = tpu.memref_slice %arg10[%dma_start3A_14, %dma_start3A_15] : memref<10240x128xf32, #tpu.memory_space<vmem_shared>> -> memref<10240x128xf32, #tpu.memory_space<vmem_shared>>
        tpu.enqueue_indirect_dma source(%arg9 : memref<125x128xf32, #tpu.memory_space<vmem>>) target(%dma_start3A_16 : memref<10240x128xf32, #tpu.memory_space<vmem_shared>>) offsets(%dma_start3A_13 : memref<125xi32, #tpu.memory_space<vmem>>) semaphore(%run_scoped3A : memref<!tpu.dma_semaphore, #tpu.memory_space<semaphore_mem>>) {add = true}
        %dma_wait3A = arith.constant 0 : i32
        %dma_wait3A_17 = tpu.memref_slice %arg8[%scan3A_11, %dma_wait3A] : memref<80x125xi32, #tpu.memory_space<vmem>> -> memref<1x125xi32, #tpu.memory_space<vmem>>
        %dma_wait3A_18 = tpu.memref_squeeze %dma_wait3A_17 : memref<1x125xi32, #tpu.memory_space<vmem>> -> memref<125xi32, #tpu.memory_space<vmem>>
        %dma_wait3A_19 = arith.constant 0 : i32
        %dma_wait3A_20 = arith.constant 0 : i32
        %dma_wait3A_21 = tpu.memref_slice %arg10[%dma_wait3A_19, %dma_wait3A_20] : memref<10240x128xf32, #tpu.memory_space<vmem_shared>> -> memref<10240x128xf32, #tpu.memory_space<vmem_shared>>
        tpu.wait_indirect_dma semaphore(%run_scoped3A : memref<!tpu.dma_semaphore, #tpu.memory_space<semaphore_mem>>) src(%arg9 : memref<125x128xf32, #tpu.memory_space<vmem>>) dst(%dma_wait3A_21 : memref<10240x128xf32, #tpu.memory_space<vmem_shared>>)
        tpu.yield
      }) : () -> ()
    }
    %scan3A_5 = arith.constant 80 : i32
    %barrier3A_6 = arith.constant 0 : index
    tpu.barrier barrier_id(%barrier3A_6)
    %mul3A_7 = arith.constant 640 : i32
    %mul3A_8 = arith.muli %arg1, %mul3A_7 : i32
    %mul3A_9 = arith.constant 640 : i32
    %mul3A_10 = arith.muli %arg1, %mul3A_9 : i32
    "tpu.region"() ({
      %run_scoped3A = tpu.sem_alloc : memref<!tpu.dma_semaphore, #tpu.memory_space<semaphore_mem>>
      %dma_start3A = arith.constant 0 : i32
      %dma_start3A_11 = tpu.memref_slice %arg6[%arg0, %mul3A_10, %dma_start3A] : memref<2x10240x128xf32, #tpu.memory_space<hbm>> -> memref<1x640x128xf32, #tpu.memory_space<hbm>>
      %dma_start3A_12 = tpu.memref_squeeze %dma_start3A_11 : memref<1x640x128xf32, #tpu.memory_space<hbm>> -> memref<640x128xf32, #tpu.memory_space<hbm>>
      %dma_start3A_13 = arith.constant 0 : i32
      %dma_start3A_14 = tpu.memref_slice %arg10[%mul3A_8, %dma_start3A_13] : memref<10240x128xf32, #tpu.memory_space<vmem_shared>> -> memref<640x128xf32, #tpu.memory_space<vmem_shared>>
      tpu.enqueue_dma source(%dma_start3A_14 : memref<640x128xf32, #tpu.memory_space<vmem_shared>>) target(%dma_start3A_12 : memref<640x128xf32, #tpu.memory_space<hbm>>) target_semaphore(%run_scoped3A : memref<!tpu.dma_semaphore, #tpu.memory_space<semaphore_mem>>)
      %dma_wait3A = arith.constant 0 : i32
      %dma_wait3A_15 = tpu.memref_slice %arg6[%arg0, %mul3A_10, %dma_wait3A] : memref<2x10240x128xf32, #tpu.memory_space<hbm>> -> memref<1x640x128xf32, #tpu.memory_space<hbm>>
      %dma_wait3A_16 = tpu.memref_squeeze %dma_wait3A_15 : memref<1x640x128xf32, #tpu.memory_space<hbm>> -> memref<640x128xf32, #tpu.memory_space<hbm>>
      %dma_wait3A_17 = arith.constant 0 : i32
      %dma_wait3A_18 = tpu.memref_slice %arg10[%mul3A_8, %dma_wait3A_17] : memref<10240x128xf32, #tpu.memory_space<vmem_shared>> -> memref<640x128xf32, #tpu.memory_space<vmem_shared>>
      tpu.wait_dma2 semaphore(%run_scoped3A : memref<!tpu.dma_semaphore, #tpu.memory_space<semaphore_mem>>) src(%dma_wait3A_18 : memref<640x128xf32, #tpu.memory_space<vmem_shared>>) dst(%dma_wait3A_16 : memref<640x128xf32, #tpu.memory_space<hbm>>)
      tpu.yield
    }) : () -> ()
    return
  }
}

#map = affine_map<(d0, d1) -> (0, 0, 0)>
#map1 = affine_map<(d0, d1) -> (0, 0)>
module attributes {stable_mosaic.version = 14 : i64} {
  func.func @body(%arg0: i32, %arg1: i32, %arg2: memref<16x80x125xi32, #tpu.memory_space<hbm>>, %arg3: memref<640x128xf32, #tpu.memory_space<hbm>>, %arg4: memref<125x128xf32, #tpu.memory_space<hbm>>, %arg5: memref<10240x128xf32, #tpu.memory_space<hbm>>, %arg6: memref<80x125xi32, #tpu.memory_space<vmem>>, %arg7: memref<125x128xf32, #tpu.memory_space<vmem>>, %arg8: memref<10240x128xf32, #tpu.memory_space<vmem_shared>>) attributes {dimension_semantics = [#tpu.dimension_semantics<core_parallel>, #tpu.dimension_semantics<subcore_parallel>], iteration_bounds = array<i64: 2, 16>, scalar_prefetch = 0 : i64, scratch_operands = 3 : i64, tpu.core_type = #tpu.core_type<sc_vector_subcore>, window_params = [{transform_indices = #map}, {transform_indices = #map1}, {transform_indices = #map1}, {transform_indices = #map1}]} {
    %eq3A = arith.constant 0 : i32
    %eq3A_0 = arith.cmpi eq, %arg0, %eq3A : i32
    %convert_element_type3A = arith.extui %eq3A_0 : i1 to i32
    %cond3A = arith.constant 0 : i32
    %cond3A_1 = arith.cmpi ne, %convert_element_type3A, %cond3A : i32
    scf.if %cond3A_1 {
      %mul3A = arith.constant 640 : i32
      %mul3A_13 = arith.muli %arg1, %mul3A : i32
      "tpu.region"() ({
        %run_scoped3A = tpu.sem_alloc : memref<!tpu.dma_semaphore, #tpu.memory_space<semaphore_mem>>
        %dma_start3A = arith.constant 0 : i32
        %dma_start3A_14 = tpu.memref_slice %arg8[%mul3A_13, %dma_start3A] : memref<10240x128xf32, #tpu.memory_space<vmem_shared>> -> memref<640x128xf32, #tpu.memory_space<vmem_shared>>
        tpu.enqueue_dma source(%arg3 : memref<640x128xf32, #tpu.memory_space<hbm>>) target(%dma_start3A_14 : memref<640x128xf32, #tpu.memory_space<vmem_shared>>) target_semaphore(%run_scoped3A : memref<!tpu.dma_semaphore, #tpu.memory_space<semaphore_mem>>)
        %dma_wait3A = arith.constant 0 : i32
        %dma_wait3A_15 = tpu.memref_slice %arg8[%mul3A_13, %dma_wait3A] : memref<10240x128xf32, #tpu.memory_space<vmem_shared>> -> memref<640x128xf32, #tpu.memory_space<vmem_shared>>
        tpu.wait_dma2 semaphore(%run_scoped3A : memref<!tpu.dma_semaphore, #tpu.memory_space<semaphore_mem>>) src(%arg3 : memref<640x128xf32, #tpu.memory_space<hbm>>) dst(%dma_wait3A_15 : memref<640x128xf32, #tpu.memory_space<vmem_shared>>)
        tpu.yield
      }) : () -> ()
      "tpu.region"() ({
        %run_scoped3A = tpu.sem_alloc : memref<!tpu.dma_semaphore, #tpu.memory_space<semaphore_mem>>
        %dma_start3A = arith.constant 0 : i32
        %dma_start3A_14 = arith.constant 0 : i32
        %dma_start3A_15 = tpu.memref_slice %arg2[%arg1, %dma_start3A, %dma_start3A_14] : memref<16x80x125xi32, #tpu.memory_space<hbm>> -> memref<1x80x125xi32, #tpu.memory_space<hbm>>
        %dma_start3A_16 = tpu.memref_squeeze %dma_start3A_15 : memref<1x80x125xi32, #tpu.memory_space<hbm>> -> memref<80x125xi32, #tpu.memory_space<hbm>>
        %dma_start3A_17 = arith.constant 0 : i32
        %dma_start3A_18 = arith.constant 0 : i32
        %dma_start3A_19 = tpu.memref_slice %arg2[%arg1, %dma_start3A_17, %dma_start3A_18] : memref<16x80x125xi32, #tpu.memory_space<hbm>> -> memref<1x80x125xi32, #tpu.memory_space<hbm>>
        %dma_start3A_20 = tpu.memref_squeeze %dma_start3A_19 : memref<1x80x125xi32, #tpu.memory_space<hbm>> -> memref<80x125xi32, #tpu.memory_space<hbm>>
        tpu.enqueue_dma source(%dma_start3A_20 : memref<80x125xi32, #tpu.memory_space<hbm>>) target(%arg6 : memref<80x125xi32, #tpu.memory_space<vmem>>) target_semaphore(%run_scoped3A : memref<!tpu.dma_semaphore, #tpu.memory_space<semaphore_mem>>)
        %dma_wait3A = arith.constant 0 : i32
        %dma_wait3A_21 = arith.constant 0 : i32
        %dma_wait3A_22 = tpu.memref_slice %arg2[%arg1, %dma_wait3A, %dma_wait3A_21] : memref<16x80x125xi32, #tpu.memory_space<hbm>> -> memref<1x80x125xi32, #tpu.memory_space<hbm>>
        %dma_wait3A_23 = tpu.memref_squeeze %dma_wait3A_22 : memref<1x80x125xi32, #tpu.memory_space<hbm>> -> memref<80x125xi32, #tpu.memory_space<hbm>>
        %dma_wait3A_24 = arith.constant 0 : i32
        %dma_wait3A_25 = arith.constant 0 : i32
        %dma_wait3A_26 = tpu.memref_slice %arg2[%arg1, %dma_wait3A_24, %dma_wait3A_25] : memref<16x80x125xi32, #tpu.memory_space<hbm>> -> memref<1x80x125xi32, #tpu.memory_space<hbm>>
        %dma_wait3A_27 = tpu.memref_squeeze %dma_wait3A_26 : memref<1x80x125xi32, #tpu.memory_space<hbm>> -> memref<80x125xi32, #tpu.memory_space<hbm>>
        tpu.wait_dma2 semaphore(%run_scoped3A : memref<!tpu.dma_semaphore, #tpu.memory_space<semaphore_mem>>) src(%dma_wait3A_27 : memref<80x125xi32, #tpu.memory_space<hbm>>) dst(%arg6 : memref<80x125xi32, #tpu.memory_space<vmem>>)
        tpu.yield
      }) : () -> ()
      "tpu.region"() ({
        %run_scoped3A = tpu.sem_alloc : memref<!tpu.dma_semaphore, #tpu.memory_space<semaphore_mem>>
        tpu.enqueue_dma source(%arg4 : memref<125x128xf32, #tpu.memory_space<hbm>>) target(%arg7 : memref<125x128xf32, #tpu.memory_space<vmem>>) target_semaphore(%run_scoped3A : memref<!tpu.dma_semaphore, #tpu.memory_space<semaphore_mem>>)
        tpu.wait_dma2 semaphore(%run_scoped3A : memref<!tpu.dma_semaphore, #tpu.memory_space<semaphore_mem>>) src(%arg4 : memref<125x128xf32, #tpu.memory_space<hbm>>) dst(%arg7 : memref<125x128xf32, #tpu.memory_space<vmem>>)
        tpu.yield
      }) : () -> ()
    } else {
    }
    %barrier3A = arith.constant 0 : index
    tpu.barrier barrier_id(%barrier3A)
    %eq3A_2 = arith.constant 0 : i32
    %eq3A_3 = arith.cmpi eq, %arg0, %eq3A_2 : i32
    %convert_element_type3A_4 = arith.extui %eq3A_3 : i1 to i32
    %cond3A_5 = arith.constant 0 : i32
    %cond3A_6 = arith.cmpi ne, %convert_element_type3A_4, %cond3A_5 : i32
    scf.if %cond3A_6 {
      %scan3A = arith.constant 0 : i32
      %scan3A_13 = arith.constant 0 : i32
      %scan3A_14 = arith.constant 80 : i32
      %scan3A_15 = arith.addi %scan3A_13, %scan3A_14 : i32
      %scan3A_16 = arith.constant 1 : i32
      scf.for %scan3A_18 = %scan3A_13 to %scan3A_15 step %scan3A_16  : i32 {
        "tpu.region"() ({
          %run_scoped3A = tpu.sem_alloc : memref<!tpu.dma_semaphore, #tpu.memory_space<semaphore_mem>>
          %dma_start3A = arith.constant 0 : i32
          %dma_start3A_19 = tpu.memref_slice %arg6[%scan3A_18, %dma_start3A] : memref<80x125xi32, #tpu.memory_space<vmem>> -> memref<1x125xi32, #tpu.memory_space<vmem>>
          %dma_start3A_20 = tpu.memref_squeeze %dma_start3A_19 : memref<1x125xi32, #tpu.memory_space<vmem>> -> memref<125xi32, #tpu.memory_space<vmem>>
          %dma_start3A_21 = arith.constant 0 : i32
          %dma_start3A_22 = arith.constant 0 : i32
          %dma_start3A_23 = tpu.memref_slice %arg8[%dma_start3A_21, %dma_start3A_22] : memref<10240x128xf32, #tpu.memory_space<vmem_shared>> -> memref<10240x128xf32, #tpu.memory_space<vmem_shared>>
          tpu.enqueue_indirect_dma source(%arg7 : memref<125x128xf32, #tpu.memory_space<vmem>>) target(%dma_start3A_23 : memref<10240x128xf32, #tpu.memory_space<vmem_shared>>) offsets(%dma_start3A_20 : memref<125xi32, #tpu.memory_space<vmem>>) semaphore(%run_scoped3A : memref<!tpu.dma_semaphore, #tpu.memory_space<semaphore_mem>>) {add = true}
          %dma_wait3A = arith.constant 0 : i32
          %dma_wait3A_24 = tpu.memref_slice %arg6[%scan3A_18, %dma_wait3A] : memref<80x125xi32, #tpu.memory_space<vmem>> -> memref<1x125xi32, #tpu.memory_space<vmem>>
          %dma_wait3A_25 = tpu.memref_squeeze %dma_wait3A_24 : memref<1x125xi32, #tpu.memory_space<vmem>> -> memref<125xi32, #tpu.memory_space<vmem>>
          %dma_wait3A_26 = arith.constant 0 : i32
          %dma_wait3A_27 = arith.constant 0 : i32
          %dma_wait3A_28 = tpu.memref_slice %arg8[%dma_wait3A_26, %dma_wait3A_27] : memref<10240x128xf32, #tpu.memory_space<vmem_shared>> -> memref<10240x128xf32, #tpu.memory_space<vmem_shared>>
          tpu.wait_indirect_dma semaphore(%run_scoped3A : memref<!tpu.dma_semaphore, #tpu.memory_space<semaphore_mem>>) src(%arg7 : memref<125x128xf32, #tpu.memory_space<vmem>>) dst(%dma_wait3A_28 : memref<10240x128xf32, #tpu.memory_space<vmem_shared>>)
          tpu.yield
        }) : () -> ()
      }
      %scan3A_17 = arith.constant 80 : i32
    } else {
    }
    %barrier3A_7 = arith.constant 0 : index
    tpu.barrier barrier_id(%barrier3A_7)
    %eq3A_8 = arith.constant 0 : i32
    %eq3A_9 = arith.cmpi eq, %arg0, %eq3A_8 : i32
    %convert_element_type3A_10 = arith.extui %eq3A_9 : i1 to i32
    %cond3A_11 = arith.constant 0 : i32
    %cond3A_12 = arith.cmpi ne, %convert_element_type3A_10, %cond3A_11 : i32
    scf.if %cond3A_12 {
      %mul3A = arith.constant 640 : i32
      %mul3A_13 = arith.muli %arg1, %mul3A : i32
      %mul3A_14 = arith.constant 640 : i32
      %mul3A_15 = arith.muli %arg1, %mul3A_14 : i32
      "tpu.region"() ({
        %run_scoped3A = tpu.sem_alloc : memref<!tpu.dma_semaphore, #tpu.memory_space<semaphore_mem>>
        %dma_start3A = arith.constant 0 : i32
        %dma_start3A_16 = tpu.memref_slice %arg5[%mul3A_15, %dma_start3A] : memref<10240x128xf32, #tpu.memory_space<hbm>> -> memref<640x128xf32, #tpu.memory_space<hbm>>
        %dma_start3A_17 = arith.constant 0 : i32
        %dma_start3A_18 = tpu.memref_slice %arg8[%mul3A_13, %dma_start3A_17] : memref<10240x128xf32, #tpu.memory_space<vmem_shared>> -> memref<640x128xf32, #tpu.memory_space<vmem_shared>>
        tpu.enqueue_dma source(%dma_start3A_18 : memref<640x128xf32, #tpu.memory_space<vmem_shared>>) target(%dma_start3A_16 : memref<640x128xf32, #tpu.memory_space<hbm>>) target_semaphore(%run_scoped3A : memref<!tpu.dma_semaphore, #tpu.memory_space<semaphore_mem>>)
        %dma_wait3A = arith.constant 0 : i32
        %dma_wait3A_19 = tpu.memref_slice %arg5[%mul3A_15, %dma_wait3A] : memref<10240x128xf32, #tpu.memory_space<hbm>> -> memref<640x128xf32, #tpu.memory_space<hbm>>
        %dma_wait3A_20 = arith.constant 0 : i32
        %dma_wait3A_21 = tpu.memref_slice %arg8[%mul3A_13, %dma_wait3A_20] : memref<10240x128xf32, #tpu.memory_space<vmem_shared>> -> memref<640x128xf32, #tpu.memory_space<vmem_shared>>
        tpu.wait_dma2 semaphore(%run_scoped3A : memref<!tpu.dma_semaphore, #tpu.memory_space<semaphore_mem>>) src(%dma_wait3A_21 : memref<640x128xf32, #tpu.memory_space<vmem_shared>>) dst(%dma_wait3A_19 : memref<640x128xf32, #tpu.memory_space<hbm>>)
        tpu.yield
      }) : () -> ()
    } else {
    }
    return
  }
}

#map = affine_map<(d0, d1) -> (0, 0)>
#map1 = affine_map<(d0, d1) -> (0, 0, 0)>
module attributes {stable_mosaic.version = 14 : i64} {
  func.func @body(%arg0: i32, %arg1: i32, %arg2: memref<10016x256xf32, #tpu.memory_space<hbm>>, %arg3: memref<32x64xi32, #tpu.memory_space<hbm>>, %arg4: memref<32x64x256xf32, #tpu.memory_space<hbm>>, %arg5: memref<64xi32, #tpu.memory_space<vmem>>, %arg6: memref<64x256xf32, #tpu.memory_space<vmem>>) attributes {dimension_semantics = [#tpu.dimension_semantics<core_parallel>, #tpu.dimension_semantics<subcore_parallel>], iteration_bounds = array<i64: 2, 16>, scalar_prefetch = 0 : i64, scratch_operands = 2 : i64, tpu.core_type = #tpu.core_type<sc_vector_subcore>, window_params = [{transform_indices = #map}, {transform_indices = #map}, {transform_indices = #map1}]} {
    %mul3A = arith.constant 16 : i32
    %mul3A_0 = arith.muli %arg0, %mul3A : i32
    %add3A = arith.addi %mul3A_0, %arg1 : i32
    "tpu.region"() ({
      %run_scoped3A = tpu.sem_alloc : memref<!tpu.dma_semaphore, #tpu.memory_space<semaphore_mem>>
      %dma_start3A = arith.constant 0 : i32
      %dma_start3A_1 = tpu.memref_slice %arg3[%add3A, %dma_start3A] : memref<32x64xi32, #tpu.memory_space<hbm>> -> memref<1x64xi32, #tpu.memory_space<hbm>>
      %dma_start3A_2 = tpu.memref_squeeze %dma_start3A_1 : memref<1x64xi32, #tpu.memory_space<hbm>> -> memref<64xi32, #tpu.memory_space<hbm>>
      %dma_start3A_3 = arith.constant 0 : i32
      %dma_start3A_4 = tpu.memref_slice %arg3[%add3A, %dma_start3A_3] : memref<32x64xi32, #tpu.memory_space<hbm>> -> memref<1x64xi32, #tpu.memory_space<hbm>>
      %dma_start3A_5 = tpu.memref_squeeze %dma_start3A_4 : memref<1x64xi32, #tpu.memory_space<hbm>> -> memref<64xi32, #tpu.memory_space<hbm>>
      tpu.enqueue_dma source(%dma_start3A_5 : memref<64xi32, #tpu.memory_space<hbm>>) target(%arg5 : memref<64xi32, #tpu.memory_space<vmem>>) target_semaphore(%run_scoped3A : memref<!tpu.dma_semaphore, #tpu.memory_space<semaphore_mem>>)
      %dma_wait3A = arith.constant 0 : i32
      %dma_wait3A_6 = tpu.memref_slice %arg3[%add3A, %dma_wait3A] : memref<32x64xi32, #tpu.memory_space<hbm>> -> memref<1x64xi32, #tpu.memory_space<hbm>>
      %dma_wait3A_7 = tpu.memref_squeeze %dma_wait3A_6 : memref<1x64xi32, #tpu.memory_space<hbm>> -> memref<64xi32, #tpu.memory_space<hbm>>
      %dma_wait3A_8 = arith.constant 0 : i32
      %dma_wait3A_9 = tpu.memref_slice %arg3[%add3A, %dma_wait3A_8] : memref<32x64xi32, #tpu.memory_space<hbm>> -> memref<1x64xi32, #tpu.memory_space<hbm>>
      %dma_wait3A_10 = tpu.memref_squeeze %dma_wait3A_9 : memref<1x64xi32, #tpu.memory_space<hbm>> -> memref<64xi32, #tpu.memory_space<hbm>>
      tpu.wait_dma2 semaphore(%run_scoped3A : memref<!tpu.dma_semaphore, #tpu.memory_space<semaphore_mem>>) src(%dma_wait3A_10 : memref<64xi32, #tpu.memory_space<hbm>>) dst(%arg5 : memref<64xi32, #tpu.memory_space<vmem>>)
      tpu.yield
    }) : () -> ()
    "tpu.region"() ({
      %run_scoped3A = tpu.sem_alloc : memref<!tpu.dma_semaphore, #tpu.memory_space<semaphore_mem>>
      %dma_start3A = arith.constant 0 : i32
      %dma_start3A_1 = arith.constant 0 : i32
      %dma_start3A_2 = tpu.memref_slice %arg2[%dma_start3A, %dma_start3A_1] : memref<10016x256xf32, #tpu.memory_space<hbm>> -> memref<10016x256xf32, #tpu.memory_space<hbm>>
      tpu.enqueue_indirect_dma source(%dma_start3A_2 : memref<10016x256xf32, #tpu.memory_space<hbm>>) target(%arg6 : memref<64x256xf32, #tpu.memory_space<vmem>>) offsets(%arg5 : memref<64xi32, #tpu.memory_space<vmem>>) semaphore(%run_scoped3A : memref<!tpu.dma_semaphore, #tpu.memory_space<semaphore_mem>>)
      %dma_wait3A = arith.constant 0 : i32
      %dma_wait3A_3 = arith.constant 0 : i32
      %dma_wait3A_4 = tpu.memref_slice %arg2[%dma_wait3A, %dma_wait3A_3] : memref<10016x256xf32, #tpu.memory_space<hbm>> -> memref<10016x256xf32, #tpu.memory_space<hbm>>
      tpu.wait_indirect_dma semaphore(%run_scoped3A : memref<!tpu.dma_semaphore, #tpu.memory_space<semaphore_mem>>) src(%dma_wait3A_4 : memref<10016x256xf32, #tpu.memory_space<hbm>>) dst(%arg6 : memref<64x256xf32, #tpu.memory_space<vmem>>)
      tpu.yield
    }) : () -> ()
    "tpu.region"() ({
      %run_scoped3A = tpu.sem_alloc : memref<!tpu.dma_semaphore, #tpu.memory_space<semaphore_mem>>
      %dma_start3A = arith.constant 0 : i32
      %dma_start3A_1 = arith.constant 0 : i32
      %dma_start3A_2 = tpu.memref_slice %arg4[%add3A, %dma_start3A, %dma_start3A_1] : memref<32x64x256xf32, #tpu.memory_space<hbm>> -> memref<1x64x256xf32, #tpu.memory_space<hbm>>
      %dma_start3A_3 = tpu.memref_squeeze %dma_start3A_2 : memref<1x64x256xf32, #tpu.memory_space<hbm>> -> memref<64x256xf32, #tpu.memory_space<hbm>>
      %dma_start3A_4 = arith.constant 0 : i32
      %dma_start3A_5 = arith.constant 0 : i32
      %dma_start3A_6 = tpu.memref_slice %arg4[%add3A, %dma_start3A_4, %dma_start3A_5] : memref<32x64x256xf32, #tpu.memory_space<hbm>> -> memref<1x64x256xf32, #tpu.memory_space<hbm>>
      %dma_start3A_7 = tpu.memref_squeeze %dma_start3A_6 : memref<1x64x256xf32, #tpu.memory_space<hbm>> -> memref<64x256xf32, #tpu.memory_space<hbm>>
      tpu.enqueue_dma source(%arg6 : memref<64x256xf32, #tpu.memory_space<vmem>>) target(%dma_start3A_7 : memref<64x256xf32, #tpu.memory_space<hbm>>) target_semaphore(%run_scoped3A : memref<!tpu.dma_semaphore, #tpu.memory_space<semaphore_mem>>)
      %dma_wait3A = arith.constant 0 : i32
      %dma_wait3A_8 = arith.constant 0 : i32
      %dma_wait3A_9 = tpu.memref_slice %arg4[%add3A, %dma_wait3A, %dma_wait3A_8] : memref<32x64x256xf32, #tpu.memory_space<hbm>> -> memref<1x64x256xf32, #tpu.memory_space<hbm>>
      %dma_wait3A_10 = tpu.memref_squeeze %dma_wait3A_9 : memref<1x64x256xf32, #tpu.memory_space<hbm>> -> memref<64x256xf32, #tpu.memory_space<hbm>>
      %dma_wait3A_11 = arith.constant 0 : i32
      %dma_wait3A_12 = arith.constant 0 : i32
      %dma_wait3A_13 = tpu.memref_slice %arg4[%add3A, %dma_wait3A_11, %dma_wait3A_12] : memref<32x64x256xf32, #tpu.memory_space<hbm>> -> memref<1x64x256xf32, #tpu.memory_space<hbm>>
      %dma_wait3A_14 = tpu.memref_squeeze %dma_wait3A_13 : memref<1x64x256xf32, #tpu.memory_space<hbm>> -> memref<64x256xf32, #tpu.memory_space<hbm>>
      tpu.wait_dma2 semaphore(%run_scoped3A : memref<!tpu.dma_semaphore, #tpu.memory_space<semaphore_mem>>) src(%arg6 : memref<64x256xf32, #tpu.memory_space<vmem>>) dst(%dma_wait3A_14 : memref<64x256xf32, #tpu.memory_space<hbm>>)
      tpu.yield
    }) : () -> ()
    return
  }
}

module attributes {stable_mosaic.version = 14 : i64} {
  func.func @_mm_body(%arg0: i32, %arg1: memref<1000x256xf32, #tpu.memory_space<vmem>>, %arg2: memref<1000x1xf32, #tpu.memory_space<vmem>>, %arg3: memref<1000x256xf32, #tpu.memory_space<vmem>>, %arg4: memref<256x256xf32, #tpu.memory_space<vmem>>, %arg5: memref<1x256xf32, #tpu.memory_space<vmem>>, %arg6: memref<256x256xf32, #tpu.memory_space<vmem>>, %arg7: memref<1000x256xf32, #tpu.memory_space<vmem>>) attributes {dimension_semantics = [#tpu.dimension_semantics<arbitrary>], iteration_bounds = array<i64: 10>, scalar_prefetch = 0 : i64, scratch_operands = 0 : i64, tpu.core_type = #tpu.core_type<tc>, window_params = [{transform_indices = @transform_0, window_bounds = array<i64: 1000, 256>}, {transform_indices = @transform_1, window_bounds = array<i64: 1000, 1>}, {transform_indices = @transform_2, window_bounds = array<i64: 1000, 256>}, {pipeline_mode = #tpu.pipeline_mode<synchronous>, transform_indices = @transform_3, window_bounds = array<i64: 256, 256>}, {pipeline_mode = #tpu.pipeline_mode<synchronous>, transform_indices = @transform_4, window_bounds = array<i64: 1, 256>}, {pipeline_mode = #tpu.pipeline_mode<synchronous>, transform_indices = @transform_5, window_bounds = array<i64: 256, 256>}, {transform_indices = @transform_6, window_bounds = array<i64: 1000, 256>}]} {
    %get3A = arith.constant 0 : index
    %get3A_0 = arith.constant 0 : index
    %get3A_1 = vector.load %arg1[%get3A, %get3A_0] : memref<1000x256xf32, #tpu.memory_space<vmem>>, vector<1000x256xf32>
    %get3A_2 = arith.constant 0 : index
    %get3A_3 = arith.constant 0 : index
    %get3A_4 = vector.load %arg2[%get3A_2, %get3A_3] : memref<1000x1xf32, #tpu.memory_space<vmem>>, vector<1000x1xf32>
    %max3A = arith.constant 1.000000e+00 : f32
    %max3A_5 = vector.broadcast %max3A : f32 to vector<1000x1xf32>
    %max3A_6 = arith.maximumf %get3A_4, %max3A_5 : vector<1000x1xf32>
    %div3A = vector.broadcast %max3A_6 : vector<1000x1xf32> to vector<1000x256xf32>
    %div3A_7 = arith.divf %get3A_1, %div3A : vector<1000x256xf32>
    %get3A_8 = arith.constant 0 : index
    %get3A_9 = arith.constant 0 : index
    %get3A_10 = vector.load %arg4[%get3A_8, %get3A_9] : memref<256x256xf32, #tpu.memory_space<vmem>>, vector<256x256xf32>
    %dot_general3A = arith.constant dense<0.000000e+00> : vector<1000x256xf32>
    %dot_general3A_11 = tpu.matmul %div3A_7, %get3A_10, %dot_general3A {dimension_numbers = #tpu.dot_dimension_numbers<[1], [0], [0], [1], [0, 0, 1, 1], [], []>, transpose_lhs_hint = false} : vector<1000x256xf32>, vector<256x256xf32>, vector<1000x256xf32> -> vector<1000x256xf32>
    %get3A_12 = arith.constant 0 : index
    %get3A_13 = arith.constant 0 : index
    %get3A_14 = vector.load %arg5[%get3A_12, %get3A_13] : memref<1x256xf32, #tpu.memory_space<vmem>>, vector<1x256xf32>
    %add3A = vector.broadcast %get3A_14 : vector<1x256xf32> to vector<1000x256xf32>
    %add3A_15 = arith.addf %dot_general3A_11, %add3A : vector<1000x256xf32>
    %get3A_16 = arith.constant 0 : index
    %get3A_17 = arith.constant 0 : index
    %get3A_18 = vector.load %arg3[%get3A_16, %get3A_17] : memref<1000x256xf32, #tpu.memory_space<vmem>>, vector<1000x256xf32>
    %get3A_19 = arith.constant 0 : index
    %get3A_20 = arith.constant 0 : index
    %get3A_21 = vector.load %arg6[%get3A_19, %get3A_20] : memref<256x256xf32, #tpu.memory_space<vmem>>, vector<256x256xf32>
    %dot_general3A_22 = arith.constant dense<0.000000e+00> : vector<1000x256xf32>
    %dot_general3A_23 = tpu.matmul %get3A_18, %get3A_21, %dot_general3A_22 {dimension_numbers = #tpu.dot_dimension_numbers<[1], [0], [0], [1], [0, 0, 1, 1], [], []>, transpose_lhs_hint = false} : vector<1000x256xf32>, vector<256x256xf32>, vector<1000x256xf32> -> vector<1000x256xf32>
    %add3A_24 = arith.addf %add3A_15, %dot_general3A_23 : vector<1000x256xf32>
    %max3A_25 = arith.constant 0.000000e+00 : f32
    %max3A_26 = vector.broadcast %max3A_25 : f32 to vector<1000x256xf32>
    %max3A_27 = arith.maximumf %add3A_24, %max3A_26 : vector<1000x256xf32>
    %swap3A = arith.constant 0 : index
    %swap3A_28 = arith.constant 0 : index
    %swap3A_29 = vector.load %arg7[%swap3A, %swap3A_28] : memref<1000x256xf32, #tpu.memory_space<vmem>>, vector<1000x256xf32>
    tpu.vector_store %arg7[%swap3A, %swap3A_28], %max3A_27 {strides = array<i32>} : memref<1000x256xf32, #tpu.memory_space<vmem>>, vector<1000x256xf32>,
    return
  }
  func.func @transform_0(%arg0: i32) -> (i32, i32) {
    %c0_i32 = arith.constant 0 : i32
    %c0_i32_0 = arith.constant 0 : i32
    return %arg0, %c0_i32 : i32, i32
  }
  func.func @transform_1(%arg0: i32) -> (i32, i32) {
    %c0_i32 = arith.constant 0 : i32
    %c0_i32_0 = arith.constant 0 : i32
    return %arg0, %c0_i32 : i32, i32
  }
  func.func @transform_2(%arg0: i32) -> (i32, i32) {
    %c0_i32 = arith.constant 0 : i32
    %c0_i32_0 = arith.constant 0 : i32
    return %arg0, %c0_i32 : i32, i32
  }
  func.func @transform_3(%arg0: i32) -> (i32, i32) {
    %c0_i32 = arith.constant 0 : i32
    %c0_i32_0 = arith.constant 0 : i32
    %c0_i32_1 = arith.constant 0 : i32
    return %c0_i32, %c0_i32_0 : i32, i32
  }
  func.func @transform_4(%arg0: i32) -> (i32, i32) {
    %c0_i32 = arith.constant 0 : i32
    %c0_i32_0 = arith.constant 0 : i32
    %c0_i32_1 = arith.constant 0 : i32
    return %c0_i32, %c0_i32_0 : i32, i32
  }
  func.func @transform_5(%arg0: i32) -> (i32, i32) {
    %c0_i32 = arith.constant 0 : i32
    %c0_i32_0 = arith.constant 0 : i32
    %c0_i32_1 = arith.constant 0 : i32
    return %c0_i32, %c0_i32_0 : i32, i32
  }
  func.func @transform_6(%arg0: i32) -> (i32, i32) {
    %c0_i32 = arith.constant 0 : i32
    %c0_i32_0 = arith.constant 0 : i32
    return %arg0, %c0_i32 : i32, i32
  }
}

module attributes {stable_mosaic.version = 14 : i64} {
  func.func @_pool_idx_body(%arg0: i32, %arg1: memref<1x10240xf32, #tpu.memory_space<vmem>>, %arg2: memref<1x10240xi32, #tpu.memory_space<vmem>>, %arg3: memref<8x30xi32, #tpu.memory_space<vmem>>) attributes {dimension_semantics = [#tpu.dimension_semantics<arbitrary>], iteration_bounds = array<i64: 8>, scalar_prefetch = 0 : i64, scratch_operands = 0 : i64, tpu.core_type = #tpu.core_type<tc>, window_params = [{pipeline_mode = #tpu.pipeline_mode<synchronous>, transform_indices = @transform_0, window_bounds = array<i64: 1, 10240>}, {pipeline_mode = #tpu.pipeline_mode<synchronous>, transform_indices = @transform_1, window_bounds = array<i64: 1, 10240>}, {transform_indices = @transform_2, window_bounds = array<i64: 8, 30>}]} {
    %mul3A = arith.constant 8 : i32
    %mul3A_0 = arith.muli %arg0, %mul3A : i32
    %iota3A = tpu.iota {dimensions = array<i32: 0>} : vector<8x1xi32>
    %add3A = vector.broadcast %mul3A_0 : i32 to vector<8x1xi32>
    %add3A_1 = arith.addi %add3A, %iota3A : vector<8x1xi32>
    %iota3A_2 = tpu.iota {dimensions = array<i32: 1>} : vector<8x10240xi32>
    %get3A = arith.constant 0 : index
    %get3A_3 = arith.constant 0 : index
    %get3A_4 = vector.load %arg2[%get3A, %get3A_3] : memref<1x10240xi32, #tpu.memory_space<vmem>>, vector<1x10240xi32>
    %eq3A = vector.broadcast %get3A_4 : vector<1x10240xi32> to vector<8x10240xi32>
    %eq3A_5 = vector.broadcast %add3A_1 : vector<8x1xi32> to vector<8x10240xi32>
    %eq3A_6 = arith.cmpi eq, %eq3A, %eq3A_5 : vector<8x10240xi32>
    %get3A_7 = arith.constant 0 : index
    %get3A_8 = arith.constant 0 : index
    %get3A_9 = vector.load %arg1[%get3A_7, %get3A_8] : memref<1x10240xf32, #tpu.memory_space<vmem>>, vector<1x10240xf32>
    %jit3A = arith.constant 0xFF800000 : f32
    %broadcast_in_dim3A = vector.shape_cast %get3A_9 : vector<1x10240xf32> to vector<1x10240xf32>
    %broadcast_in_dim3A_10 = vector.broadcast %broadcast_in_dim3A : vector<1x10240xf32> to vector<8x10240xf32>
    %broadcast_in_dim3A_11 = vector.broadcast %jit3A : f32 to vector<8x10240xf32>
    %select_n3A = arith.select %eq3A_6, %broadcast_in_dim3A_10, %broadcast_in_dim3A_11 : vector<8x10240xi1>, vector<8x10240xf32>
    %reduce_max3A = arith.constant dense<0xFF800000> : vector<8xf32>
    %reduce_max3A_12 = vector.multi_reduction <maximumf>, %select_n3A, %reduce_max3A [1] : vector<8x10240xf32> to vector<8xf32>
    %broadcast_in_dim3A_13 = vector.shape_cast %reduce_max3A_12 : vector<8xf32> to vector<8x1xf32>
    %eq3A_14 = vector.broadcast %broadcast_in_dim3A_13 : vector<8x1xf32> to vector<8x10240xf32>
    %eq3A_15 = arith.cmpf oeq, %select_n3A, %eq3A_14 : vector<8x10240xf32>
    %jit3A_16 = arith.constant 1073741824 : i32
    %broadcast_in_dim3A_17 = vector.broadcast %jit3A_16 : i32 to vector<8x10240xi32>
    %select_n3A_18 = arith.select %eq3A_15, %iota3A_2, %broadcast_in_dim3A_17 : vector<8x10240xi1>, vector<8x10240xi32>
    %reduce_min3A = arith.constant dense<2147483647> : vector<8xi32>
    %reduce_min3A_19 = vector.multi_reduction <minsi>, %select_n3A_18, %reduce_min3A [1] : vector<8x10240xi32> to vector<8xi32>
    %broadcast_in_dim3A_20 = vector.shape_cast %reduce_min3A_19 : vector<8xi32> to vector<8x1xi32>
    %gt3A = arith.constant 0xFF800000 : f32
    %gt3A_21 = vector.broadcast %gt3A : f32 to vector<8x1xf32>
    %gt3A_22 = arith.cmpf ogt, %broadcast_in_dim3A_13, %gt3A_21 : vector<8x1xf32>
    %jit3A_23 = arith.constant 10000 : i32
    %broadcast_in_dim3A_24 = vector.broadcast %jit3A_23 : i32 to vector<8x1xi32>
    %select_n3A_25 = arith.select %gt3A_22, %broadcast_in_dim3A_20, %broadcast_in_dim3A_24 : vector<8x1xi1>, vector<8x1xi32>
    %swap3A = arith.constant 0 : index
    %swap3A_26 = arith.constant 0 : index
    %swap3A_27 = vector.load %arg3[%swap3A, %swap3A_26] : memref<8x30xi32, #tpu.memory_space<vmem>>, vector<8x1xi32>
    tpu.vector_store %arg3[%swap3A, %swap3A_26], %select_n3A_25 {strides = array<i32>} : memref<8x30xi32, #tpu.memory_space<vmem>>, vector<8x1xi32>,
    %eq3A_28 = vector.broadcast %broadcast_in_dim3A_20 : vector<8x1xi32> to vector<8x10240xi32>
    %eq3A_29 = arith.cmpi eq, %iota3A_2, %eq3A_28 : vector<8x10240xi32>
    %jit3A_30 = arith.constant 0xFF800000 : f32
    %broadcast_in_dim3A_31 = vector.broadcast %jit3A_30 : f32 to vector<8x10240xf32>
    %select_n3A_32 = arith.select %eq3A_29, %broadcast_in_dim3A_31, %select_n3A : vector<8x10240xi1>, vector<8x10240xf32>
    %reduce_max3A_33 = arith.constant dense<0xFF800000> : vector<8xf32>
    %reduce_max3A_34 = vector.multi_reduction <maximumf>, %select_n3A_32, %reduce_max3A_33 [1] : vector<8x10240xf32> to vector<8xf32>
    %broadcast_in_dim3A_35 = vector.shape_cast %reduce_max3A_34 : vector<8xf32> to vector<8x1xf32>
    %eq3A_36 = vector.broadcast %broadcast_in_dim3A_35 : vector<8x1xf32> to vector<8x10240xf32>
    %eq3A_37 = arith.cmpf oeq, %select_n3A_32, %eq3A_36 : vector<8x10240xf32>
    %jit3A_38 = arith.constant 1073741824 : i32
    %broadcast_in_dim3A_39 = vector.broadcast %jit3A_38 : i32 to vector<8x10240xi32>
    %select_n3A_40 = arith.select %eq3A_37, %iota3A_2, %broadcast_in_dim3A_39 : vector<8x10240xi1>, vector<8x10240xi32>
    %reduce_min3A_41 = arith.constant dense<2147483647> : vector<8xi32>
    %reduce_min3A_42 = vector.multi_reduction <minsi>, %select_n3A_40, %reduce_min3A_41 [1] : vector<8x10240xi32> to vector<8xi32>
    %broadcast_in_dim3A_43 = vector.shape_cast %reduce_min3A_42 : vector<8xi32> to vector<8x1xi32>
    %gt3A_44 = arith.constant 0xFF800000 : f32
    %gt3A_45 = vector.broadcast %gt3A_44 : f32 to vector<8x1xf32>
    %gt3A_46 = arith.cmpf ogt, %broadcast_in_dim3A_35, %gt3A_45 : vector<8x1xf32>
    %jit3A_47 = arith.constant 10000 : i32
    %broadcast_in_dim3A_48 = vector.broadcast %jit3A_47 : i32 to vector<8x1xi32>
    %select_n3A_49 = arith.select %gt3A_46, %broadcast_in_dim3A_43, %broadcast_in_dim3A_48 : vector<8x1xi1>, vector<8x1xi32>
    %swap3A_50 = arith.constant 0 : index
    %swap3A_51 = arith.constant 1 : index
    %swap3A_52 = vector.load %arg3[%swap3A_50, %swap3A_51] : memref<8x30xi32, #tpu.memory_space<vmem>>, vector<8x1xi32>
    tpu.vector_store %arg3[%swap3A_50, %swap3A_51], %select_n3A_49 {strides = array<i32>} : memref<8x30xi32, #tpu.memory_space<vmem>>, vector<8x1xi32>,
    %eq3A_53 = vector.broadcast %broadcast_in_dim3A_43 : vector<8x1xi32> to vector<8x10240xi32>
    %eq3A_54 = arith.cmpi eq, %iota3A_2, %eq3A_53 : vector<8x10240xi32>
    %jit3A_55 = arith.constant 0xFF800000 : f32
    %broadcast_in_dim3A_56 = vector.broadcast %jit3A_55 : f32 to vector<8x10240xf32>
    %select_n3A_57 = arith.select %eq3A_54, %broadcast_in_dim3A_56, %select_n3A_32 : vector<8x10240xi1>, vector<8x10240xf32>
    %reduce_max3A_58 = arith.constant dense<0xFF800000> : vector<8xf32>
    %reduce_max3A_59 = vector.multi_reduction <maximumf>, %select_n3A_57, %reduce_max3A_58 [1] : vector<8x10240xf32> to vector<8xf32>
    %broadcast_in_dim3A_60 = vector.shape_cast %reduce_max3A_59 : vector<8xf32> to vector<8x1xf32>
    %eq3A_61 = vector.broadcast %broadcast_in_dim3A_60 : vector<8x1xf32> to vector<8x10240xf32>
    %eq3A_62 = arith.cmpf oeq, %select_n3A_57, %eq3A_61 : vector<8x10240xf32>
    %jit3A_63 = arith.constant 1073741824 : i32
    %broadcast_in_dim3A_64 = vector.broadcast %jit3A_63 : i32 to vector<8x10240xi32>
    %select_n3A_65 = arith.select %eq3A_62, %iota3A_2, %broadcast_in_dim3A_64 : vector<8x10240xi1>, vector<8x10240xi32>
    %reduce_min3A_66 = arith.constant dense<2147483647> : vector<8xi32>
    %reduce_min3A_67 = vector.multi_reduction <minsi>, %select_n3A_65, %reduce_min3A_66 [1] : vector<8x10240xi32> to vector<8xi32>
    %broadcast_in_dim3A_68 = vector.shape_cast %reduce_min3A_67 : vector<8xi32> to vector<8x1xi32>
    %gt3A_69 = arith.constant 0xFF800000 : f32
    %gt3A_70 = vector.broadcast %gt3A_69 : f32 to vector<8x1xf32>
    %gt3A_71 = arith.cmpf ogt, %broadcast_in_dim3A_60, %gt3A_70 : vector<8x1xf32>
    %jit3A_72 = arith.constant 10000 : i32
    %broadcast_in_dim3A_73 = vector.broadcast %jit3A_72 : i32 to vector<8x1xi32>
    %select_n3A_74 = arith.select %gt3A_71, %broadcast_in_dim3A_68, %broadcast_in_dim3A_73 : vector<8x1xi1>, vector<8x1xi32>
    %swap3A_75 = arith.constant 0 : index
    %swap3A_76 = arith.constant 2 : index
    %swap3A_77 = vector.load %arg3[%swap3A_75, %swap3A_76] : memref<8x30xi32, #tpu.memory_space<vmem>>, vector<8x1xi32>
    tpu.vector_store %arg3[%swap3A_75, %swap3A_76], %select_n3A_74 {strides = array<i32>} : memref<8x30xi32, #tpu.memory_space<vmem>>, vector<8x1xi32>,
    %eq3A_78 = vector.broadcast %broadcast_in_dim3A_68 : vector<8x1xi32> to vector<8x10240xi32>
    %eq3A_79 = arith.cmpi eq, %iota3A_2, %eq3A_78 : vector<8x10240xi32>
    %jit3A_80 = arith.constant 0xFF800000 : f32
    %broadcast_in_dim3A_81 = vector.broadcast %jit3A_80 : f32 to vector<8x10240xf32>
    %select_n3A_82 = arith.select %eq3A_79, %broadcast_in_dim3A_81, %select_n3A_57 : vector<8x10240xi1>, vector<8x10240xf32>
    %reduce_max3A_83 = arith.constant dense<0xFF800000> : vector<8xf32>
    %reduce_max3A_84 = vector.multi_reduction <maximumf>, %select_n3A_82, %reduce_max3A_83 [1] : vector<8x10240xf32> to vector<8xf32>
    %broadcast_in_dim3A_85 = vector.shape_cast %reduce_max3A_84 : vector<8xf32> to vector<8x1xf32>
    %eq3A_86 = vector.broadcast %broadcast_in_dim3A_85 : vector<8x1xf32> to vector<8x10240xf32>
    %eq3A_87 = arith.cmpf oeq, %select_n3A_82, %eq3A_86 : vector<8x10240xf32>
    %jit3A_88 = arith.constant 1073741824 : i32
    %broadcast_in_dim3A_89 = vector.broadcast %jit3A_88 : i32 to vector<8x10240xi32>
    %select_n3A_90 = arith.select %eq3A_87, %iota3A_2, %broadcast_in_dim3A_89 : vector<8x10240xi1>, vector<8x10240xi32>
    %reduce_min3A_91 = arith.constant dense<2147483647> : vector<8xi32>
    %reduce_min3A_92 = vector.multi_reduction <minsi>, %select_n3A_90, %reduce_min3A_91 [1] : vector<8x10240xi32> to vector<8xi32>
    %broadcast_in_dim3A_93 = vector.shape_cast %reduce_min3A_92 : vector<8xi32> to vector<8x1xi32>
    %gt3A_94 = arith.constant 0xFF800000 : f32
    %gt3A_95 = vector.broadcast %gt3A_94 : f32 to vector<8x1xf32>
    %gt3A_96 = arith.cmpf ogt, %broadcast_in_dim3A_85, %gt3A_95 : vector<8x1xf32>
    %jit3A_97 = arith.constant 10000 : i32
    %broadcast_in_dim3A_98 = vector.broadcast %jit3A_97 : i32 to vector<8x1xi32>
    %select_n3A_99 = arith.select %gt3A_96, %broadcast_in_dim3A_93, %broadcast_in_dim3A_98 : vector<8x1xi1>, vector<8x1xi32>
    %swap3A_100 = arith.constant 0 : index
    %swap3A_101 = arith.constant 3 : index
    %swap3A_102 = vector.load %arg3[%swap3A_100, %swap3A_101] : memref<8x30xi32, #tpu.memory_space<vmem>>, vector<8x1xi32>
    tpu.vector_store %arg3[%swap3A_100, %swap3A_101], %select_n3A_99 {strides = array<i32>} : memref<8x30xi32, #tpu.memory_space<vmem>>, vector<8x1xi32>,
    %eq3A_103 = vector.broadcast %broadcast_in_dim3A_93 : vector<8x1xi32> to vector<8x10240xi32>
    %eq3A_104 = arith.cmpi eq, %iota3A_2, %eq3A_103 : vector<8x10240xi32>
    %jit3A_105 = arith.constant 0xFF800000 : f32
    %broadcast_in_dim3A_106 = vector.broadcast %jit3A_105 : f32 to vector<8x10240xf32>
    %select_n3A_107 = arith.select %eq3A_104, %broadcast_in_dim3A_106, %select_n3A_82 : vector<8x10240xi1>, vector<8x10240xf32>
    %reduce_max3A_108 = arith.constant dense<0xFF800000> : vector<8xf32>
    %reduce_max3A_109 = vector.multi_reduction <maximumf>, %select_n3A_107, %reduce_max3A_108 [1] : vector<8x10240xf32> to vector<8xf32>
    %broadcast_in_dim3A_110 = vector.shape_cast %reduce_max3A_109 : vector<8xf32> to vector<8x1xf32>
    %eq3A_111 = vector.broadcast %broadcast_in_dim3A_110 : vector<8x1xf32> to vector<8x10240xf32>
    %eq3A_112 = arith.cmpf oeq, %select_n3A_107, %eq3A_111 : vector<8x10240xf32>
    %jit3A_113 = arith.constant 1073741824 : i32
    %broadcast_in_dim3A_114 = vector.broadcast %jit3A_113 : i32 to vector<8x10240xi32>
    %select_n3A_115 = arith.select %eq3A_112, %iota3A_2, %broadcast_in_dim3A_114 : vector<8x10240xi1>, vector<8x10240xi32>
    %reduce_min3A_116 = arith.constant dense<2147483647> : vector<8xi32>
    %reduce_min3A_117 = vector.multi_reduction <minsi>, %select_n3A_115, %reduce_min3A_116 [1] : vector<8x10240xi32> to vector<8xi32>
    %broadcast_in_dim3A_118 = vector.shape_cast %reduce_min3A_117 : vector<8xi32> to vector<8x1xi32>
    %gt3A_119 = arith.constant 0xFF800000 : f32
    %gt3A_120 = vector.broadcast %gt3A_119 : f32 to vector<8x1xf32>
    %gt3A_121 = arith.cmpf ogt, %broadcast_in_dim3A_110, %gt3A_120 : vector<8x1xf32>
    %jit3A_122 = arith.constant 10000 : i32
    %broadcast_in_dim3A_123 = vector.broadcast %jit3A_122 : i32 to vector<8x1xi32>
    %select_n3A_124 = arith.select %gt3A_121, %broadcast_in_dim3A_118, %broadcast_in_dim3A_123 : vector<8x1xi1>, vector<8x1xi32>
    %swap3A_125 = arith.constant 0 : index
    %swap3A_126 = arith.constant 4 : index
    %swap3A_127 = vector.load %arg3[%swap3A_125, %swap3A_126] : memref<8x30xi32, #tpu.memory_space<vmem>>, vector<8x1xi32>
    tpu.vector_store %arg3[%swap3A_125, %swap3A_126], %select_n3A_124 {strides = array<i32>} : memref<8x30xi32, #tpu.memory_space<vmem>>, vector<8x1xi32>,
    %eq3A_128 = vector.broadcast %broadcast_in_dim3A_118 : vector<8x1xi32> to vector<8x10240xi32>
    %eq3A_129 = arith.cmpi eq, %iota3A_2, %eq3A_128 : vector<8x10240xi32>
    %jit3A_130 = arith.constant 0xFF800000 : f32
    %broadcast_in_dim3A_131 = vector.broadcast %jit3A_130 : f32 to vector<8x10240xf32>
    %select_n3A_132 = arith.select %eq3A_129, %broadcast_in_dim3A_131, %select_n3A_107 : vector<8x10240xi1>, vector<8x10240xf32>
    %reduce_max3A_133 = arith.constant dense<0xFF800000> : vector<8xf32>
    %reduce_max3A_134 = vector.multi_reduction <maximumf>, %select_n3A_132, %reduce_max3A_133 [1] : vector<8x10240xf32> to vector<8xf32>
    %broadcast_in_dim3A_135 = vector.shape_cast %reduce_max3A_134 : vector<8xf32> to vector<8x1xf32>
    %eq3A_136 = vector.broadcast %broadcast_in_dim3A_135 : vector<8x1xf32> to vector<8x10240xf32>
    %eq3A_137 = arith.cmpf oeq, %select_n3A_132, %eq3A_136 : vector<8x10240xf32>
    %jit3A_138 = arith.constant 1073741824 : i32
    %broadcast_in_dim3A_139 = vector.broadcast %jit3A_138 : i32 to vector<8x10240xi32>
    %select_n3A_140 = arith.select %eq3A_137, %iota3A_2, %broadcast_in_dim3A_139 : vector<8x10240xi1>, vector<8x10240xi32>
    %reduce_min3A_141 = arith.constant dense<2147483647> : vector<8xi32>
    %reduce_min3A_142 = vector.multi_reduction <minsi>, %select_n3A_140, %reduce_min3A_141 [1] : vector<8x10240xi32> to vector<8xi32>
    %broadcast_in_dim3A_143 = vector.shape_cast %reduce_min3A_142 : vector<8xi32> to vector<8x1xi32>
    %gt3A_144 = arith.constant 0xFF800000 : f32
    %gt3A_145 = vector.broadcast %gt3A_144 : f32 to vector<8x1xf32>
    %gt3A_146 = arith.cmpf ogt, %broadcast_in_dim3A_135, %gt3A_145 : vector<8x1xf32>
    %jit3A_147 = arith.constant 10000 : i32
    %broadcast_in_dim3A_148 = vector.broadcast %jit3A_147 : i32 to vector<8x1xi32>
    %select_n3A_149 = arith.select %gt3A_146, %broadcast_in_dim3A_143, %broadcast_in_dim3A_148 : vector<8x1xi1>, vector<8x1xi32>
    %swap3A_150 = arith.constant 0 : index
    %swap3A_151 = arith.constant 5 : index
    %swap3A_152 = vector.load %arg3[%swap3A_150, %swap3A_151] : memref<8x30xi32, #tpu.memory_space<vmem>>, vector<8x1xi32>
    tpu.vector_store %arg3[%swap3A_150, %swap3A_151], %select_n3A_149 {strides = array<i32>} : memref<8x30xi32, #tpu.memory_space<vmem>>, vector<8x1xi32>,
    %eq3A_153 = vector.broadcast %broadcast_in_dim3A_143 : vector<8x1xi32> to vector<8x10240xi32>
    %eq3A_154 = arith.cmpi eq, %iota3A_2, %eq3A_153 : vector<8x10240xi32>
    %jit3A_155 = arith.constant 0xFF800000 : f32
    %broadcast_in_dim3A_156 = vector.broadcast %jit3A_155 : f32 to vector<8x10240xf32>
    %select_n3A_157 = arith.select %eq3A_154, %broadcast_in_dim3A_156, %select_n3A_132 : vector<8x10240xi1>, vector<8x10240xf32>
    %reduce_max3A_158 = arith.constant dense<0xFF800000> : vector<8xf32>
    %reduce_max3A_159 = vector.multi_reduction <maximumf>, %select_n3A_157, %reduce_max3A_158 [1] : vector<8x10240xf32> to vector<8xf32>
    %broadcast_in_dim3A_160 = vector.shape_cast %reduce_max3A_159 : vector<8xf32> to vector<8x1xf32>
    %eq3A_161 = vector.broadcast %broadcast_in_dim3A_160 : vector<8x1xf32> to vector<8x10240xf32>
    %eq3A_162 = arith.cmpf oeq, %select_n3A_157, %eq3A_161 : vector<8x10240xf32>
    %jit3A_163 = arith.constant 1073741824 : i32
    %broadcast_in_dim3A_164 = vector.broadcast %jit3A_163 : i32 to vector<8x10240xi32>
    %select_n3A_165 = arith.select %eq3A_162, %iota3A_2, %broadcast_in_dim3A_164 : vector<8x10240xi1>, vector<8x10240xi32>
    %reduce_min3A_166 = arith.constant dense<2147483647> : vector<8xi32>
    %reduce_min3A_167 = vector.multi_reduction <minsi>, %select_n3A_165, %reduce_min3A_166 [1] : vector<8x10240xi32> to vector<8xi32>
    %broadcast_in_dim3A_168 = vector.shape_cast %reduce_min3A_167 : vector<8xi32> to vector<8x1xi32>
    %gt3A_169 = arith.constant 0xFF800000 : f32
    %gt3A_170 = vector.broadcast %gt3A_169 : f32 to vector<8x1xf32>
    %gt3A_171 = arith.cmpf ogt, %broadcast_in_dim3A_160, %gt3A_170 : vector<8x1xf32>
    %jit3A_172 = arith.constant 10000 : i32
    %broadcast_in_dim3A_173 = vector.broadcast %jit3A_172 : i32 to vector<8x1xi32>
    %select_n3A_174 = arith.select %gt3A_171, %broadcast_in_dim3A_168, %broadcast_in_dim3A_173 : vector<8x1xi1>, vector<8x1xi32>
    %swap3A_175 = arith.constant 0 : index
    %swap3A_176 = arith.constant 6 : index
    %swap3A_177 = vector.load %arg3[%swap3A_175, %swap3A_176] : memref<8x30xi32, #tpu.memory_space<vmem>>, vector<8x1xi32>
    tpu.vector_store %arg3[%swap3A_175, %swap3A_176], %select_n3A_174 {strides = array<i32>} : memref<8x30xi32, #tpu.memory_space<vmem>>, vector<8x1xi32>,
    %eq3A_178 = vector.broadcast %broadcast_in_dim3A_168 : vector<8x1xi32> to vector<8x10240xi32>
    %eq3A_179 = arith.cmpi eq, %iota3A_2, %eq3A_178 : vector<8x10240xi32>
    %jit3A_180 = arith.constant 0xFF800000 : f32
    %broadcast_in_dim3A_181 = vector.broadcast %jit3A_180 : f32 to vector<8x10240xf32>
    %select_n3A_182 = arith.select %eq3A_179, %broadcast_in_dim3A_181, %select_n3A_157 : vector<8x10240xi1>, vector<8x10240xf32>
    %reduce_max3A_183 = arith.constant dense<0xFF800000> : vector<8xf32>
    %reduce_max3A_184 = vector.multi_reduction <maximumf>, %select_n3A_182, %reduce_max3A_183 [1] : vector<8x10240xf32> to vector<8xf32>
    %broadcast_in_dim3A_185 = vector.shape_cast %reduce_max3A_184 : vector<8xf32> to vector<8x1xf32>
    %eq3A_186 = vector.broadcast %broadcast_in_dim3A_185 : vector<8x1xf32> to vector<8x10240xf32>
    %eq3A_187 = arith.cmpf oeq, %select_n3A_182, %eq3A_186 : vector<8x10240xf32>
    %jit3A_188 = arith.constant 1073741824 : i32
    %broadcast_in_dim3A_189 = vector.broadcast %jit3A_188 : i32 to vector<8x10240xi32>
    %select_n3A_190 = arith.select %eq3A_187, %iota3A_2, %broadcast_in_dim3A_189 : vector<8x10240xi1>, vector<8x10240xi32>
    %reduce_min3A_191 = arith.constant dense<2147483647> : vector<8xi32>
    %reduce_min3A_192 = vector.multi_reduction <minsi>, %select_n3A_190, %reduce_min3A_191 [1] : vector<8x10240xi32> to vector<8xi32>
    %broadcast_in_dim3A_193 = vector.shape_cast %reduce_min3A_192 : vector<8xi32> to vector<8x1xi32>
    %gt3A_194 = arith.constant 0xFF800000 : f32
    %gt3A_195 = vector.broadcast %gt3A_194 : f32 to vector<8x1xf32>
    %gt3A_196 = arith.cmpf ogt, %broadcast_in_dim3A_185, %gt3A_195 : vector<8x1xf32>
    %jit3A_197 = arith.constant 10000 : i32
    %broadcast_in_dim3A_198 = vector.broadcast %jit3A_197 : i32 to vector<8x1xi32>
    %select_n3A_199 = arith.select %gt3A_196, %broadcast_in_dim3A_193, %broadcast_in_dim3A_198 : vector<8x1xi1>, vector<8x1xi32>
    %swap3A_200 = arith.constant 0 : index
    %swap3A_201 = arith.constant 7 : index
    %swap3A_202 = vector.load %arg3[%swap3A_200, %swap3A_201] : memref<8x30xi32, #tpu.memory_space<vmem>>, vector<8x1xi32>
    tpu.vector_store %arg3[%swap3A_200, %swap3A_201], %select_n3A_199 {strides = array<i32>} : memref<8x30xi32, #tpu.memory_space<vmem>>, vector<8x1xi32>,
    %eq3A_203 = vector.broadcast %broadcast_in_dim3A_193 : vector<8x1xi32> to vector<8x10240xi32>
    %eq3A_204 = arith.cmpi eq, %iota3A_2, %eq3A_203 : vector<8x10240xi32>
    %jit3A_205 = arith.constant 0xFF800000 : f32
    %broadcast_in_dim3A_206 = vector.broadcast %jit3A_205 : f32 to vector<8x10240xf32>
    %select_n3A_207 = arith.select %eq3A_204, %broadcast_in_dim3A_206, %select_n3A_182 : vector<8x10240xi1>, vector<8x10240xf32>
    %reduce_max3A_208 = arith.constant dense<0xFF800000> : vector<8xf32>
    %reduce_max3A_209 = vector.multi_reduction <maximumf>, %select_n3A_207, %reduce_max3A_208 [1] : vector<8x10240xf32> to vector<8xf32>
    %broadcast_in_dim3A_210 = vector.shape_cast %reduce_max3A_209 : vector<8xf32> to vector<8x1xf32>
    %eq3A_211 = vector.broadcast %broadcast_in_dim3A_210 : vector<8x1xf32> to vector<8x10240xf32>
    %eq3A_212 = arith.cmpf oeq, %select_n3A_207, %eq3A_211 : vector<8x10240xf32>
    %jit3A_213 = arith.constant 1073741824 : i32
    %broadcast_in_dim3A_214 = vector.broadcast %jit3A_213 : i32 to vector<8x10240xi32>
    %select_n3A_215 = arith.select %eq3A_212, %iota3A_2, %broadcast_in_dim3A_214 : vector<8x10240xi1>, vector<8x10240xi32>
    %reduce_min3A_216 = arith.constant dense<2147483647> : vector<8xi32>
    %reduce_min3A_217 = vector.multi_reduction <minsi>, %select_n3A_215, %reduce_min3A_216 [1] : vector<8x10240xi32> to vector<8xi32>
    %broadcast_in_dim3A_218 = vector.shape_cast %reduce_min3A_217 : vector<8xi32> to vector<8x1xi32>
    %gt3A_219 = arith.constant 0xFF800000 : f32
    %gt3A_220 = vector.broadcast %gt3A_219 : f32 to vector<8x1xf32>
    %gt3A_221 = arith.cmpf ogt, %broadcast_in_dim3A_210, %gt3A_220 : vector<8x1xf32>
    %jit3A_222 = arith.constant 10000 : i32
    %broadcast_in_dim3A_223 = vector.broadcast %jit3A_222 : i32 to vector<8x1xi32>
    %select_n3A_224 = arith.select %gt3A_221, %broadcast_in_dim3A_218, %broadcast_in_dim3A_223 : vector<8x1xi1>, vector<8x1xi32>
    %swap3A_225 = arith.constant 0 : index
    %swap3A_226 = arith.constant 8 : index
    %swap3A_227 = vector.load %arg3[%swap3A_225, %swap3A_226] : memref<8x30xi32, #tpu.memory_space<vmem>>, vector<8x1xi32>
    tpu.vector_store %arg3[%swap3A_225, %swap3A_226], %select_n3A_224 {strides = array<i32>} : memref<8x30xi32, #tpu.memory_space<vmem>>, vector<8x1xi32>,
    %eq3A_228 = vector.broadcast %broadcast_in_dim3A_218 : vector<8x1xi32> to vector<8x10240xi32>
    %eq3A_229 = arith.cmpi eq, %iota3A_2, %eq3A_228 : vector<8x10240xi32>
    %jit3A_230 = arith.constant 0xFF800000 : f32
    %broadcast_in_dim3A_231 = vector.broadcast %jit3A_230 : f32 to vector<8x10240xf32>
    %select_n3A_232 = arith.select %eq3A_229, %broadcast_in_dim3A_231, %select_n3A_207 : vector<8x10240xi1>, vector<8x10240xf32>
    %reduce_max3A_233 = arith.constant dense<0xFF800000> : vector<8xf32>
    %reduce_max3A_234 = vector.multi_reduction <maximumf>, %select_n3A_232, %reduce_max3A_233 [1] : vector<8x10240xf32> to vector<8xf32>
    %broadcast_in_dim3A_235 = vector.shape_cast %reduce_max3A_234 : vector<8xf32> to vector<8x1xf32>
    %eq3A_236 = vector.broadcast %broadcast_in_dim3A_235 : vector<8x1xf32> to vector<8x10240xf32>
    %eq3A_237 = arith.cmpf oeq, %select_n3A_232, %eq3A_236 : vector<8x10240xf32>
    %jit3A_238 = arith.constant 1073741824 : i32
    %broadcast_in_dim3A_239 = vector.broadcast %jit3A_238 : i32 to vector<8x10240xi32>
    %select_n3A_240 = arith.select %eq3A_237, %iota3A_2, %broadcast_in_dim3A_239 : vector<8x10240xi1>, vector<8x10240xi32>
    %reduce_min3A_241 = arith.constant dense<2147483647> : vector<8xi32>
    %reduce_min3A_242 = vector.multi_reduction <minsi>, %select_n3A_240, %reduce_min3A_241 [1] : vector<8x10240xi32> to vector<8xi32>
    %broadcast_in_dim3A_243 = vector.shape_cast %reduce_min3A_242 : vector<8xi32> to vector<8x1xi32>
    %gt3A_244 = arith.constant 0xFF800000 : f32
    %gt3A_245 = vector.broadcast %gt3A_244 : f32 to vector<8x1xf32>
    %gt3A_246 = arith.cmpf ogt, %broadcast_in_dim3A_235, %gt3A_245 : vector<8x1xf32>
    %jit3A_247 = arith.constant 10000 : i32
    %broadcast_in_dim3A_248 = vector.broadcast %jit3A_247 : i32 to vector<8x1xi32>
    %select_n3A_249 = arith.select %gt3A_246, %broadcast_in_dim3A_243, %broadcast_in_dim3A_248 : vector<8x1xi1>, vector<8x1xi32>
    %swap3A_250 = arith.constant 0 : index
    %swap3A_251 = arith.constant 9 : index
    %swap3A_252 = vector.load %arg3[%swap3A_250, %swap3A_251] : memref<8x30xi32, #tpu.memory_space<vmem>>, vector<8x1xi32>
    tpu.vector_store %arg3[%swap3A_250, %swap3A_251], %select_n3A_249 {strides = array<i32>} : memref<8x30xi32, #tpu.memory_space<vmem>>, vector<8x1xi32>,
    %eq3A_253 = vector.broadcast %broadcast_in_dim3A_243 : vector<8x1xi32> to vector<8x10240xi32>
    %eq3A_254 = arith.cmpi eq, %iota3A_2, %eq3A_253 : vector<8x10240xi32>
    %jit3A_255 = arith.constant 0xFF800000 : f32
    %broadcast_in_dim3A_256 = vector.broadcast %jit3A_255 : f32 to vector<8x10240xf32>
    %select_n3A_257 = arith.select %eq3A_254, %broadcast_in_dim3A_256, %select_n3A_232 : vector<8x10240xi1>, vector<8x10240xf32>
    %reduce_max3A_258 = arith.constant dense<0xFF800000> : vector<8xf32>
    %reduce_max3A_259 = vector.multi_reduction <maximumf>, %select_n3A_257, %reduce_max3A_258 [1] : vector<8x10240xf32> to vector<8xf32>
    %broadcast_in_dim3A_260 = vector.shape_cast %reduce_max3A_259 : vector<8xf32> to vector<8x1xf32>
    %eq3A_261 = vector.broadcast %broadcast_in_dim3A_260 : vector<8x1xf32> to vector<8x10240xf32>
    %eq3A_262 = arith.cmpf oeq, %select_n3A_257, %eq3A_261 : vector<8x10240xf32>
    %jit3A_263 = arith.constant 1073741824 : i32
    %broadcast_in_dim3A_264 = vector.broadcast %jit3A_263 : i32 to vector<8x10240xi32>
    %select_n3A_265 = arith.select %eq3A_262, %iota3A_2, %broadcast_in_dim3A_264 : vector<8x10240xi1>, vector<8x10240xi32>
    %reduce_min3A_266 = arith.constant dense<2147483647> : vector<8xi32>
    %reduce_min3A_267 = vector.multi_reduction <minsi>, %select_n3A_265, %reduce_min3A_266 [1] : vector<8x10240xi32> to vector<8xi32>
    %broadcast_in_dim3A_268 = vector.shape_cast %reduce_min3A_267 : vector<8xi32> to vector<8x1xi32>
    %gt3A_269 = arith.constant 0xFF800000 : f32
    %gt3A_270 = vector.broadcast %gt3A_269 : f32 to vector<8x1xf32>
    %gt3A_271 = arith.cmpf ogt, %broadcast_in_dim3A_260, %gt3A_270 : vector<8x1xf32>
    %jit3A_272 = arith.constant 10000 : i32
    %broadcast_in_dim3A_273 = vector.broadcast %jit3A_272 : i32 to vector<8x1xi32>
    %select_n3A_274 = arith.select %gt3A_271, %broadcast_in_dim3A_268, %broadcast_in_dim3A_273 : vector<8x1xi1>, vector<8x1xi32>
    %swap3A_275 = arith.constant 0 : index
    %swap3A_276 = arith.constant 10 : index
    %swap3A_277 = vector.load %arg3[%swap3A_275, %swap3A_276] : memref<8x30xi32, #tpu.memory_space<vmem>>, vector<8x1xi32>
    tpu.vector_store %arg3[%swap3A_275, %swap3A_276], %select_n3A_274 {strides = array<i32>} : memref<8x30xi32, #tpu.memory_space<vmem>>, vector<8x1xi32>,
    %eq3A_278 = vector.broadcast %broadcast_in_dim3A_268 : vector<8x1xi32> to vector<8x10240xi32>
    %eq3A_279 = arith.cmpi eq, %iota3A_2, %eq3A_278 : vector<8x10240xi32>
    %jit3A_280 = arith.constant 0xFF800000 : f32
    %broadcast_in_dim3A_281 = vector.broadcast %jit3A_280 : f32 to vector<8x10240xf32>
    %select_n3A_282 = arith.select %eq3A_279, %broadcast_in_dim3A_281, %select_n3A_257 : vector<8x10240xi1>, vector<8x10240xf32>
    %reduce_max3A_283 = arith.constant dense<0xFF800000> : vector<8xf32>
    %reduce_max3A_284 = vector.multi_reduction <maximumf>, %select_n3A_282, %reduce_max3A_283 [1] : vector<8x10240xf32> to vector<8xf32>
    %broadcast_in_dim3A_285 = vector.shape_cast %reduce_max3A_284 : vector<8xf32> to vector<8x1xf32>
    %eq3A_286 = vector.broadcast %broadcast_in_dim3A_285 : vector<8x1xf32> to vector<8x10240xf32>
    %eq3A_287 = arith.cmpf oeq, %select_n3A_282, %eq3A_286 : vector<8x10240xf32>
    %jit3A_288 = arith.constant 1073741824 : i32
    %broadcast_in_dim3A_289 = vector.broadcast %jit3A_288 : i32 to vector<8x10240xi32>
    %select_n3A_290 = arith.select %eq3A_287, %iota3A_2, %broadcast_in_dim3A_289 : vector<8x10240xi1>, vector<8x10240xi32>
    %reduce_min3A_291 = arith.constant dense<2147483647> : vector<8xi32>
    %reduce_min3A_292 = vector.multi_reduction <minsi>, %select_n3A_290, %reduce_min3A_291 [1] : vector<8x10240xi32> to vector<8xi32>
    %broadcast_in_dim3A_293 = vector.shape_cast %reduce_min3A_292 : vector<8xi32> to vector<8x1xi32>
    %gt3A_294 = arith.constant 0xFF800000 : f32
    %gt3A_295 = vector.broadcast %gt3A_294 : f32 to vector<8x1xf32>
    %gt3A_296 = arith.cmpf ogt, %broadcast_in_dim3A_285, %gt3A_295 : vector<8x1xf32>
    %jit3A_297 = arith.constant 10000 : i32
    %broadcast_in_dim3A_298 = vector.broadcast %jit3A_297 : i32 to vector<8x1xi32>
    %select_n3A_299 = arith.select %gt3A_296, %broadcast_in_dim3A_293, %broadcast_in_dim3A_298 : vector<8x1xi1>, vector<8x1xi32>
    %swap3A_300 = arith.constant 0 : index
    %swap3A_301 = arith.constant 11 : index
    %swap3A_302 = vector.load %arg3[%swap3A_300, %swap3A_301] : memref<8x30xi32, #tpu.memory_space<vmem>>, vector<8x1xi32>
    tpu.vector_store %arg3[%swap3A_300, %swap3A_301], %select_n3A_299 {strides = array<i32>} : memref<8x30xi32, #tpu.memory_space<vmem>>, vector<8x1xi32>,
    %eq3A_303 = vector.broadcast %broadcast_in_dim3A_293 : vector<8x1xi32> to vector<8x10240xi32>
    %eq3A_304 = arith.cmpi eq, %iota3A_2, %eq3A_303 : vector<8x10240xi32>
    %jit3A_305 = arith.constant 0xFF800000 : f32
    %broadcast_in_dim3A_306 = vector.broadcast %jit3A_305 : f32 to vector<8x10240xf32>
    %select_n3A_307 = arith.select %eq3A_304, %broadcast_in_dim3A_306, %select_n3A_282 : vector<8x10240xi1>, vector<8x10240xf32>
    %reduce_max3A_308 = arith.constant dense<0xFF800000> : vector<8xf32>
    %reduce_max3A_309 = vector.multi_reduction <maximumf>, %select_n3A_307, %reduce_max3A_308 [1] : vector<8x10240xf32> to vector<8xf32>
    %broadcast_in_dim3A_310 = vector.shape_cast %reduce_max3A_309 : vector<8xf32> to vector<8x1xf32>
    %eq3A_311 = vector.broadcast %broadcast_in_dim3A_310 : vector<8x1xf32> to vector<8x10240xf32>
    %eq3A_312 = arith.cmpf oeq, %select_n3A_307, %eq3A_311 : vector<8x10240xf32>
    %jit3A_313 = arith.constant 1073741824 : i32
    %broadcast_in_dim3A_314 = vector.broadcast %jit3A_313 : i32 to vector<8x10240xi32>
    %select_n3A_315 = arith.select %eq3A_312, %iota3A_2, %broadcast_in_dim3A_314 : vector<8x10240xi1>, vector<8x10240xi32>
    %reduce_min3A_316 = arith.constant dense<2147483647> : vector<8xi32>
    %reduce_min3A_317 = vector.multi_reduction <minsi>, %select_n3A_315, %reduce_min3A_316 [1] : vector<8x10240xi32> to vector<8xi32>
    %broadcast_in_dim3A_318 = vector.shape_cast %reduce_min3A_317 : vector<8xi32> to vector<8x1xi32>
    %gt3A_319 = arith.constant 0xFF800000 : f32
    %gt3A_320 = vector.broadcast %gt3A_319 : f32 to vector<8x1xf32>
    %gt3A_321 = arith.cmpf ogt, %broadcast_in_dim3A_310, %gt3A_320 : vector<8x1xf32>
    %jit3A_322 = arith.constant 10000 : i32
    %broadcast_in_dim3A_323 = vector.broadcast %jit3A_322 : i32 to vector<8x1xi32>
    %select_n3A_324 = arith.select %gt3A_321, %broadcast_in_dim3A_318, %broadcast_in_dim3A_323 : vector<8x1xi1>, vector<8x1xi32>
    %swap3A_325 = arith.constant 0 : index
    %swap3A_326 = arith.constant 12 : index
    %swap3A_327 = vector.load %arg3[%swap3A_325, %swap3A_326] : memref<8x30xi32, #tpu.memory_space<vmem>>, vector<8x1xi32>
    tpu.vector_store %arg3[%swap3A_325, %swap3A_326], %select_n3A_324 {strides = array<i32>} : memref<8x30xi32, #tpu.memory_space<vmem>>, vector<8x1xi32>,
    %eq3A_328 = vector.broadcast %broadcast_in_dim3A_318 : vector<8x1xi32> to vector<8x10240xi32>
    %eq3A_329 = arith.cmpi eq, %iota3A_2, %eq3A_328 : vector<8x10240xi32>
    %jit3A_330 = arith.constant 0xFF800000 : f32
    %broadcast_in_dim3A_331 = vector.broadcast %jit3A_330 : f32 to vector<8x10240xf32>
    %select_n3A_332 = arith.select %eq3A_329, %broadcast_in_dim3A_331, %select_n3A_307 : vector<8x10240xi1>, vector<8x10240xf32>
    %reduce_max3A_333 = arith.constant dense<0xFF800000> : vector<8xf32>
    %reduce_max3A_334 = vector.multi_reduction <maximumf>, %select_n3A_332, %reduce_max3A_333 [1] : vector<8x10240xf32> to vector<8xf32>
    %broadcast_in_dim3A_335 = vector.shape_cast %reduce_max3A_334 : vector<8xf32> to vector<8x1xf32>
    %eq3A_336 = vector.broadcast %broadcast_in_dim3A_335 : vector<8x1xf32> to vector<8x10240xf32>
    %eq3A_337 = arith.cmpf oeq, %select_n3A_332, %eq3A_336 : vector<8x10240xf32>
    %jit3A_338 = arith.constant 1073741824 : i32
    %broadcast_in_dim3A_339 = vector.broadcast %jit3A_338 : i32 to vector<8x10240xi32>
    %select_n3A_340 = arith.select %eq3A_337, %iota3A_2, %broadcast_in_dim3A_339 : vector<8x10240xi1>, vector<8x10240xi32>
    %reduce_min3A_341 = arith.constant dense<2147483647> : vector<8xi32>
    %reduce_min3A_342 = vector.multi_reduction <minsi>, %select_n3A_340, %reduce_min3A_341 [1] : vector<8x10240xi32> to vector<8xi32>
    %broadcast_in_dim3A_343 = vector.shape_cast %reduce_min3A_342 : vector<8xi32> to vector<8x1xi32>
    %gt3A_344 = arith.constant 0xFF800000 : f32
    %gt3A_345 = vector.broadcast %gt3A_344 : f32 to vector<8x1xf32>
    %gt3A_346 = arith.cmpf ogt, %broadcast_in_dim3A_335, %gt3A_345 : vector<8x1xf32>
    %jit3A_347 = arith.constant 10000 : i32
    %broadcast_in_dim3A_348 = vector.broadcast %jit3A_347 : i32 to vector<8x1xi32>
    %select_n3A_349 = arith.select %gt3A_346, %broadcast_in_dim3A_343, %broadcast_in_dim3A_348 : vector<8x1xi1>, vector<8x1xi32>
    %swap3A_350 = arith.constant 0 : index
    %swap3A_351 = arith.constant 13 : index
    %swap3A_352 = vector.load %arg3[%swap3A_350, %swap3A_351] : memref<8x30xi32, #tpu.memory_space<vmem>>, vector<8x1xi32>
    tpu.vector_store %arg3[%swap3A_350, %swap3A_351], %select_n3A_349 {strides = array<i32>} : memref<8x30xi32, #tpu.memory_space<vmem>>, vector<8x1xi32>,
    %eq3A_353 = vector.broadcast %broadcast_in_dim3A_343 : vector<8x1xi32> to vector<8x10240xi32>
    %eq3A_354 = arith.cmpi eq, %iota3A_2, %eq3A_353 : vector<8x10240xi32>
    %jit3A_355 = arith.constant 0xFF800000 : f32
    %broadcast_in_dim3A_356 = vector.broadcast %jit3A_355 : f32 to vector<8x10240xf32>
    %select_n3A_357 = arith.select %eq3A_354, %broadcast_in_dim3A_356, %select_n3A_332 : vector<8x10240xi1>, vector<8x10240xf32>
    %reduce_max3A_358 = arith.constant dense<0xFF800000> : vector<8xf32>
    %reduce_max3A_359 = vector.multi_reduction <maximumf>, %select_n3A_357, %reduce_max3A_358 [1] : vector<8x10240xf32> to vector<8xf32>
    %broadcast_in_dim3A_360 = vector.shape_cast %reduce_max3A_359 : vector<8xf32> to vector<8x1xf32>
    %eq3A_361 = vector.broadcast %broadcast_in_dim3A_360 : vector<8x1xf32> to vector<8x10240xf32>
    %eq3A_362 = arith.cmpf oeq, %select_n3A_357, %eq3A_361 : vector<8x10240xf32>
    %jit3A_363 = arith.constant 1073741824 : i32
    %broadcast_in_dim3A_364 = vector.broadcast %jit3A_363 : i32 to vector<8x10240xi32>
    %select_n3A_365 = arith.select %eq3A_362, %iota3A_2, %broadcast_in_dim3A_364 : vector<8x10240xi1>, vector<8x10240xi32>
    %reduce_min3A_366 = arith.constant dense<2147483647> : vector<8xi32>
    %reduce_min3A_367 = vector.multi_reduction <minsi>, %select_n3A_365, %reduce_min3A_366 [1] : vector<8x10240xi32> to vector<8xi32>
    %broadcast_in_dim3A_368 = vector.shape_cast %reduce_min3A_367 : vector<8xi32> to vector<8x1xi32>
    %gt3A_369 = arith.constant 0xFF800000 : f32
    %gt3A_370 = vector.broadcast %gt3A_369 : f32 to vector<8x1xf32>
    %gt3A_371 = arith.cmpf ogt, %broadcast_in_dim3A_360, %gt3A_370 : vector<8x1xf32>
    %jit3A_372 = arith.constant 10000 : i32
    %broadcast_in_dim3A_373 = vector.broadcast %jit3A_372 : i32 to vector<8x1xi32>
    %select_n3A_374 = arith.select %gt3A_371, %broadcast_in_dim3A_368, %broadcast_in_dim3A_373 : vector<8x1xi1>, vector<8x1xi32>
    %swap3A_375 = arith.constant 0 : index
    %swap3A_376 = arith.constant 14 : index
    %swap3A_377 = vector.load %arg3[%swap3A_375, %swap3A_376] : memref<8x30xi32, #tpu.memory_space<vmem>>, vector<8x1xi32>
    tpu.vector_store %arg3[%swap3A_375, %swap3A_376], %select_n3A_374 {strides = array<i32>} : memref<8x30xi32, #tpu.memory_space<vmem>>, vector<8x1xi32>,
    %eq3A_378 = vector.broadcast %broadcast_in_dim3A_368 : vector<8x1xi32> to vector<8x10240xi32>
    %eq3A_379 = arith.cmpi eq, %iota3A_2, %eq3A_378 : vector<8x10240xi32>
    %jit3A_380 = arith.constant 0xFF800000 : f32
    %broadcast_in_dim3A_381 = vector.broadcast %jit3A_380 : f32 to vector<8x10240xf32>
    %select_n3A_382 = arith.select %eq3A_379, %broadcast_in_dim3A_381, %select_n3A_357 : vector<8x10240xi1>, vector<8x10240xf32>
    %reduce_max3A_383 = arith.constant dense<0xFF800000> : vector<8xf32>
    %reduce_max3A_384 = vector.multi_reduction <maximumf>, %select_n3A_382, %reduce_max3A_383 [1] : vector<8x10240xf32> to vector<8xf32>
    %broadcast_in_dim3A_385 = vector.shape_cast %reduce_max3A_384 : vector<8xf32> to vector<8x1xf32>
    %eq3A_386 = vector.broadcast %broadcast_in_dim3A_385 : vector<8x1xf32> to vector<8x10240xf32>
    %eq3A_387 = arith.cmpf oeq, %select_n3A_382, %eq3A_386 : vector<8x10240xf32>
    %jit3A_388 = arith.constant 1073741824 : i32
    %broadcast_in_dim3A_389 = vector.broadcast %jit3A_388 : i32 to vector<8x10240xi32>
    %select_n3A_390 = arith.select %eq3A_387, %iota3A_2, %broadcast_in_dim3A_389 : vector<8x10240xi1>, vector<8x10240xi32>
    %reduce_min3A_391 = arith.constant dense<2147483647> : vector<8xi32>
    %reduce_min3A_392 = vector.multi_reduction <minsi>, %select_n3A_390, %reduce_min3A_391 [1] : vector<8x10240xi32> to vector<8xi32>
    %broadcast_in_dim3A_393 = vector.shape_cast %reduce_min3A_392 : vector<8xi32> to vector<8x1xi32>
    %gt3A_394 = arith.constant 0xFF800000 : f32
    %gt3A_395 = vector.broadcast %gt3A_394 : f32 to vector<8x1xf32>
    %gt3A_396 = arith.cmpf ogt, %broadcast_in_dim3A_385, %gt3A_395 : vector<8x1xf32>
    %jit3A_397 = arith.constant 10000 : i32
    %broadcast_in_dim3A_398 = vector.broadcast %jit3A_397 : i32 to vector<8x1xi32>
    %select_n3A_399 = arith.select %gt3A_396, %broadcast_in_dim3A_393, %broadcast_in_dim3A_398 : vector<8x1xi1>, vector<8x1xi32>
    %swap3A_400 = arith.constant 0 : index
    %swap3A_401 = arith.constant 15 : index
    %swap3A_402 = vector.load %arg3[%swap3A_400, %swap3A_401] : memref<8x30xi32, #tpu.memory_space<vmem>>, vector<8x1xi32>
    tpu.vector_store %arg3[%swap3A_400, %swap3A_401], %select_n3A_399 {strides = array<i32>} : memref<8x30xi32, #tpu.memory_space<vmem>>, vector<8x1xi32>,
    %eq3A_403 = vector.broadcast %broadcast_in_dim3A_393 : vector<8x1xi32> to vector<8x10240xi32>
    %eq3A_404 = arith.cmpi eq, %iota3A_2, %eq3A_403 : vector<8x10240xi32>
    %jit3A_405 = arith.constant 0xFF800000 : f32
    %broadcast_in_dim3A_406 = vector.broadcast %jit3A_405 : f32 to vector<8x10240xf32>
    %select_n3A_407 = arith.select %eq3A_404, %broadcast_in_dim3A_406, %select_n3A_382 : vector<8x10240xi1>, vector<8x10240xf32>
    %reduce_max3A_408 = arith.constant dense<0xFF800000> : vector<8xf32>
    %reduce_max3A_409 = vector.multi_reduction <maximumf>, %select_n3A_407, %reduce_max3A_408 [1] : vector<8x10240xf32> to vector<8xf32>
    %broadcast_in_dim3A_410 = vector.shape_cast %reduce_max3A_409 : vector<8xf32> to vector<8x1xf32>
    %eq3A_411 = vector.broadcast %broadcast_in_dim3A_410 : vector<8x1xf32> to vector<8x10240xf32>
    %eq3A_412 = arith.cmpf oeq, %select_n3A_407, %eq3A_411 : vector<8x10240xf32>
    %jit3A_413 = arith.constant 1073741824 : i32
    %broadcast_in_dim3A_414 = vector.broadcast %jit3A_413 : i32 to vector<8x10240xi32>
    %select_n3A_415 = arith.select %eq3A_412, %iota3A_2, %broadcast_in_dim3A_414 : vector<8x10240xi1>, vector<8x10240xi32>
    %reduce_min3A_416 = arith.constant dense<2147483647> : vector<8xi32>
    %reduce_min3A_417 = vector.multi_reduction <minsi>, %select_n3A_415, %reduce_min3A_416 [1] : vector<8x10240xi32> to vector<8xi32>
    %broadcast_in_dim3A_418 = vector.shape_cast %reduce_min3A_417 : vector<8xi32> to vector<8x1xi32>
    %gt3A_419 = arith.constant 0xFF800000 : f32
    %gt3A_420 = vector.broadcast %gt3A_419 : f32 to vector<8x1xf32>
    %gt3A_421 = arith.cmpf ogt, %broadcast_in_dim3A_410, %gt3A_420 : vector<8x1xf32>
    %jit3A_422 = arith.constant 10000 : i32
    %broadcast_in_dim3A_423 = vector.broadcast %jit3A_422 : i32 to vector<8x1xi32>
    %select_n3A_424 = arith.select %gt3A_421, %broadcast_in_dim3A_418, %broadcast_in_dim3A_423 : vector<8x1xi1>, vector<8x1xi32>
    %swap3A_425 = arith.constant 0 : index
    %swap3A_426 = arith.constant 16 : index
    %swap3A_427 = vector.load %arg3[%swap3A_425, %swap3A_426] : memref<8x30xi32, #tpu.memory_space<vmem>>, vector<8x1xi32>
    tpu.vector_store %arg3[%swap3A_425, %swap3A_426], %select_n3A_424 {strides = array<i32>} : memref<8x30xi32, #tpu.memory_space<vmem>>, vector<8x1xi32>,
    %eq3A_428 = vector.broadcast %broadcast_in_dim3A_418 : vector<8x1xi32> to vector<8x10240xi32>
    %eq3A_429 = arith.cmpi eq, %iota3A_2, %eq3A_428 : vector<8x10240xi32>
    %jit3A_430 = arith.constant 0xFF800000 : f32
    %broadcast_in_dim3A_431 = vector.broadcast %jit3A_430 : f32 to vector<8x10240xf32>
    %select_n3A_432 = arith.select %eq3A_429, %broadcast_in_dim3A_431, %select_n3A_407 : vector<8x10240xi1>, vector<8x10240xf32>
    %reduce_max3A_433 = arith.constant dense<0xFF800000> : vector<8xf32>
    %reduce_max3A_434 = vector.multi_reduction <maximumf>, %select_n3A_432, %reduce_max3A_433 [1] : vector<8x10240xf32> to vector<8xf32>
    %broadcast_in_dim3A_435 = vector.shape_cast %reduce_max3A_434 : vector<8xf32> to vector<8x1xf32>
    %eq3A_436 = vector.broadcast %broadcast_in_dim3A_435 : vector<8x1xf32> to vector<8x10240xf32>
    %eq3A_437 = arith.cmpf oeq, %select_n3A_432, %eq3A_436 : vector<8x10240xf32>
    %jit3A_438 = arith.constant 1073741824 : i32
    %broadcast_in_dim3A_439 = vector.broadcast %jit3A_438 : i32 to vector<8x10240xi32>
    %select_n3A_440 = arith.select %eq3A_437, %iota3A_2, %broadcast_in_dim3A_439 : vector<8x10240xi1>, vector<8x10240xi32>
    %reduce_min3A_441 = arith.constant dense<2147483647> : vector<8xi32>
    %reduce_min3A_442 = vector.multi_reduction <minsi>, %select_n3A_440, %reduce_min3A_441 [1] : vector<8x10240xi32> to vector<8xi32>
    %broadcast_in_dim3A_443 = vector.shape_cast %reduce_min3A_442 : vector<8xi32> to vector<8x1xi32>
    %gt3A_444 = arith.constant 0xFF800000 : f32
    %gt3A_445 = vector.broadcast %gt3A_444 : f32 to vector<8x1xf32>
    %gt3A_446 = arith.cmpf ogt, %broadcast_in_dim3A_435, %gt3A_445 : vector<8x1xf32>
    %jit3A_447 = arith.constant 10000 : i32
    %broadcast_in_dim3A_448 = vector.broadcast %jit3A_447 : i32 to vector<8x1xi32>
    %select_n3A_449 = arith.select %gt3A_446, %broadcast_in_dim3A_443, %broadcast_in_dim3A_448 : vector<8x1xi1>, vector<8x1xi32>
    %swap3A_450 = arith.constant 0 : index
    %swap3A_451 = arith.constant 17 : index
    %swap3A_452 = vector.load %arg3[%swap3A_450, %swap3A_451] : memref<8x30xi32, #tpu.memory_space<vmem>>, vector<8x1xi32>
    tpu.vector_store %arg3[%swap3A_450, %swap3A_451], %select_n3A_449 {strides = array<i32>} : memref<8x30xi32, #tpu.memory_space<vmem>>, vector<8x1xi32>,
    %eq3A_453 = vector.broadcast %broadcast_in_dim3A_443 : vector<8x1xi32> to vector<8x10240xi32>
    %eq3A_454 = arith.cmpi eq, %iota3A_2, %eq3A_453 : vector<8x10240xi32>
    %jit3A_455 = arith.constant 0xFF800000 : f32
    %broadcast_in_dim3A_456 = vector.broadcast %jit3A_455 : f32 to vector<8x10240xf32>
    %select_n3A_457 = arith.select %eq3A_454, %broadcast_in_dim3A_456, %select_n3A_432 : vector<8x10240xi1>, vector<8x10240xf32>
    %reduce_max3A_458 = arith.constant dense<0xFF800000> : vector<8xf32>
    %reduce_max3A_459 = vector.multi_reduction <maximumf>, %select_n3A_457, %reduce_max3A_458 [1] : vector<8x10240xf32> to vector<8xf32>
    %broadcast_in_dim3A_460 = vector.shape_cast %reduce_max3A_459 : vector<8xf32> to vector<8x1xf32>
    %eq3A_461 = vector.broadcast %broadcast_in_dim3A_460 : vector<8x1xf32> to vector<8x10240xf32>
    %eq3A_462 = arith.cmpf oeq, %select_n3A_457, %eq3A_461 : vector<8x10240xf32>
    %jit3A_463 = arith.constant 1073741824 : i32
    %broadcast_in_dim3A_464 = vector.broadcast %jit3A_463 : i32 to vector<8x10240xi32>
    %select_n3A_465 = arith.select %eq3A_462, %iota3A_2, %broadcast_in_dim3A_464 : vector<8x10240xi1>, vector<8x10240xi32>
    %reduce_min3A_466 = arith.constant dense<2147483647> : vector<8xi32>
    %reduce_min3A_467 = vector.multi_reduction <minsi>, %select_n3A_465, %reduce_min3A_466 [1] : vector<8x10240xi32> to vector<8xi32>
    %broadcast_in_dim3A_468 = vector.shape_cast %reduce_min3A_467 : vector<8xi32> to vector<8x1xi32>
    %gt3A_469 = arith.constant 0xFF800000 : f32
    %gt3A_470 = vector.broadcast %gt3A_469 : f32 to vector<8x1xf32>
    %gt3A_471 = arith.cmpf ogt, %broadcast_in_dim3A_460, %gt3A_470 : vector<8x1xf32>
    %jit3A_472 = arith.constant 10000 : i32
    %broadcast_in_dim3A_473 = vector.broadcast %jit3A_472 : i32 to vector<8x1xi32>
    %select_n3A_474 = arith.select %gt3A_471, %broadcast_in_dim3A_468, %broadcast_in_dim3A_473 : vector<8x1xi1>, vector<8x1xi32>
    %swap3A_475 = arith.constant 0 : index
    %swap3A_476 = arith.constant 18 : index
    %swap3A_477 = vector.load %arg3[%swap3A_475, %swap3A_476] : memref<8x30xi32, #tpu.memory_space<vmem>>, vector<8x1xi32>
    tpu.vector_store %arg3[%swap3A_475, %swap3A_476], %select_n3A_474 {strides = array<i32>} : memref<8x30xi32, #tpu.memory_space<vmem>>, vector<8x1xi32>,
    %eq3A_478 = vector.broadcast %broadcast_in_dim3A_468 : vector<8x1xi32> to vector<8x10240xi32>
    %eq3A_479 = arith.cmpi eq, %iota3A_2, %eq3A_478 : vector<8x10240xi32>
    %jit3A_480 = arith.constant 0xFF800000 : f32
    %broadcast_in_dim3A_481 = vector.broadcast %jit3A_480 : f32 to vector<8x10240xf32>
    %select_n3A_482 = arith.select %eq3A_479, %broadcast_in_dim3A_481, %select_n3A_457 : vector<8x10240xi1>, vector<8x10240xf32>
    %reduce_max3A_483 = arith.constant dense<0xFF800000> : vector<8xf32>
    %reduce_max3A_484 = vector.multi_reduction <maximumf>, %select_n3A_482, %reduce_max3A_483 [1] : vector<8x10240xf32> to vector<8xf32>
    %broadcast_in_dim3A_485 = vector.shape_cast %reduce_max3A_484 : vector<8xf32> to vector<8x1xf32>
    %eq3A_486 = vector.broadcast %broadcast_in_dim3A_485 : vector<8x1xf32> to vector<8x10240xf32>
    %eq3A_487 = arith.cmpf oeq, %select_n3A_482, %eq3A_486 : vector<8x10240xf32>
    %jit3A_488 = arith.constant 1073741824 : i32
    %broadcast_in_dim3A_489 = vector.broadcast %jit3A_488 : i32 to vector<8x10240xi32>
    %select_n3A_490 = arith.select %eq3A_487, %iota3A_2, %broadcast_in_dim3A_489 : vector<8x10240xi1>, vector<8x10240xi32>
    %reduce_min3A_491 = arith.constant dense<2147483647> : vector<8xi32>
    %reduce_min3A_492 = vector.multi_reduction <minsi>, %select_n3A_490, %reduce_min3A_491 [1] : vector<8x10240xi32> to vector<8xi32>
    %broadcast_in_dim3A_493 = vector.shape_cast %reduce_min3A_492 : vector<8xi32> to vector<8x1xi32>
    %gt3A_494 = arith.constant 0xFF800000 : f32
    %gt3A_495 = vector.broadcast %gt3A_494 : f32 to vector<8x1xf32>
    %gt3A_496 = arith.cmpf ogt, %broadcast_in_dim3A_485, %gt3A_495 : vector<8x1xf32>
    %jit3A_497 = arith.constant 10000 : i32
    %broadcast_in_dim3A_498 = vector.broadcast %jit3A_497 : i32 to vector<8x1xi32>
    %select_n3A_499 = arith.select %gt3A_496, %broadcast_in_dim3A_493, %broadcast_in_dim3A_498 : vector<8x1xi1>, vector<8x1xi32>
    %swap3A_500 = arith.constant 0 : index
    %swap3A_501 = arith.constant 19 : index
    %swap3A_502 = vector.load %arg3[%swap3A_500, %swap3A_501] : memref<8x30xi32, #tpu.memory_space<vmem>>, vector<8x1xi32>
    tpu.vector_store %arg3[%swap3A_500, %swap3A_501], %select_n3A_499 {strides = array<i32>} : memref<8x30xi32, #tpu.memory_space<vmem>>, vector<8x1xi32>,
    %eq3A_503 = vector.broadcast %broadcast_in_dim3A_493 : vector<8x1xi32> to vector<8x10240xi32>
    %eq3A_504 = arith.cmpi eq, %iota3A_2, %eq3A_503 : vector<8x10240xi32>
    %jit3A_505 = arith.constant 0xFF800000 : f32
    %broadcast_in_dim3A_506 = vector.broadcast %jit3A_505 : f32 to vector<8x10240xf32>
    %select_n3A_507 = arith.select %eq3A_504, %broadcast_in_dim3A_506, %select_n3A_482 : vector<8x10240xi1>, vector<8x10240xf32>
    %reduce_max3A_508 = arith.constant dense<0xFF800000> : vector<8xf32>
    %reduce_max3A_509 = vector.multi_reduction <maximumf>, %select_n3A_507, %reduce_max3A_508 [1] : vector<8x10240xf32> to vector<8xf32>
    %broadcast_in_dim3A_510 = vector.shape_cast %reduce_max3A_509 : vector<8xf32> to vector<8x1xf32>
    %eq3A_511 = vector.broadcast %broadcast_in_dim3A_510 : vector<8x1xf32> to vector<8x10240xf32>
    %eq3A_512 = arith.cmpf oeq, %select_n3A_507, %eq3A_511 : vector<8x10240xf32>
    %jit3A_513 = arith.constant 1073741824 : i32
    %broadcast_in_dim3A_514 = vector.broadcast %jit3A_513 : i32 to vector<8x10240xi32>
    %select_n3A_515 = arith.select %eq3A_512, %iota3A_2, %broadcast_in_dim3A_514 : vector<8x10240xi1>, vector<8x10240xi32>
    %reduce_min3A_516 = arith.constant dense<2147483647> : vector<8xi32>
    %reduce_min3A_517 = vector.multi_reduction <minsi>, %select_n3A_515, %reduce_min3A_516 [1] : vector<8x10240xi32> to vector<8xi32>
    %broadcast_in_dim3A_518 = vector.shape_cast %reduce_min3A_517 : vector<8xi32> to vector<8x1xi32>
    %gt3A_519 = arith.constant 0xFF800000 : f32
    %gt3A_520 = vector.broadcast %gt3A_519 : f32 to vector<8x1xf32>
    %gt3A_521 = arith.cmpf ogt, %broadcast_in_dim3A_510, %gt3A_520 : vector<8x1xf32>
    %jit3A_522 = arith.constant 10000 : i32
    %broadcast_in_dim3A_523 = vector.broadcast %jit3A_522 : i32 to vector<8x1xi32>
    %select_n3A_524 = arith.select %gt3A_521, %broadcast_in_dim3A_518, %broadcast_in_dim3A_523 : vector<8x1xi1>, vector<8x1xi32>
    %swap3A_525 = arith.constant 0 : index
    %swap3A_526 = arith.constant 20 : index
    %swap3A_527 = vector.load %arg3[%swap3A_525, %swap3A_526] : memref<8x30xi32, #tpu.memory_space<vmem>>, vector<8x1xi32>
    tpu.vector_store %arg3[%swap3A_525, %swap3A_526], %select_n3A_524 {strides = array<i32>} : memref<8x30xi32, #tpu.memory_space<vmem>>, vector<8x1xi32>,
    %eq3A_528 = vector.broadcast %broadcast_in_dim3A_518 : vector<8x1xi32> to vector<8x10240xi32>
    %eq3A_529 = arith.cmpi eq, %iota3A_2, %eq3A_528 : vector<8x10240xi32>
    %jit3A_530 = arith.constant 0xFF800000 : f32
    %broadcast_in_dim3A_531 = vector.broadcast %jit3A_530 : f32 to vector<8x10240xf32>
    %select_n3A_532 = arith.select %eq3A_529, %broadcast_in_dim3A_531, %select_n3A_507 : vector<8x10240xi1>, vector<8x10240xf32>
    %reduce_max3A_533 = arith.constant dense<0xFF800000> : vector<8xf32>
    %reduce_max3A_534 = vector.multi_reduction <maximumf>, %select_n3A_532, %reduce_max3A_533 [1] : vector<8x10240xf32> to vector<8xf32>
    %broadcast_in_dim3A_535 = vector.shape_cast %reduce_max3A_534 : vector<8xf32> to vector<8x1xf32>
    %eq3A_536 = vector.broadcast %broadcast_in_dim3A_535 : vector<8x1xf32> to vector<8x10240xf32>
    %eq3A_537 = arith.cmpf oeq, %select_n3A_532, %eq3A_536 : vector<8x10240xf32>
    %jit3A_538 = arith.constant 1073741824 : i32
    %broadcast_in_dim3A_539 = vector.broadcast %jit3A_538 : i32 to vector<8x10240xi32>
    %select_n3A_540 = arith.select %eq3A_537, %iota3A_2, %broadcast_in_dim3A_539 : vector<8x10240xi1>, vector<8x10240xi32>
    %reduce_min3A_541 = arith.constant dense<2147483647> : vector<8xi32>
    %reduce_min3A_542 = vector.multi_reduction <minsi>, %select_n3A_540, %reduce_min3A_541 [1] : vector<8x10240xi32> to vector<8xi32>
    %broadcast_in_dim3A_543 = vector.shape_cast %reduce_min3A_542 : vector<8xi32> to vector<8x1xi32>
    %gt3A_544 = arith.constant 0xFF800000 : f32
    %gt3A_545 = vector.broadcast %gt3A_544 : f32 to vector<8x1xf32>
    %gt3A_546 = arith.cmpf ogt, %broadcast_in_dim3A_535, %gt3A_545 : vector<8x1xf32>
    %jit3A_547 = arith.constant 10000 : i32
    %broadcast_in_dim3A_548 = vector.broadcast %jit3A_547 : i32 to vector<8x1xi32>
    %select_n3A_549 = arith.select %gt3A_546, %broadcast_in_dim3A_543, %broadcast_in_dim3A_548 : vector<8x1xi1>, vector<8x1xi32>
    %swap3A_550 = arith.constant 0 : index
    %swap3A_551 = arith.constant 21 : index
    %swap3A_552 = vector.load %arg3[%swap3A_550, %swap3A_551] : memref<8x30xi32, #tpu.memory_space<vmem>>, vector<8x1xi32>
    tpu.vector_store %arg3[%swap3A_550, %swap3A_551], %select_n3A_549 {strides = array<i32>} : memref<8x30xi32, #tpu.memory_space<vmem>>, vector<8x1xi32>,
    %eq3A_553 = vector.broadcast %broadcast_in_dim3A_543 : vector<8x1xi32> to vector<8x10240xi32>
    %eq3A_554 = arith.cmpi eq, %iota3A_2, %eq3A_553 : vector<8x10240xi32>
    %jit3A_555 = arith.constant 0xFF800000 : f32
    %broadcast_in_dim3A_556 = vector.broadcast %jit3A_555 : f32 to vector<8x10240xf32>
    %select_n3A_557 = arith.select %eq3A_554, %broadcast_in_dim3A_556, %select_n3A_532 : vector<8x10240xi1>, vector<8x10240xf32>
    %reduce_max3A_558 = arith.constant dense<0xFF800000> : vector<8xf32>
    %reduce_max3A_559 = vector.multi_reduction <maximumf>, %select_n3A_557, %reduce_max3A_558 [1] : vector<8x10240xf32> to vector<8xf32>
    %broadcast_in_dim3A_560 = vector.shape_cast %reduce_max3A_559 : vector<8xf32> to vector<8x1xf32>
    %eq3A_561 = vector.broadcast %broadcast_in_dim3A_560 : vector<8x1xf32> to vector<8x10240xf32>
    %eq3A_562 = arith.cmpf oeq, %select_n3A_557, %eq3A_561 : vector<8x10240xf32>
    %jit3A_563 = arith.constant 1073741824 : i32
    %broadcast_in_dim3A_564 = vector.broadcast %jit3A_563 : i32 to vector<8x10240xi32>
    %select_n3A_565 = arith.select %eq3A_562, %iota3A_2, %broadcast_in_dim3A_564 : vector<8x10240xi1>, vector<8x10240xi32>
    %reduce_min3A_566 = arith.constant dense<2147483647> : vector<8xi32>
    %reduce_min3A_567 = vector.multi_reduction <minsi>, %select_n3A_565, %reduce_min3A_566 [1] : vector<8x10240xi32> to vector<8xi32>
    %broadcast_in_dim3A_568 = vector.shape_cast %reduce_min3A_567 : vector<8xi32> to vector<8x1xi32>
    %gt3A_569 = arith.constant 0xFF800000 : f32
    %gt3A_570 = vector.broadcast %gt3A_569 : f32 to vector<8x1xf32>
    %gt3A_571 = arith.cmpf ogt, %broadcast_in_dim3A_560, %gt3A_570 : vector<8x1xf32>
    %jit3A_572 = arith.constant 10000 : i32
    %broadcast_in_dim3A_573 = vector.broadcast %jit3A_572 : i32 to vector<8x1xi32>
    %select_n3A_574 = arith.select %gt3A_571, %broadcast_in_dim3A_568, %broadcast_in_dim3A_573 : vector<8x1xi1>, vector<8x1xi32>
    %swap3A_575 = arith.constant 0 : index
    %swap3A_576 = arith.constant 22 : index
    %swap3A_577 = vector.load %arg3[%swap3A_575, %swap3A_576] : memref<8x30xi32, #tpu.memory_space<vmem>>, vector<8x1xi32>
    tpu.vector_store %arg3[%swap3A_575, %swap3A_576], %select_n3A_574 {strides = array<i32>} : memref<8x30xi32, #tpu.memory_space<vmem>>, vector<8x1xi32>,
    %eq3A_578 = vector.broadcast %broadcast_in_dim3A_568 : vector<8x1xi32> to vector<8x10240xi32>
    %eq3A_579 = arith.cmpi eq, %iota3A_2, %eq3A_578 : vector<8x10240xi32>
    %jit3A_580 = arith.constant 0xFF800000 : f32
    %broadcast_in_dim3A_581 = vector.broadcast %jit3A_580 : f32 to vector<8x10240xf32>
    %select_n3A_582 = arith.select %eq3A_579, %broadcast_in_dim3A_581, %select_n3A_557 : vector<8x10240xi1>, vector<8x10240xf32>
    %reduce_max3A_583 = arith.constant dense<0xFF800000> : vector<8xf32>
    %reduce_max3A_584 = vector.multi_reduction <maximumf>, %select_n3A_582, %reduce_max3A_583 [1] : vector<8x10240xf32> to vector<8xf32>
    %broadcast_in_dim3A_585 = vector.shape_cast %reduce_max3A_584 : vector<8xf32> to vector<8x1xf32>
    %eq3A_586 = vector.broadcast %broadcast_in_dim3A_585 : vector<8x1xf32> to vector<8x10240xf32>
    %eq3A_587 = arith.cmpf oeq, %select_n3A_582, %eq3A_586 : vector<8x10240xf32>
    %jit3A_588 = arith.constant 1073741824 : i32
    %broadcast_in_dim3A_589 = vector.broadcast %jit3A_588 : i32 to vector<8x10240xi32>
    %select_n3A_590 = arith.select %eq3A_587, %iota3A_2, %broadcast_in_dim3A_589 : vector<8x10240xi1>, vector<8x10240xi32>
    %reduce_min3A_591 = arith.constant dense<2147483647> : vector<8xi32>
    %reduce_min3A_592 = vector.multi_reduction <minsi>, %select_n3A_590, %reduce_min3A_591 [1] : vector<8x10240xi32> to vector<8xi32>
    %broadcast_in_dim3A_593 = vector.shape_cast %reduce_min3A_592 : vector<8xi32> to vector<8x1xi32>
    %gt3A_594 = arith.constant 0xFF800000 : f32
    %gt3A_595 = vector.broadcast %gt3A_594 : f32 to vector<8x1xf32>
    %gt3A_596 = arith.cmpf ogt, %broadcast_in_dim3A_585, %gt3A_595 : vector<8x1xf32>
    %jit3A_597 = arith.constant 10000 : i32
    %broadcast_in_dim3A_598 = vector.broadcast %jit3A_597 : i32 to vector<8x1xi32>
    %select_n3A_599 = arith.select %gt3A_596, %broadcast_in_dim3A_593, %broadcast_in_dim3A_598 : vector<8x1xi1>, vector<8x1xi32>
    %swap3A_600 = arith.constant 0 : index
    %swap3A_601 = arith.constant 23 : index
    %swap3A_602 = vector.load %arg3[%swap3A_600, %swap3A_601] : memref<8x30xi32, #tpu.memory_space<vmem>>, vector<8x1xi32>
    tpu.vector_store %arg3[%swap3A_600, %swap3A_601], %select_n3A_599 {strides = array<i32>} : memref<8x30xi32, #tpu.memory_space<vmem>>, vector<8x1xi32>,
    %eq3A_603 = vector.broadcast %broadcast_in_dim3A_593 : vector<8x1xi32> to vector<8x10240xi32>
    %eq3A_604 = arith.cmpi eq, %iota3A_2, %eq3A_603 : vector<8x10240xi32>
    %jit3A_605 = arith.constant 0xFF800000 : f32
    %broadcast_in_dim3A_606 = vector.broadcast %jit3A_605 : f32 to vector<8x10240xf32>
    %select_n3A_607 = arith.select %eq3A_604, %broadcast_in_dim3A_606, %select_n3A_582 : vector<8x10240xi1>, vector<8x10240xf32>
    %reduce_max3A_608 = arith.constant dense<0xFF800000> : vector<8xf32>
    %reduce_max3A_609 = vector.multi_reduction <maximumf>, %select_n3A_607, %reduce_max3A_608 [1] : vector<8x10240xf32> to vector<8xf32>
    %broadcast_in_dim3A_610 = vector.shape_cast %reduce_max3A_609 : vector<8xf32> to vector<8x1xf32>
    %eq3A_611 = vector.broadcast %broadcast_in_dim3A_610 : vector<8x1xf32> to vector<8x10240xf32>
    %eq3A_612 = arith.cmpf oeq, %select_n3A_607, %eq3A_611 : vector<8x10240xf32>
    %jit3A_613 = arith.constant 1073741824 : i32
    %broadcast_in_dim3A_614 = vector.broadcast %jit3A_613 : i32 to vector<8x10240xi32>
    %select_n3A_615 = arith.select %eq3A_612, %iota3A_2, %broadcast_in_dim3A_614 : vector<8x10240xi1>, vector<8x10240xi32>
    %reduce_min3A_616 = arith.constant dense<2147483647> : vector<8xi32>
    %reduce_min3A_617 = vector.multi_reduction <minsi>, %select_n3A_615, %reduce_min3A_616 [1] : vector<8x10240xi32> to vector<8xi32>
    %broadcast_in_dim3A_618 = vector.shape_cast %reduce_min3A_617 : vector<8xi32> to vector<8x1xi32>
    %gt3A_619 = arith.constant 0xFF800000 : f32
    %gt3A_620 = vector.broadcast %gt3A_619 : f32 to vector<8x1xf32>
    %gt3A_621 = arith.cmpf ogt, %broadcast_in_dim3A_610, %gt3A_620 : vector<8x1xf32>
    %jit3A_622 = arith.constant 10000 : i32
    %broadcast_in_dim3A_623 = vector.broadcast %jit3A_622 : i32 to vector<8x1xi32>
    %select_n3A_624 = arith.select %gt3A_621, %broadcast_in_dim3A_618, %broadcast_in_dim3A_623 : vector<8x1xi1>, vector<8x1xi32>
    %swap3A_625 = arith.constant 0 : index
    %swap3A_626 = arith.constant 24 : index
    %swap3A_627 = vector.load %arg3[%swap3A_625, %swap3A_626] : memref<8x30xi32, #tpu.memory_space<vmem>>, vector<8x1xi32>
    tpu.vector_store %arg3[%swap3A_625, %swap3A_626], %select_n3A_624 {strides = array<i32>} : memref<8x30xi32, #tpu.memory_space<vmem>>, vector<8x1xi32>,
    %eq3A_628 = vector.broadcast %broadcast_in_dim3A_618 : vector<8x1xi32> to vector<8x10240xi32>
    %eq3A_629 = arith.cmpi eq, %iota3A_2, %eq3A_628 : vector<8x10240xi32>
    %jit3A_630 = arith.constant 0xFF800000 : f32
    %broadcast_in_dim3A_631 = vector.broadcast %jit3A_630 : f32 to vector<8x10240xf32>
    %select_n3A_632 = arith.select %eq3A_629, %broadcast_in_dim3A_631, %select_n3A_607 : vector<8x10240xi1>, vector<8x10240xf32>
    %reduce_max3A_633 = arith.constant dense<0xFF800000> : vector<8xf32>
    %reduce_max3A_634 = vector.multi_reduction <maximumf>, %select_n3A_632, %reduce_max3A_633 [1] : vector<8x10240xf32> to vector<8xf32>
    %broadcast_in_dim3A_635 = vector.shape_cast %reduce_max3A_634 : vector<8xf32> to vector<8x1xf32>
    %eq3A_636 = vector.broadcast %broadcast_in_dim3A_635 : vector<8x1xf32> to vector<8x10240xf32>
    %eq3A_637 = arith.cmpf oeq, %select_n3A_632, %eq3A_636 : vector<8x10240xf32>
    %jit3A_638 = arith.constant 1073741824 : i32
    %broadcast_in_dim3A_639 = vector.broadcast %jit3A_638 : i32 to vector<8x10240xi32>
    %select_n3A_640 = arith.select %eq3A_637, %iota3A_2, %broadcast_in_dim3A_639 : vector<8x10240xi1>, vector<8x10240xi32>
    %reduce_min3A_641 = arith.constant dense<2147483647> : vector<8xi32>
    %reduce_min3A_642 = vector.multi_reduction <minsi>, %select_n3A_640, %reduce_min3A_641 [1] : vector<8x10240xi32> to vector<8xi32>
    %broadcast_in_dim3A_643 = vector.shape_cast %reduce_min3A_642 : vector<8xi32> to vector<8x1xi32>
    %gt3A_644 = arith.constant 0xFF800000 : f32
    %gt3A_645 = vector.broadcast %gt3A_644 : f32 to vector<8x1xf32>
    %gt3A_646 = arith.cmpf ogt, %broadcast_in_dim3A_635, %gt3A_645 : vector<8x1xf32>
    %jit3A_647 = arith.constant 10000 : i32
    %broadcast_in_dim3A_648 = vector.broadcast %jit3A_647 : i32 to vector<8x1xi32>
    %select_n3A_649 = arith.select %gt3A_646, %broadcast_in_dim3A_643, %broadcast_in_dim3A_648 : vector<8x1xi1>, vector<8x1xi32>
    %swap3A_650 = arith.constant 0 : index
    %swap3A_651 = arith.constant 25 : index
    %swap3A_652 = vector.load %arg3[%swap3A_650, %swap3A_651] : memref<8x30xi32, #tpu.memory_space<vmem>>, vector<8x1xi32>
    tpu.vector_store %arg3[%swap3A_650, %swap3A_651], %select_n3A_649 {strides = array<i32>} : memref<8x30xi32, #tpu.memory_space<vmem>>, vector<8x1xi32>,
    %eq3A_653 = vector.broadcast %broadcast_in_dim3A_643 : vector<8x1xi32> to vector<8x10240xi32>
    %eq3A_654 = arith.cmpi eq, %iota3A_2, %eq3A_653 : vector<8x10240xi32>
    %jit3A_655 = arith.constant 0xFF800000 : f32
    %broadcast_in_dim3A_656 = vector.broadcast %jit3A_655 : f32 to vector<8x10240xf32>
    %select_n3A_657 = arith.select %eq3A_654, %broadcast_in_dim3A_656, %select_n3A_632 : vector<8x10240xi1>, vector<8x10240xf32>
    %reduce_max3A_658 = arith.constant dense<0xFF800000> : vector<8xf32>
    %reduce_max3A_659 = vector.multi_reduction <maximumf>, %select_n3A_657, %reduce_max3A_658 [1] : vector<8x10240xf32> to vector<8xf32>
    %broadcast_in_dim3A_660 = vector.shape_cast %reduce_max3A_659 : vector<8xf32> to vector<8x1xf32>
    %eq3A_661 = vector.broadcast %broadcast_in_dim3A_660 : vector<8x1xf32> to vector<8x10240xf32>
    %eq3A_662 = arith.cmpf oeq, %select_n3A_657, %eq3A_661 : vector<8x10240xf32>
    %jit3A_663 = arith.constant 1073741824 : i32
    %broadcast_in_dim3A_664 = vector.broadcast %jit3A_663 : i32 to vector<8x10240xi32>
    %select_n3A_665 = arith.select %eq3A_662, %iota3A_2, %broadcast_in_dim3A_664 : vector<8x10240xi1>, vector<8x10240xi32>
    %reduce_min3A_666 = arith.constant dense<2147483647> : vector<8xi32>
    %reduce_min3A_667 = vector.multi_reduction <minsi>, %select_n3A_665, %reduce_min3A_666 [1] : vector<8x10240xi32> to vector<8xi32>
    %broadcast_in_dim3A_668 = vector.shape_cast %reduce_min3A_667 : vector<8xi32> to vector<8x1xi32>
    %gt3A_669 = arith.constant 0xFF800000 : f32
    %gt3A_670 = vector.broadcast %gt3A_669 : f32 to vector<8x1xf32>
    %gt3A_671 = arith.cmpf ogt, %broadcast_in_dim3A_660, %gt3A_670 : vector<8x1xf32>
    %jit3A_672 = arith.constant 10000 : i32
    %broadcast_in_dim3A_673 = vector.broadcast %jit3A_672 : i32 to vector<8x1xi32>
    %select_n3A_674 = arith.select %gt3A_671, %broadcast_in_dim3A_668, %broadcast_in_dim3A_673 : vector<8x1xi1>, vector<8x1xi32>
    %swap3A_675 = arith.constant 0 : index
    %swap3A_676 = arith.constant 26 : index
    %swap3A_677 = vector.load %arg3[%swap3A_675, %swap3A_676] : memref<8x30xi32, #tpu.memory_space<vmem>>, vector<8x1xi32>
    tpu.vector_store %arg3[%swap3A_675, %swap3A_676], %select_n3A_674 {strides = array<i32>} : memref<8x30xi32, #tpu.memory_space<vmem>>, vector<8x1xi32>,
    %eq3A_678 = vector.broadcast %broadcast_in_dim3A_668 : vector<8x1xi32> to vector<8x10240xi32>
    %eq3A_679 = arith.cmpi eq, %iota3A_2, %eq3A_678 : vector<8x10240xi32>
    %jit3A_680 = arith.constant 0xFF800000 : f32
    %broadcast_in_dim3A_681 = vector.broadcast %jit3A_680 : f32 to vector<8x10240xf32>
    %select_n3A_682 = arith.select %eq3A_679, %broadcast_in_dim3A_681, %select_n3A_657 : vector<8x10240xi1>, vector<8x10240xf32>
    %reduce_max3A_683 = arith.constant dense<0xFF800000> : vector<8xf32>
    %reduce_max3A_684 = vector.multi_reduction <maximumf>, %select_n3A_682, %reduce_max3A_683 [1] : vector<8x10240xf32> to vector<8xf32>
    %broadcast_in_dim3A_685 = vector.shape_cast %reduce_max3A_684 : vector<8xf32> to vector<8x1xf32>
    %eq3A_686 = vector.broadcast %broadcast_in_dim3A_685 : vector<8x1xf32> to vector<8x10240xf32>
    %eq3A_687 = arith.cmpf oeq, %select_n3A_682, %eq3A_686 : vector<8x10240xf32>
    %jit3A_688 = arith.constant 1073741824 : i32
    %broadcast_in_dim3A_689 = vector.broadcast %jit3A_688 : i32 to vector<8x10240xi32>
    %select_n3A_690 = arith.select %eq3A_687, %iota3A_2, %broadcast_in_dim3A_689 : vector<8x10240xi1>, vector<8x10240xi32>
    %reduce_min3A_691 = arith.constant dense<2147483647> : vector<8xi32>
    %reduce_min3A_692 = vector.multi_reduction <minsi>, %select_n3A_690, %reduce_min3A_691 [1] : vector<8x10240xi32> to vector<8xi32>
    %broadcast_in_dim3A_693 = vector.shape_cast %reduce_min3A_692 : vector<8xi32> to vector<8x1xi32>
    %gt3A_694 = arith.constant 0xFF800000 : f32
    %gt3A_695 = vector.broadcast %gt3A_694 : f32 to vector<8x1xf32>
    %gt3A_696 = arith.cmpf ogt, %broadcast_in_dim3A_685, %gt3A_695 : vector<8x1xf32>
    %jit3A_697 = arith.constant 10000 : i32
    %broadcast_in_dim3A_698 = vector.broadcast %jit3A_697 : i32 to vector<8x1xi32>
    %select_n3A_699 = arith.select %gt3A_696, %broadcast_in_dim3A_693, %broadcast_in_dim3A_698 : vector<8x1xi1>, vector<8x1xi32>
    %swap3A_700 = arith.constant 0 : index
    %swap3A_701 = arith.constant 27 : index
    %swap3A_702 = vector.load %arg3[%swap3A_700, %swap3A_701] : memref<8x30xi32, #tpu.memory_space<vmem>>, vector<8x1xi32>
    tpu.vector_store %arg3[%swap3A_700, %swap3A_701], %select_n3A_699 {strides = array<i32>} : memref<8x30xi32, #tpu.memory_space<vmem>>, vector<8x1xi32>,
    %eq3A_703 = vector.broadcast %broadcast_in_dim3A_693 : vector<8x1xi32> to vector<8x10240xi32>
    %eq3A_704 = arith.cmpi eq, %iota3A_2, %eq3A_703 : vector<8x10240xi32>
    %jit3A_705 = arith.constant 0xFF800000 : f32
    %broadcast_in_dim3A_706 = vector.broadcast %jit3A_705 : f32 to vector<8x10240xf32>
    %select_n3A_707 = arith.select %eq3A_704, %broadcast_in_dim3A_706, %select_n3A_682 : vector<8x10240xi1>, vector<8x10240xf32>
    %reduce_max3A_708 = arith.constant dense<0xFF800000> : vector<8xf32>
    %reduce_max3A_709 = vector.multi_reduction <maximumf>, %select_n3A_707, %reduce_max3A_708 [1] : vector<8x10240xf32> to vector<8xf32>
    %broadcast_in_dim3A_710 = vector.shape_cast %reduce_max3A_709 : vector<8xf32> to vector<8x1xf32>
    %eq3A_711 = vector.broadcast %broadcast_in_dim3A_710 : vector<8x1xf32> to vector<8x10240xf32>
    %eq3A_712 = arith.cmpf oeq, %select_n3A_707, %eq3A_711 : vector<8x10240xf32>
    %jit3A_713 = arith.constant 1073741824 : i32
    %broadcast_in_dim3A_714 = vector.broadcast %jit3A_713 : i32 to vector<8x10240xi32>
    %select_n3A_715 = arith.select %eq3A_712, %iota3A_2, %broadcast_in_dim3A_714 : vector<8x10240xi1>, vector<8x10240xi32>
    %reduce_min3A_716 = arith.constant dense<2147483647> : vector<8xi32>
    %reduce_min3A_717 = vector.multi_reduction <minsi>, %select_n3A_715, %reduce_min3A_716 [1] : vector<8x10240xi32> to vector<8xi32>
    %broadcast_in_dim3A_718 = vector.shape_cast %reduce_min3A_717 : vector<8xi32> to vector<8x1xi32>
    %gt3A_719 = arith.constant 0xFF800000 : f32
    %gt3A_720 = vector.broadcast %gt3A_719 : f32 to vector<8x1xf32>
    %gt3A_721 = arith.cmpf ogt, %broadcast_in_dim3A_710, %gt3A_720 : vector<8x1xf32>
    %jit3A_722 = arith.constant 10000 : i32
    %broadcast_in_dim3A_723 = vector.broadcast %jit3A_722 : i32 to vector<8x1xi32>
    %select_n3A_724 = arith.select %gt3A_721, %broadcast_in_dim3A_718, %broadcast_in_dim3A_723 : vector<8x1xi1>, vector<8x1xi32>
    %swap3A_725 = arith.constant 0 : index
    %swap3A_726 = arith.constant 28 : index
    %swap3A_727 = vector.load %arg3[%swap3A_725, %swap3A_726] : memref<8x30xi32, #tpu.memory_space<vmem>>, vector<8x1xi32>
    tpu.vector_store %arg3[%swap3A_725, %swap3A_726], %select_n3A_724 {strides = array<i32>} : memref<8x30xi32, #tpu.memory_space<vmem>>, vector<8x1xi32>,
    %eq3A_728 = vector.broadcast %broadcast_in_dim3A_718 : vector<8x1xi32> to vector<8x10240xi32>
    %eq3A_729 = arith.cmpi eq, %iota3A_2, %eq3A_728 : vector<8x10240xi32>
    %jit3A_730 = arith.constant 0xFF800000 : f32
    %broadcast_in_dim3A_731 = vector.broadcast %jit3A_730 : f32 to vector<8x10240xf32>
    %select_n3A_732 = arith.select %eq3A_729, %broadcast_in_dim3A_731, %select_n3A_707 : vector<8x10240xi1>, vector<8x10240xf32>
    %reduce_max3A_733 = arith.constant dense<0xFF800000> : vector<8xf32>
    %reduce_max3A_734 = vector.multi_reduction <maximumf>, %select_n3A_732, %reduce_max3A_733 [1] : vector<8x10240xf32> to vector<8xf32>
    %broadcast_in_dim3A_735 = vector.shape_cast %reduce_max3A_734 : vector<8xf32> to vector<8x1xf32>
    %eq3A_736 = vector.broadcast %broadcast_in_dim3A_735 : vector<8x1xf32> to vector<8x10240xf32>
    %eq3A_737 = arith.cmpf oeq, %select_n3A_732, %eq3A_736 : vector<8x10240xf32>
    %jit3A_738 = arith.constant 1073741824 : i32
    %broadcast_in_dim3A_739 = vector.broadcast %jit3A_738 : i32 to vector<8x10240xi32>
    %select_n3A_740 = arith.select %eq3A_737, %iota3A_2, %broadcast_in_dim3A_739 : vector<8x10240xi1>, vector<8x10240xi32>
    %reduce_min3A_741 = arith.constant dense<2147483647> : vector<8xi32>
    %reduce_min3A_742 = vector.multi_reduction <minsi>, %select_n3A_740, %reduce_min3A_741 [1] : vector<8x10240xi32> to vector<8xi32>
    %broadcast_in_dim3A_743 = vector.shape_cast %reduce_min3A_742 : vector<8xi32> to vector<8x1xi32>
    %gt3A_744 = arith.constant 0xFF800000 : f32
    %gt3A_745 = vector.broadcast %gt3A_744 : f32 to vector<8x1xf32>
    %gt3A_746 = arith.cmpf ogt, %broadcast_in_dim3A_735, %gt3A_745 : vector<8x1xf32>
    %jit3A_747 = arith.constant 10000 : i32
    %broadcast_in_dim3A_748 = vector.broadcast %jit3A_747 : i32 to vector<8x1xi32>
    %select_n3A_749 = arith.select %gt3A_746, %broadcast_in_dim3A_743, %broadcast_in_dim3A_748 : vector<8x1xi1>, vector<8x1xi32>
    %swap3A_750 = arith.constant 0 : index
    %swap3A_751 = arith.constant 29 : index
    %swap3A_752 = vector.load %arg3[%swap3A_750, %swap3A_751] : memref<8x30xi32, #tpu.memory_space<vmem>>, vector<8x1xi32>
    tpu.vector_store %arg3[%swap3A_750, %swap3A_751], %select_n3A_749 {strides = array<i32>} : memref<8x30xi32, #tpu.memory_space<vmem>>, vector<8x1xi32>,
    return
  }
  func.func @transform_0(%arg0: i32) -> (i32, i32) {
    %c0_i32 = arith.constant 0 : i32
    %c0_i32_0 = arith.constant 0 : i32
    %c0_i32_1 = arith.constant 0 : i32
    return %c0_i32, %c0_i32_0 : i32, i32
  }
  func.func @transform_1(%arg0: i32) -> (i32, i32) {
    %c0_i32 = arith.constant 0 : i32
    %c0_i32_0 = arith.constant 0 : i32
    %c0_i32_1 = arith.constant 0 : i32
    return %c0_i32, %c0_i32_0 : i32, i32
  }
  func.func @transform_2(%arg0: i32) -> (i32, i32) {
    %c0_i32 = arith.constant 0 : i32
    %c0_i32_0 = arith.constant 0 : i32
    return %arg0, %c0_i32 : i32, i32
  }
}

</mosaic_0001>

<sc_bundles>
// kernel: kernel.11.cloned.1.call-start
scs
__scs_entry_jumppad:
0x0: {  	(pc) =	sbr.rel $0x88, $3  }
0x1: {  	(tag) =	ssettag $0x0;
	lr =	simm.s32 $0x1  }
0x2: {  	[smem:$0x3F95] =	sst lr;
	_ =	strace $0xD0000000  }
0x3: {  	_ = 	snop  }
0x4: {  	_ = 	snop  }
0x5: {  	_ = 	snop  }
0x6: {  	_ = 	snop  }
0x7: {  	_ = 	snop  }
__scs_overlays_trampoline_lowered:
0x8: {  	[smem:$0x3FA4] =	sst s0  }
0x9: {  	[smem:$0x3FA5] =	sst s1  }
0xa: {  	[smem:$0x3FA6] =	sst s2  }
0xb: {  	[smem:$0x3FA7] =	sst s3  }
0xc: {  	[smem:$0x3FA8] =	sst s4  }
0xd: {  	[smem:$0x3FA9] =	sst s5  }
0xe: {  	[smem:$0x3FAA] =	sst s6  }
0xf: {  	[smem:$0x3FAB] =	sst s7  }
0x10: {  	[smem:$0x3FAC] =	sst s8  }
0x11: {  	[smem:$0x3FAD] =	sst s9;
	s0 =	simm.s32 @!p0 $0x0  }
0x12: {  	s1 =	sld [smem:$0x3F93];
	s0 =	simm.s32 @p0 $0x1  }
0x13: {  	[smem:$0x3FAE] =	sst s0;
	s0 =	simm.s32 @!p1 $0x0  }
0x14: {  	s2 =	sld [smem:$0x3F92];
	s0 =	simm.s32 @p1 $0x1  }
0x15: {  	[smem:$0x3FAF] =	sst s0;
	s0 =	simm.s32 @!p2 $0x0  }
0x16: {  	s3 =	sld [smem:$0x3FDB];
	s0 =	simm.s32 @p2 $0x1  }
0x17: {  	s4 =	simm.s32 $0x1BF5;
	[smem:$0x3FB1] =	sst s0  }
0x18: {  	s0 =	sld [smem:$0x3F94];
	_ =	swait.ge [sflag:s4], $0x0  }
0x19: {  	s7 =	sld [smem:$0x3F95]  }
0x1a: {  	s8 =	sadd.s32 $0xFFFFE003, lr  }
0x1b: {  	s9 =	sadd.s32 $0xFFFFFEF7, lr;
	s5 =	simm.s32 $0xFFFFFFFF;
	p2 =	slt.u32 s8, $0xFFFFF086  }
0x1c: {  	p1 =	slt.u32 s9, $0xF7A;
	s5 =	simm.s32 @!p2 $0x0  }
0x1d: {  	s5 =	simm.s32 @p1 $0x1;
	p0 =	seq.s32 s7, s2  }
0x1e: {  	s7 =	smul.u32 @!p0 $0xF7A, s2;
	p2 =	seq.s32 @!p0 s5, $0x0  }
0x1f: {  	s9 =	smul.u32 $0xF7A, s1;
	s8 =	simm.s32 @!p0 $0x1BF5;
	p2 =	por !p2, p0  }
0x20: {  	[sflag:s8] =	ssyncset.s32 @!p0 $0xFFFFF086;
	s6 =	sadd.s32 @!p0 s3, s7;
	s7 =	simm.s32 @!p0 $0x108  }
0x21: {  	s3 =	sadd.s32 s3, s9;
	s6 =	sadd.s32 @!p0 $0x88, s6;
	s7 =	simm.s32 @p2 $0x1082  }
0x22: {  	[simem:s7], [sflag:s8] =	dma.local @!p0 [hbm:s6], $0xF7A  }
0x23: {  	s9 =	sor.u32 $0xD0000000, s2;
	s6 =	simm.s32 $0x108;
	_ =	swait.ge @!p0 [sflag:s8], $0x0  }
0x24: {  	s3 =	sadd.s32 $0x88, s3;
	s6 =	simm.s32 @!p1 $0x1082;
	[sflag:s4] =	ssyncset.s32 $0xFFFFF086  }
0x25: {  	[simem:s6], [sflag:s4] =	dma.local [hbm:s3], $0xF7A  }
0x26: {  	[smem:$0x3F95] =	sst s1;
	(tag) =	ssettag s2;
	_ =	strace s9  }
0x27: {  	s1 =	sld [smem:$0x3FA5]  }
0x28: {  	s2 =	sld [smem:$0x3FA6]  }
0x29: {  	s4 =	sld [smem:$0x3FA8]  }
0x2a: {  	p0 =	seq.s32 s5, $0x0;
	s5 =	sld [smem:$0x3FA9]  }
0x2b: {  	s6 =	sld [smem:$0x3FAA]  }
0x2c: {  	s7 =	sld [smem:$0x3FAB]  }
0x2d: {  	s3 =	simm.s32 $0x108;
	s8 =	sld [smem:$0x3FAC]  }
0x2e: {  	s3 =	simm.s32 @!p0 $0x1082;
	s9 =	sld [smem:$0x3FAD]  }
0x2f: {  	lr =	sadd.s32 s0, s3;
	s0 =	sld [smem:$0x3FA4]  }
0x30: {  	s3 =	sld [smem:$0x3FA7]  }
0x31: {  	[smem:$0x3FB0] =	sst s10  }
0x32: {  	s10 =	sld [smem:$0x3FAE];
	_ =	sdelay $0x3  }
0x33: {  	p0 =	seq.s32 s10, $0x1;
	s10 =	sld [smem:$0x3FB0];
	_ =	sdelay $0x3  }
0x34: {  	[smem:$0x3FB0] =	sst s10  }
0x35: {  	s10 =	sld [smem:$0x3FAF];
	_ =	sdelay $0x3  }
0x36: {  	p1 =	seq.s32 s10, $0x1;
	s10 =	sld [smem:$0x3FB0];
	_ =	sdelay $0x3  }
0x37: {  	[smem:$0x3FB0] =	sst s10  }
0x38: {  	s10 =	sld [smem:$0x3FB1]  }
0x39: {  	_ = 	snop;
	(pc) =	sbr.ind lr, $3  }
0x3a: {  	_ = 	snop  }
0x3b: {  	_ = 	snop  }
0x3c: {  	p2 =	seq.s32 s10, $0x1;
	s10 =	sld [smem:$0x3FB0]  }
0x3d: {  	_ =	shalt  }
0x3e: {  	_ =	shalt  }
0x3f: {  	_ =	shalt  }
0x40: {  	_ =	shalt  }
0x41: {  	_ =	shalt  }
0x42: {  	_ =	shalt  }
0x43: {  	_ =	shalt  }
0x44: {  	_ =	shalt  }
0x45: {  	_ =	shalt  }
0x46: {  	_ =	shalt  }
0x47: {  	_ =	shalt  }
0x48: {  	_ =	shalt  }
0x49: {  	_ =	shalt  }
0x4a: {  	_ =	shalt  }
0x4b: {  	_ =	shalt  }
0x4c: {  	_ =	shalt  }
0x4d: {  	_ =	shalt  }
0x4e: {  	_ =	shalt  }
0x4f: {  	_ =	shalt  }
0x50: {  	_ =	shalt  }
0x51: {  	_ =	shalt  }
0x52: {  	_ =	shalt  }
0x53: {  	_ =	shalt  }
0x54: {  	_ =	shalt  }
0x55: {  	_ =	shalt  }
0x56: {  	_ =	shalt  }
0x57: {  	_ =	shalt  }
0x58: {  	_ =	shalt  }
0x59: {  	_ =	shalt  }
0x5a: {  	_ =	shalt  }
0x5b: {  	_ =	shalt  }
0x5c: {  	_ =	shalt  }
0x5d: {  	_ =	shalt  }
0x5e: {  	_ =	shalt  }
0x5f: {  	_ =	shalt  }
0x60: {  	_ =	shalt  }
0x61: {  	_ =	shalt  }
0x62: {  	_ =	shalt  }
0x63: {  	_ =	shalt  }
0x64: {  	_ =	shalt  }
0x65: {  	_ =	shalt  }
0x66: {  	_ =	shalt  }
0x67: {  	_ =	shalt  }
0x68: {  	_ =	shalt  }
0x69: {  	_ =	shalt  }
0x6a: {  	_ =	shalt  }
0x6b: {  	_ =	shalt  }
0x6c: {  	_ =	shalt  }
0x6d: {  	_ =	shalt  }
0x6e: {  	_ =	shalt  }
0x6f: {  	_ =	shalt  }
0x70: {  	_ =	shalt  }
0x71: {  	_ =	shalt  }
0x72: {  	_ =	shalt  }
0x73: {  	_ =	shalt  }
0x74: {  	_ =	shalt  }
0x75: {  	_ =	shalt  }
0x76: {  	_ =	shalt  }
0x77: {  	_ =	shalt  }
0x78: {  	_ =	shalt  }
0x79: {  	_ =	shalt  }
0x7a: {  	_ =	shalt  }
0x7b: {  	_ =	shalt  }
0x7c: {  	_ =	shalt  }
0x7d: {  	_ =	shalt  }
0x7e: {  	_ =	shalt  }
0x7f: {  	_ =	shalt  }
0x80: {  	_ =	shalt  }
0x81: {  	_ =	shalt  }
0x82: {  	_ =	shalt  }
0x83: {  	_ =	shalt  }
0x84: {  	_ =	shalt  }
0x85: {  	_ =	shalt  }
0x86: {  	_ =	shalt  }
0x87: {  	_ =	shalt  }
.Lfunc_end0:
.L_simem_size_0:
called_computation_lowered:
.L_overlay_start_0:
0x88: {  	s2 =	sld [smem:$0x3FD9]  }
0x89: {  	s3 =	sld [smem:$0x3FFE];
	_ =	sdelay $0x1  }
0x8a: {  	s1 =	srdreg.scid  }
0x8b: {  	s0 =	sand.u32 $0x1, s1  }
0x8c: {  	s17 =	sshll.u32 s0, $0xA;
	s2 =	sadd.s32 s3, s2  }
0x8d: {  	s2 =	sadd.s32 s2, s17  }
0x8e: {  	[smem:$0x3FBC] =	sst s2  }
0x8f: {  	_ = 	snop  }
0x90: {  	(tm) =	ssettm $0x1  }
0x91: {  	s18 =	sld [smem:$0x3FFB];
	_ =	sdelay $0x3  }
0x92: {  	_ =	strace s18  }
0x93: {  	s2 =	sld [smem:$0x3FFC];
	_ =	sdelay $0x3  }
0x94: {  	_ =	strace s2  }
0x95: {  	s2 =	sld [smem:$0x3FFD];
	_ =	sdelay $0x3  }
0x96: {  	_ =	strace s2  }
0x97: {  	_ =	strace $0x8FFFFFFF  }
0x98: {  	s19 =	sld [smem:$0x3FDB];
	_ =	sdelay $0x1  }
0x99: {  	s20 =	simm.s32 $_scs_section_size  }
0x9a: {  	s4 =	simm.s32 $_size__tile_overlayer_lowered;
	s5 =	simm.s32 $_tile_overlayer_lowered  }
0x9b: {  	s6 =	simm.s32 $0x1BFF;
	s21 =	sshll.u32 s5, $0x1;
	s3 =	sadd.s32 s20, s19  }
0x9c: {  	s22 =	simm.s32 $0x0;
	s4 =	sshll.u32 s4, $0x1;
	s5 =	sadd.s32 s21, s3  }
0x9d: {  	[timem:s22], [sflag:s6] =	dma.local [hbm:s5], s4  }
0x9e: {  	_ =	swait.ge [sflag:s6], s4  }
0x9f: {  	s4 =	ssub.s32 $0x0, s4;
	[sflag:s6] =	ssyncset.done $0x0  }
0xa0: {  	[sflag:s6] =	ssyncadd.s32 s4;
	_ =	sdelay $0x1  }
0xa1: {  	s23 =	simm.s32 $0x1B8B  }
0xa2: {  	_ =	swait.ge [sflag:s23], $0x1  }
0xa3: {  	[sflag:s23] =	ssyncset.done $0x0  }
0xa4: {  	[sflag:s23] =	ssyncadd.s32 $0xFFFFFFFF  }
0xa5: {  	s4 =	sld [smem:$0x0]  }
0xa6: {  	s5 =	sand.u32 $0xFFFFFFFE, s1  }
0xa7: {  	p0 =	sne.s32 s1, s5  }
0xa8: {  	s5 =	sshll.u32 @p0 s5, $0xE  }
0xa9: {  	s5 =	sadd.s32 @p0 $0x11B8D, s5;
	s6 =	sshll.u32 @p0 s4, $0x11  }
0xaa: {  	s5 =	sor.u32 @p0 s6, s5  }
0xab: {  	[sflag:s5] =	ssyncadd.remote.s32 @p0 $0x1;
	_ =	sdelay $0x1  }
0xac: {  	s5 =	simm.s32 @p0 $0x1B8D  }
0xad: {  	_ =	swait.eq @p0 [sflag:s5], $0x1  }
0xae: {  	[sflag:s5] =	ssyncadd.s32 @p0 $0xFFFFFFFF  }
0xaf: {  	s6 =	sshll.u32 @!p0 s1, $0xE  }
0xb0: {  	s6 =	sor.u32 @!p0 $0x4000, s6;
	s5 =	simm.s32 @!p0 $0x1B8D  }
0xb1: {  	s4 =	sshll.u32 @!p0 s4, $0x11;
	s6 =	sadd.s32 @!p0 $0x11B8D, s6;
	_ =	swait.eq @!p0 [sflag:s5], $0x1  }
0xb2: {  	s4 =	sor.u32 @!p0 s4, s6;
	[sflag:s5] =	ssyncadd.s32 @!p0 $0xFFFFFFFF  }
0xb3: {  	s25 =	simm.s32 $0x1B8E;
	s24 =	sld [smem:$0x3FFE];
	[sflag:s4] =	ssyncadd.remote.s32 @!p0 $0x1  }
0xb4: {  	s26 =	simm.s32 $execute0_lowered;
	[smem:$0x3FD2] =	sst s25  }
0xb5: {  	s5 =	sshll.u32 s26, $0x1;
	_ =	strace $0x80000049;
	[dreg:$0x1] =	wrdreg $0xFFFFFFFF  }
0xb6: {  	s28 =	simm.s32 $_size_execute0_lowered;
	s3 =	sadd.s32 s3, s5;
	[dreg:$0x0] =	wrdreg $0x0  }
0xb7: {  	s5 =	sshll.u32 s28, $0x1;
	[dreg:$0x2] =	wrdreg s3  }
0xb8: {  	[dreg:$0x3] =	wrdreg s5  }
0xb9: {  	[dreg:$0x4] =	wrdreg $0xC0  }
0xba: {  	_ =	task [dreg:s22], $0x5FFFF  }
0xbb: {  	[dreg:$0x1] =	wrdreg $0xFFFFFFFF  }
0xbc: {  	[dreg:$0x0] =	wrdreg $0x60  }
0xbd: {  	[dreg:$0x2] =	wrdreg s24  }
0xbe: {  	[dreg:$0x3] =	wrdreg $0x68000  }
0xbf: {  	[dreg:$0x4] =	wrdreg $0x9  }
0xc0: {  	_ =	task.clear_ibuf [dreg:s22], $0x5FFFF;
	_ =	strace $0x90000049  }
0xc1: {  	s29 =	simm.s32 $0x9;
	_ =	strace $0x8000004B  }
0xc2: {  	_ =	swait.ge [sflag:s29], $0x1  }
0xc3: {  	[sflag:s29] =	ssyncadd.s32 $0xFFFFFFFF  }
0xc4: {  	_ =	strace $0x9000004B  }
0xc5: {  	_ =	sfence  }
0xc6: {  	s30 =	sld [smem:$0x0];
	_ =	sdelay $0x2  }
0xc7: {  	s31 =	sshll.u32 s1, $0xD;
	s1 =	sshrl.u32 s1, $0x2  }
0xc8: {  	s4 =	sand.u32 $0x4000, s31;
	s1 =	sadd.s32 s1, s30  }
0xc9: {  	s0 =	sor.u32 s4, s0;
	s1 =	sshll.u32 s1, $0x11  }
0xca: {  	s0 =	sor.u32 s1, s0  }
0xcb: {  	s0 =	sadd.s32 $0x8F2B, s0  }
0xcc: {  	[sflag:s0] =	ssyncadd.remote.s32 $0x1  }
0xcd: {  	_ =	sfence.sel $0xFFFF  }
0xce: {  	[dreg:$0x0] =	wrdreg $0xFFFFFFFF;
	(pc) =	sbr.abs _section_cstart, $3  }
0xcf: {  	[dreg:$0x1] =	wrdreg $0xFFFFFFFF  }
0xd0: {  	_ =	task.clear_ibuf [dreg:s22], $0x2FFFF;
	_ =	strace $0x9FFFFFFF  }
0xd1: {  	(tm) =	ssettm $0x7FFFFFFF  }
tec
execute0_lowered:
.L_overlay_start_1:
0x0: {  	(tag) =	ssettag $0x1  }
0x1: {  	s6 =	rddreg [dreg:$0x0]  }
0x2: {  	s2 =	rddreg [dreg:$0x1]  }
0x3: {  	s0 =	rddreg [dreg:$0x2];
	s3 =	simm.s32 $0x0;
	s1 =	stileid.u32  }
0x4: {  	s5 =	srdreg.scid;
	s12 =	simm.s32 $0x2800;
	s4 =	smul.u32 $0x500, s1  }
0x5: {  	s13 =	simm.s32 $0x7D;
	[smem:$0x7FF] =	sst s3;
	s7 =	smul.u32 $0x2800, s1  }
0x6: {  	s9 =	sand.u32 $0x1, s5;
	s10 =	smul.u32 $0x50000, s1;
	s5 =	sadd.s32 $0xA7E00, s6  }
0x7: {  	s31 =	sshll.u32 s1, $0x6;
	_ =	strace $0x8000004A;
	s11 =	ssub.s32 $0x2, s9  }
.Ltmp0:
0x8: {  	p0 =	sne.s32 s9, $0x0;
	s9 =	sor.u32 $0x1C01, s31;
	(pc) =	sbr.rel .LBB2_1-.Ltmp0, $4  }
0x9: {  	s8 =	sadd.s32 s4, s6;
	s4 =	sadd.s32 $0x55600, s6;
	s30 =	sshrl.u32 s11, $0x1  }
0xa: {  	s7 =	sadd.s32 s7, s6;
	s10 =	sshrl.u32 s10, $0x2;
	s11 =	ssub.s32 s11, s30  }
0xb: {  	s10 =	sadd.s32 s10, s2;
	s6 =	sadd.s32 $0x2400, s8;
	s7 =	sadd.s32 $0xA8600, s7  }
0xc: {  	s8 =	smax.u32 s11, $0x1;
	s10 =	sshrl.u32 s10, $0x3;
	s11 =	simm.s32 $0x1  }
.LBB2_7:
0xd: {  	[bflag:$0x0] =	sbarrier.arrive $0xFFFF  }
0xe: {  	[bflag:$0x0] =	sbarrier.arrive $0xFFFF  }
.LBB2_5:
0xf: {  	s3 =	sadd.s32 $0x1, s3  }
0x10: {  	p1 =	sne.s32 s3, s8  }
.Ltmp1:
0x11: {  	_ = 	snop;
	(pc) =	sbr.rel @!p1 .LBB2_6-.Ltmp1, $1  }
0x12: {  	_ =	sdelay $0x3  }
.LBB2_1:
.Ltmp2:
0x13: {  	(pc) =	sbr.rel @p0 .LBB2_7-.Ltmp2, $1  }
0x14: {  	_ =	sdelay $0x3  }
0x15: {  	[spmem:s10], [sflag:s9] =	dma.local [hbm:s4], $0x2800  }
0x16: {  	_ =	swait.ge [sflag:s11], $0x2800  }
0x17: {  	[sflag:s11] =	ssyncset.done $0x0  }
0x18: {  	s14 =	simm.s32 $0x0;
	[sflag:s11] =	ssyncadd.s32 $0xFFFFD800  }
0x19: {  	[tilespmem:s14], [sflag:$0x1] =	stream.linear.gather [hbm4b:s6+s14], $0x2800, $0x38;
	[tilespmem:$0x1A800] =	vst v63  }
0x1a: {  	_ =	swait.ge [sflag:s11], $0x2800  }
0x1b: {  	[sflag:s11] =	ssyncset.done $0x0  }
0x1c: {  	[sflag:s11] =	ssyncadd.s32 $0xFFFFD800  }
0x1d: {  	[tilespmem:s12], [sflag:$0x1] =	stream.linear.gather [hbm4b:s5+s14], $0x3E80, $0x38;
	[tilespmem:$0x1A800] =	vst v63  }
0x1e: {  	_ =	swait.ge [sflag:s11], $0x3E80  }
0x1f: {  	[sflag:s11] =	ssyncset.done $0x0  }
0x20: {  	[sflag:s11] =	ssyncadd.s32 $0xFFFFC180  }
0x21: {  	s31 =	simm.s32 $0x0;
	[bflag:$0x0] =	sbarrier.arrive $0xFFFF  }
0x22: {  	[spmem:s2] =	stream.indirect.scatter.add.f32 [tilespmem:s12], [sflag:$0x1], $0x80, s31, s13, $0xb8;
	[tilespmem:$0x1A800] =	vst v63  }
0x23: {  	_ =	swait.ge [sflag:s11], $0x3E80  }
0x24: {  	s14 =	simm.s32 $0x200;
	[sflag:s11] =	ssyncset.done $0x0  }
.LBB2_3:
0x25: {  	s15 =	sshra.s32 s14, $0x2;
	[sflag:s11] =	ssyncadd.s32 $0xFFFFC180;
	p1 =	seq.s32 s14, $0x9E00  }
0x26: {  	[spmem:s2] =	stream.indirect.scatter.add.f32 [tilespmem:s12], [sflag:$0x1], $0x80, s15, s13, $0xb8;
	[tilespmem:$0x1A800] =	vst v63  }
.Ltmp3:
0x27: {  	_ = 	snop;
	(pc) =	sbr.rel @!p1 .LBB2_3-.Ltmp3, $4  }
0x28: {  	_ = 	snop  }
0x29: {  	s14 =	sadd.s32 $0x200, s14  }
0x2a: {  	_ =	swait.ge [sflag:s11], $0x3E80  }
0x2b: {  	[sflag:s11] =	ssyncset.done $0x0  }
0x2c: {  	[sflag:s11] =	ssyncadd.s32 $0xFFFFC180  }
.Ltmp4:
0x2d: {  	[bflag:$0x0] =	sbarrier.arrive $0xFFFF;
	(pc) =	sbr.rel .LBB2_5-.Ltmp4, $4  }
0x2e: {  	[hbm:s7], [sflag:s9] =	dma.local [spmem:s10], $0x2800  }
0x2f: {  	_ =	swait.ge [sflag:s11], $0x2800  }
0x30: {  	[sflag:s11] =	ssyncset.done $0x0  }
0x31: {  	[sflag:s11] =	ssyncadd.s32 $0xFFFFD800  }
.LBB2_6:
0x32: {  	_ =	sfence.sel $0x180000  }
0x33: {  	[bflag:$0x0] =	sbarrier.arrive $0xFFFF  }
0x34: {  	p0 =	sne.s32 s1, $0x0;
	_ =	strace $0x9000004A  }
0x35: {  	s0 =	sadd.s32 @!p0 $0x100000, s0;
	[bflag:$0x2] =	sbarrier.arrive $0xFFFF  }
0x36: {  	[sflag:s0] =	ssyncadd.tile.s32 @!p0 $0x1;
	_ =	shalt  }
.Lfunc_end2:
_tile_overlayer_lowered:
.L_overlay_start_2:
0x37: {  	(tag) =	ssettag $0x2  }
0x38: {  	s0 =	rddreg [dreg:$0x0];
	s2 =	stileid.u32  }
0x39: {  	s1 =	rddreg [dreg:$0x1];
	p0 =	sne.s32 s2, $0x0  }
0x3a: {  	s3 =	rddreg [dreg:$0x2];
	[bflag:$0x3] =	sbarrier.arrive $0xFFFF;
	s2 =	simm.s32 @!p0 $0x1C01  }
0x3b: {  	[timem:s3], [sflag:s2] =	dma.local @!p0 [hbm:s0], s1  }
0x3c: {  	s0 =	simm.s32 @!p0 $0x1  }
0x3d: {  	_ =	swait.ge @!p0 [sflag:s0], s1  }
0x3e: {  	s1 =	ssub.s32 @!p0 $0x0, s1;
	[sflag:s0] =	ssyncset.done @!p0 $0x0  }
0x3f: {  	[sflag:s0] =	ssyncadd.s32 @!p0 s1  }
0x40: {  	[bflag:$0x3] =	sbarrier.arrive $0xFFFF  }
0x41: {  	_ =	shalt  }

// kernel: kernel.14.cloned.1.call-start
scs
__scs_entry_jumppad:
0x0: {  	(pc) =	sbr.rel $0x88, $3  }
0x1: {  	(tag) =	ssettag $0x0;
	lr =	simm.s32 $0x1  }
0x2: {  	[smem:$0x3F95] =	sst lr;
	_ =	strace $0xD0000000  }
0x3: {  	_ = 	snop  }
0x4: {  	_ = 	snop  }
0x5: {  	_ = 	snop  }
0x6: {  	_ = 	snop  }
0x7: {  	_ = 	snop  }
__scs_overlays_trampoline_lowered:
0x8: {  	[smem:$0x3FA4] =	sst s0  }
0x9: {  	[smem:$0x3FA5] =	sst s1  }
0xa: {  	[smem:$0x3FA6] =	sst s2  }
0xb: {  	[smem:$0x3FA7] =	sst s3  }
0xc: {  	[smem:$0x3FA8] =	sst s4  }
0xd: {  	[smem:$0x3FA9] =	sst s5  }
0xe: {  	[smem:$0x3FAA] =	sst s6  }
0xf: {  	[smem:$0x3FAB] =	sst s7  }
0x10: {  	[smem:$0x3FAC] =	sst s8  }
0x11: {  	[smem:$0x3FAD] =	sst s9;
	s0 =	simm.s32 @!p0 $0x0  }
0x12: {  	s1 =	sld [smem:$0x3F93];
	s0 =	simm.s32 @p0 $0x1  }
0x13: {  	[smem:$0x3FAE] =	sst s0;
	s0 =	simm.s32 @!p1 $0x0  }
0x14: {  	s2 =	sld [smem:$0x3F92];
	s0 =	simm.s32 @p1 $0x1  }
0x15: {  	[smem:$0x3FAF] =	sst s0;
	s0 =	simm.s32 @!p2 $0x0  }
0x16: {  	s3 =	sld [smem:$0x3FDB];
	s0 =	simm.s32 @p2 $0x1  }
0x17: {  	s4 =	simm.s32 $0x1BF5;
	[smem:$0x3FB1] =	sst s0  }
0x18: {  	s0 =	sld [smem:$0x3F94];
	_ =	swait.ge [sflag:s4], $0x0  }
0x19: {  	s7 =	sld [smem:$0x3F95]  }
0x1a: {  	s8 =	sadd.s32 $0xFFFFE003, lr  }
0x1b: {  	s9 =	sadd.s32 $0xFFFFFEF7, lr;
	s5 =	simm.s32 $0xFFFFFFFF;
	p2 =	slt.u32 s8, $0xFFFFF086  }
0x1c: {  	p1 =	slt.u32 s9, $0xF7A;
	s5 =	simm.s32 @!p2 $0x0  }
0x1d: {  	s5 =	simm.s32 @p1 $0x1;
	p0 =	seq.s32 s7, s2  }
0x1e: {  	s7 =	smul.u32 @!p0 $0xF7A, s2;
	p2 =	seq.s32 @!p0 s5, $0x0  }
0x1f: {  	s9 =	smul.u32 $0xF7A, s1;
	s8 =	simm.s32 @!p0 $0x1BF5;
	p2 =	por !p2, p0  }
0x20: {  	[sflag:s8] =	ssyncset.s32 @!p0 $0xFFFFF086;
	s6 =	sadd.s32 @!p0 s3, s7;
	s7 =	simm.s32 @!p0 $0x108  }
0x21: {  	s3 =	sadd.s32 s3, s9;
	s6 =	sadd.s32 @!p0 $0x88, s6;
	s7 =	simm.s32 @p2 $0x1082  }
0x22: {  	[simem:s7], [sflag:s8] =	dma.local @!p0 [hbm:s6], $0xF7A  }
0x23: {  	s9 =	sor.u32 $0xD0000000, s2;
	s6 =	simm.s32 $0x108;
	_ =	swait.ge @!p0 [sflag:s8], $0x0  }
0x24: {  	s3 =	sadd.s32 $0x88, s3;
	s6 =	simm.s32 @!p1 $0x1082;
	[sflag:s4] =	ssyncset.s32 $0xFFFFF086  }
0x25: {  	[simem:s6], [sflag:s4] =	dma.local [hbm:s3], $0xF7A  }
0x26: {  	[smem:$0x3F95] =	sst s1;
	(tag) =	ssettag s2;
	_ =	strace s9  }
0x27: {  	s1 =	sld [smem:$0x3FA5]  }
0x28: {  	s2 =	sld [smem:$0x3FA6]  }
0x29: {  	s4 =	sld [smem:$0x3FA8]  }
0x2a: {  	p0 =	seq.s32 s5, $0x0;
	s5 =	sld [smem:$0x3FA9]  }
0x2b: {  	s6 =	sld [smem:$0x3FAA]  }
0x2c: {  	s7 =	sld [smem:$0x3FAB]  }
0x2d: {  	s3 =	simm.s32 $0x108;
	s8 =	sld [smem:$0x3FAC]  }
0x2e: {  	s3 =	simm.s32 @!p0 $0x1082;
	s9 =	sld [smem:$0x3FAD]  }
0x2f: {  	lr =	sadd.s32 s0, s3;
	s0 =	sld [smem:$0x3FA4]  }
0x30: {  	s3 =	sld [smem:$0x3FA7]  }
0x31: {  	[smem:$0x3FB0] =	sst s10  }
0x32: {  	s10 =	sld [smem:$0x3FAE];
	_ =	sdelay $0x3  }
0x33: {  	p0 =	seq.s32 s10, $0x1;
	s10 =	sld [smem:$0x3FB0];
	_ =	sdelay $0x3  }
0x34: {  	[smem:$0x3FB0] =	sst s10  }
0x35: {  	s10 =	sld [smem:$0x3FAF];
	_ =	sdelay $0x3  }
0x36: {  	p1 =	seq.s32 s10, $0x1;
	s10 =	sld [smem:$0x3FB0];
	_ =	sdelay $0x3  }
0x37: {  	[smem:$0x3FB0] =	sst s10  }
0x38: {  	s10 =	sld [smem:$0x3FB1]  }
0x39: {  	_ = 	snop;
	(pc) =	sbr.ind lr, $3  }
0x3a: {  	_ = 	snop  }
0x3b: {  	_ = 	snop  }
0x3c: {  	p2 =	seq.s32 s10, $0x1;
	s10 =	sld [smem:$0x3FB0]  }
0x3d: {  	_ =	shalt  }
0x3e: {  	_ =	shalt  }
0x3f: {  	_ =	shalt  }
0x40: {  	_ =	shalt  }
0x41: {  	_ =	shalt  }
0x42: {  	_ =	shalt  }
0x43: {  	_ =	shalt  }
0x44: {  	_ =	shalt  }
0x45: {  	_ =	shalt  }
0x46: {  	_ =	shalt  }
0x47: {  	_ =	shalt  }
0x48: {  	_ =	shalt  }
0x49: {  	_ =	shalt  }
0x4a: {  	_ =	shalt  }
0x4b: {  	_ =	shalt  }
0x4c: {  	_ =	shalt  }
0x4d: {  	_ =	shalt  }
0x4e: {  	_ =	shalt  }
0x4f: {  	_ =	shalt  }
0x50: {  	_ =	shalt  }
0x51: {  	_ =	shalt  }
0x52: {  	_ =	shalt  }
0x53: {  	_ =	shalt  }
0x54: {  	_ =	shalt  }
0x55: {  	_ =	shalt  }
0x56: {  	_ =	shalt  }
0x57: {  	_ =	shalt  }
0x58: {  	_ =	shalt  }
0x59: {  	_ =	shalt  }
0x5a: {  	_ =	shalt  }
0x5b: {  	_ =	shalt  }
0x5c: {  	_ =	shalt  }
0x5d: {  	_ =	shalt  }
0x5e: {  	_ =	shalt  }
0x5f: {  	_ =	shalt  }
0x60: {  	_ =	shalt  }
0x61: {  	_ =	shalt  }
0x62: {  	_ =	shalt  }
0x63: {  	_ =	shalt  }
0x64: {  	_ =	shalt  }
0x65: {  	_ =	shalt  }
0x66: {  	_ =	shalt  }
0x67: {  	_ =	shalt  }
0x68: {  	_ =	shalt  }
0x69: {  	_ =	shalt  }
0x6a: {  	_ =	shalt  }
0x6b: {  	_ =	shalt  }
0x6c: {  	_ =	shalt  }
0x6d: {  	_ =	shalt  }
0x6e: {  	_ =	shalt  }
0x6f: {  	_ =	shalt  }
0x70: {  	_ =	shalt  }
0x71: {  	_ =	shalt  }
0x72: {  	_ =	shalt  }
0x73: {  	_ =	shalt  }
0x74: {  	_ =	shalt  }
0x75: {  	_ =	shalt  }
0x76: {  	_ =	shalt  }
0x77: {  	_ =	shalt  }
0x78: {  	_ =	shalt  }
0x79: {  	_ =	shalt  }
0x7a: {  	_ =	shalt  }
0x7b: {  	_ =	shalt  }
0x7c: {  	_ =	shalt  }
0x7d: {  	_ =	shalt  }
0x7e: {  	_ =	shalt  }
0x7f: {  	_ =	shalt  }
0x80: {  	_ =	shalt  }
0x81: {  	_ =	shalt  }
0x82: {  	_ =	shalt  }
0x83: {  	_ =	shalt  }
0x84: {  	_ =	shalt  }
0x85: {  	_ =	shalt  }
0x86: {  	_ =	shalt  }
0x87: {  	_ =	shalt  }
.Lfunc_end0:
.L_simem_size_0:
called_computation.1_lowered:
.L_overlay_start_0:
0x88: {  	s2 =	sld [smem:$0x3FD9]  }
0x89: {  	s3 =	sld [smem:$0x3FFE];
	_ =	sdelay $0x1  }
0x8a: {  	s1 =	srdreg.scid  }
0x8b: {  	s0 =	sand.u32 $0x1, s1  }
0x8c: {  	s17 =	sshll.u32 s0, $0xA;
	s2 =	sadd.s32 s3, s2  }
0x8d: {  	s2 =	sadd.s32 s2, s17  }
0x8e: {  	[smem:$0x3FBC] =	sst s2  }
0x8f: {  	_ = 	snop  }
0x90: {  	s2 =	sld [smem:$0x3FD0];
	(tm) =	ssettm $0x1  }
0x91: {  	s18 =	sld [smem:$0x3FFB];
	_ =	sdelay $0x3  }
0x92: {  	_ =	strace s18  }
0x93: {  	s3 =	sld [smem:$0x3FFC];
	_ =	sdelay $0x3  }
0x94: {  	_ =	strace s3  }
0x95: {  	s3 =	sld [smem:$0x3FFD];
	_ =	sdelay $0x3  }
0x96: {  	_ =	strace s3  }
0x97: {  	_ =	strace $0x8FFFFFFF  }
0x98: {  	s19 =	sld [smem:$0x3FDB];
	_ =	sdelay $0x1  }
0x99: {  	s4 =	simm.s32 $_scs_section_size  }
0x9a: {  	s5 =	simm.s32 $_size__tile_overlayer_lowered;
	s6 =	simm.s32 $_tile_overlayer_lowered  }
0x9b: {  	s22 =	simm.s32 $0x1BFF;
	s21 =	sshll.u32 s6, $0x1;
	s3 =	sadd.s32 s4, s19  }
0x9c: {  	s7 =	simm.s32 $0x0;
	s20 =	sshll.u32 s5, $0x1;
	s5 =	sadd.s32 s21, s3  }
0x9d: {  	[timem:s7], [sflag:s22] =	dma.local [hbm:s5], s20  }
0x9e: {  	_ =	swait.ge [sflag:s22], s20  }
0x9f: {  	s4 =	ssub.s32 $0x0, s20;
	[sflag:s22] =	ssyncset.done $0x0  }
0xa0: {  	[sflag:s22] =	ssyncadd.s32 s4;
	_ =	sdelay $0x1  }
0xa1: {  	s23 =	simm.s32 $0x1B8B  }
0xa2: {  	_ =	swait.ge [sflag:s23], $0x1  }
0xa3: {  	[sflag:s23] =	ssyncset.done $0x0  }
0xa4: {  	s25 =	simm.s32 $0x1B8E;
	s24 =	sld [smem:$0x3FFE];
	[sflag:s23] =	ssyncadd.s32 $0xFFFFFFFF  }
0xa5: {  	s26 =	simm.s32 $execute0_lowered;
	[smem:$0x3FD2] =	sst s25  }
0xa6: {  	s5 =	sshll.u32 s26, $0x1;
	_ =	strace $0x80000046;
	[dreg:$0x1] =	wrdreg $0xFFFFFFFF  }
0xa7: {  	s28 =	simm.s32 $_size_execute0_lowered;
	s3 =	sadd.s32 s3, s5;
	[dreg:$0x0] =	wrdreg $0x0  }
0xa8: {  	s5 =	sshll.u32 s28, $0x1;
	[dreg:$0x2] =	wrdreg s3  }
0xa9: {  	[dreg:$0x3] =	wrdreg s5  }
0xaa: {  	[dreg:$0x4] =	wrdreg $0xC0  }
0xab: {  	_ =	task [dreg:s7], $0x5FFFF  }
0xac: {  	[dreg:$0x1] =	wrdreg $0xFFFFFFFF  }
0xad: {  	[dreg:$0x0] =	wrdreg $0x60  }
0xae: {  	[dreg:$0x2] =	wrdreg s24  }
0xaf: {  	[dreg:$0x3] =	wrdreg s2  }
0xb0: {  	[dreg:$0x4] =	wrdreg $0x90000  }
0xb1: {  	[dreg:$0x5] =	wrdreg $0xA  }
0xb2: {  	_ =	task.clear_ibuf [dreg:s7], $0x6FFFF;
	_ =	strace $0x90000046  }
0xb3: {  	s29 =	simm.s32 $0xA;
	_ =	strace $0x80000048  }
0xb4: {  	_ =	swait.ge [sflag:s29], $0x1  }
0xb5: {  	[sflag:s29] =	ssyncadd.s32 $0xFFFFFFFF  }
0xb6: {  	_ =	strace $0x90000048  }
0xb7: {  	_ =	sfence  }
0xb8: {  	s30 =	sld [smem:$0x0];
	_ =	sdelay $0x2  }
0xb9: {  	s31 =	sshll.u32 s1, $0xD;
	s1 =	sshrl.u32 s1, $0x2  }
0xba: {  	s3 =	sand.u32 $0x4000, s31;
	s1 =	sadd.s32 s1, s30  }
0xbb: {  	s0 =	sor.u32 s3, s0;
	s1 =	sshll.u32 s1, $0x11  }
0xbc: {  	s0 =	sor.u32 s1, s0  }
0xbd: {  	s0 =	sadd.s32 $0x8F2B, s0  }
0xbe: {  	[sflag:s0] =	ssyncadd.remote.s32 $0x1  }
0xbf: {  	_ =	sfence.sel $0xFFFF  }
0xc0: {  	[dreg:$0x0] =	wrdreg $0xFFFFFFFF;
	(pc) =	sbr.abs _section_cstart, $3  }
0xc1: {  	[dreg:$0x1] =	wrdreg $0xFFFFFFFF  }
0xc2: {  	_ =	task.clear_ibuf [dreg:s7], $0x2FFFF;
	_ =	strace $0x9FFFFFFF  }
0xc3: {  	(tm) =	ssettm $0x7FFFFFFF  }
tec
execute0_lowered:
.L_overlay_start_1:
0x0: {  	(tag) =	ssettag $0x1  }
0x1: {  	s6 =	rddreg [dreg:$0x0]  }
0x2: {  	s7 =	rddreg [dreg:$0x1]  }
0x3: {  	s2 =	rddreg [dreg:$0x2]  }
0x4: {  	s0 =	rddreg [dreg:$0x3];
	s1 =	stileid.u32  }
0x5: {  	s4 =	srdreg.scid;
	s3 =	simm.s32 $0x0;
	s8 =	smul.u32 $0x2800, s1  }
0x6: {  	s15 =	simm.s32 $0x5000;
	s16 =	simm.s32 $0x0;
	s11 =	smul.u32 $0x14000, s1  }
0x7: {  	s9 =	sand.u32 $0x1, s4;
	[smem:$0x7FF] =	sst s3;
	s14 =	smul.u32 $0x50000, s1  }
0x8: {  	s4 =	sadd.s32 $0x7400, s6;
	s30 =	sshll.u32 s1, $0x6;
	s10 =	smul.u32 $0x140000, s9  }
0x9: {  	_ =	strace $0x80000047;
	s26 =	ssub.s32 $0x2, s9;
	s9 =	smul.u32 $0x28000, s9  }
0xa: {  	s5 =	sshrl.u32 s8, $0x3;
	s13 =	sshrl.u32 s26, $0x1;
	s29 =	sshrl.u32 s14, $0x2  }
0xb: {  	s12 =	sadd.s32 s5, s6;
	s5 =	sadd.s32 $0x55600, s6;
	s10 =	sadd.s32 s11, s10  }
0xc: {  	s11 =	ssub.s32 s26, s13;
	s28 =	sadd.s32 s8, s9;
	s14 =	sadd.s32 s29, s2  }
0xd: {  	s13 =	simm.s32 $0x2800;
	s10 =	sshrl.u32 s10, $0x3;
	s31 =	sshrl.u32 s28, $0x3  }
0xe: {  	s8 =	sadd.s32 $0x2400, s12;
	s12 =	simm.s32 $0x1;
	s10 =	sadd.s32 s10, s6  }
0xf: {  	s6 =	sor.u32 $0x1C01, s30;
	s7 =	sadd.s32 s7, s31;
	s9 =	sadd.s32 $0x57E00, s10  }
0x10: {  	s10 =	smax.u32 s11, $0x1;
	s11 =	sshrl.u32 s14, $0x3;
	s14 =	simm.s32 $0x7D  }
.LBB2_1:
0x11: {  	[spmem:s11], [sflag:s6] =	dma.local [hbm:s5], $0x2800  }
0x12: {  	_ =	swait.ge [sflag:s12], $0x2800  }
0x13: {  	[sflag:s12] =	ssyncset.done $0x0  }
0x14: {  	[sflag:s12] =	ssyncadd.s32 $0xFFFFD800  }
0x15: {  	[tilespmem:s3], [sflag:$0x1] =	stream.linear.gather [hbm4b:s7+s3], $0x2800, $0x38;
	[tilespmem:$0x1D000] =	vst v63  }
0x16: {  	_ =	swait.ge [sflag:s12], $0x2800  }
0x17: {  	[sflag:s12] =	ssyncset.done $0x0  }
0x18: {  	[sflag:s12] =	ssyncadd.s32 $0xFFFFD800  }
0x19: {  	[tilespmem:s13], [sflag:$0x1] =	stream.linear.gather [hbm4b:s8+s3], $0x2800, $0x38;
	[tilespmem:$0x1D000] =	vst v63  }
0x1a: {  	_ =	swait.ge [sflag:s12], $0x2800  }
0x1b: {  	[sflag:s12] =	ssyncset.done $0x0  }
0x1c: {  	[sflag:s12] =	ssyncadd.s32 $0xFFFFD800  }
0x1d: {  	s17 =	simm.s32 $0x0;
	[bflag:$0x0] =	sbarrier.arrive $0xFFFF  }
0x1e: {  	[tilespmem:s15], [sflag:$0x1] =	stream.indirect.gather [hbm4b:s4+s14], $0x80, s17, s14, $0xb8;
	[tilespmem:$0x1D000] =	vst v63  }
0x1f: {  	_ =	swait.ge [sflag:s12], $0x3E80  }
0x20: {  	[sflag:s12] =	ssyncset.done $0x0  }
0x21: {  	s31 =	simm.s32 $0x2800;
	[sflag:s12] =	ssyncadd.s32 $0xFFFFC180  }
0x22: {  	[spmem:s2] =	stream.indirect.scatter.add.f32 [tilespmem:s15], [sflag:$0x1], $0x80, s31, s14, $0xb8;
	[tilespmem:$0x1D000] =	vst v63  }
0x23: {  	_ =	swait.ge [sflag:s12], $0x3E80  }
0x24: {  	s18 =	simm.s32 $0x400;
	s17 =	simm.s32 $0x200;
	[sflag:s12] =	ssyncset.done $0x0  }
.LBB2_2:
0x25: {  	s19 =	sshra.s32 s17, $0x2  }
0x26: {  	[sflag:s12] =	ssyncadd.s32 $0xFFFFC180;
	s17 =	smov.u32 s18;
	s20 =	sadd.s32 $0x200, s18  }
0x27: {  	[tilespmem:s15], [sflag:$0x1] =	stream.indirect.gather [hbm4b:s4+s14], $0x80, s19, s14, $0xb8;
	[tilespmem:$0x1D000] =	vst v63  }
0x28: {  	p0 =	sne.s32 s18, $0x9E00;
	_ =	swait.ge [sflag:s12], $0x3E80  }
.Ltmp0:
0x29: {  	[sflag:s12] =	ssyncset.done $0x0;
	(pc) =	sbr.rel @p0 .LBB2_2-.Ltmp0, $4  }
0x2a: {  	s18 =	sadd.s32 $0x2800, s19;
	[sflag:s12] =	ssyncadd.s32 $0xFFFFC180  }
0x2b: {  	[spmem:s2] =	stream.indirect.scatter.add.f32 [tilespmem:s15], [sflag:$0x1], $0x80, s18, s14, $0xb8;
	[tilespmem:$0x1D000] =	vst v63  }
0x2c: {  	_ =	swait.ge [sflag:s12], $0x3E80  }
0x2d: {  	s18 =	smov.u32 s20;
	[sflag:s12] =	ssyncset.done $0x0  }
0x2e: {  	s17 =	sshra.s32 s17, $0x2;
	[sflag:s12] =	ssyncadd.s32 $0xFFFFC180  }
0x2f: {  	[tilespmem:s15], [sflag:$0x1] =	stream.indirect.gather [hbm4b:s4+s14], $0x80, s17, s14, $0xb8;
	[tilespmem:$0x1D000] =	vst v63  }
0x30: {  	_ =	swait.ge [sflag:s12], $0x3E80  }
0x31: {  	[sflag:s12] =	ssyncset.done $0x0  }
0x32: {  	s17 =	sadd.s32 $0x2800, s17;
	[sflag:s12] =	ssyncadd.s32 $0xFFFFC180  }
0x33: {  	[spmem:s2] =	stream.indirect.scatter.add.f32 [tilespmem:s15], [sflag:$0x1], $0x80, s17, s14, $0xb8;
	[tilespmem:$0x1D000] =	vst v63  }
0x34: {  	_ =	swait.ge [sflag:s12], $0x3E80  }
0x35: {  	s16 =	sadd.s32 $0x1, s16;
	[sflag:s12] =	ssyncset.done $0x0  }
0x36: {  	p0 =	sne.s32 s16, s10;
	[sflag:s12] =	ssyncadd.s32 $0xFFFFC180  }
.Ltmp1:
0x37: {  	[bflag:$0x0] =	sbarrier.arrive $0xFFFF;
	(pc) =	sbr.rel @p0 .LBB2_1-.Ltmp1, $4  }
0x38: {  	[hbm:s9], [sflag:s6] =	dma.local [spmem:s11], $0x2800  }
0x39: {  	_ =	swait.ge [sflag:s12], $0x2800  }
0x3a: {  	[sflag:s12] =	ssyncset.done $0x0  }
0x3b: {  	[sflag:s12] =	ssyncadd.s32 $0xFFFFD800  }
0x3c: {  	_ =	sfence.sel $0x180000  }
0x3d: {  	[bflag:$0x0] =	sbarrier.arrive $0xFFFF  }
0x3e: {  	p0 =	sne.s32 s1, $0x0;
	_ =	strace $0x90000047  }
0x3f: {  	s0 =	sadd.s32 @!p0 $0x100000, s0;
	[bflag:$0x2] =	sbarrier.arrive $0xFFFF  }
0x40: {  	[sflag:s0] =	ssyncadd.tile.s32 @!p0 $0x1;
	_ =	shalt  }
.Lfunc_end2:
_tile_overlayer_lowered:
.L_overlay_start_2:
0x41: {  	(tag) =	ssettag $0x2  }
0x42: {  	s0 =	rddreg [dreg:$0x0];
	s2 =	stileid.u32  }
0x43: {  	s1 =	rddreg [dreg:$0x1];
	p0 =	sne.s32 s2, $0x0  }
0x44: {  	s3 =	rddreg [dreg:$0x2];
	[bflag:$0x3] =	sbarrier.arrive $0xFFFF;
	s2 =	simm.s32 @!p0 $0x1C01  }
0x45: {  	[timem:s3], [sflag:s2] =	dma.local @!p0 [hbm:s0], s1  }
0x46: {  	s0 =	simm.s32 @!p0 $0x1  }
0x47: {  	_ =	swait.ge @!p0 [sflag:s0], s1  }
0x48: {  	s1 =	ssub.s32 @!p0 $0x0, s1;
	[sflag:s0] =	ssyncset.done @!p0 $0x0  }
0x49: {  	[sflag:s0] =	ssyncadd.s32 @!p0 s1  }
0x4a: {  	[bflag:$0x3] =	sbarrier.arrive $0xFFFF  }
0x4b: {  	_ =	shalt  }

// kernel: kernel.17.cloned.1.call-start
scs
__scs_entry_jumppad:
0x0: {  	(pc) =	sbr.rel $0x88, $3  }
0x1: {  	(tag) =	ssettag $0x0;
	lr =	simm.s32 $0x1  }
0x2: {  	[smem:$0x3F95] =	sst lr;
	_ =	strace $0xD0000000  }
0x3: {  	_ = 	snop  }
0x4: {  	_ = 	snop  }
0x5: {  	_ = 	snop  }
0x6: {  	_ = 	snop  }
0x7: {  	_ = 	snop  }
__scs_overlays_trampoline_lowered:
0x8: {  	[smem:$0x3FA4] =	sst s0  }
0x9: {  	[smem:$0x3FA5] =	sst s1  }
0xa: {  	[smem:$0x3FA6] =	sst s2  }
0xb: {  	[smem:$0x3FA7] =	sst s3  }
0xc: {  	[smem:$0x3FA8] =	sst s4  }
0xd: {  	[smem:$0x3FA9] =	sst s5  }
0xe: {  	[smem:$0x3FAA] =	sst s6  }
0xf: {  	[smem:$0x3FAB] =	sst s7  }
0x10: {  	[smem:$0x3FAC] =	sst s8  }
0x11: {  	[smem:$0x3FAD] =	sst s9;
	s0 =	simm.s32 @!p0 $0x0  }
0x12: {  	s1 =	sld [smem:$0x3F93];
	s0 =	simm.s32 @p0 $0x1  }
0x13: {  	[smem:$0x3FAE] =	sst s0;
	s0 =	simm.s32 @!p1 $0x0  }
0x14: {  	s2 =	sld [smem:$0x3F92];
	s0 =	simm.s32 @p1 $0x1  }
0x15: {  	[smem:$0x3FAF] =	sst s0;
	s0 =	simm.s32 @!p2 $0x0  }
0x16: {  	s3 =	sld [smem:$0x3FDB];
	s0 =	simm.s32 @p2 $0x1  }
0x17: {  	s4 =	simm.s32 $0x1BF5;
	[smem:$0x3FB1] =	sst s0  }
0x18: {  	s0 =	sld [smem:$0x3F94];
	_ =	swait.ge [sflag:s4], $0x0  }
0x19: {  	s7 =	sld [smem:$0x3F95]  }
0x1a: {  	s8 =	sadd.s32 $0xFFFFE003, lr  }
0x1b: {  	s9 =	sadd.s32 $0xFFFFFEF7, lr;
	s5 =	simm.s32 $0xFFFFFFFF;
	p2 =	slt.u32 s8, $0xFFFFF086  }
0x1c: {  	p1 =	slt.u32 s9, $0xF7A;
	s5 =	simm.s32 @!p2 $0x0  }
0x1d: {  	s5 =	simm.s32 @p1 $0x1;
	p0 =	seq.s32 s7, s2  }
0x1e: {  	s7 =	smul.u32 @!p0 $0xF7A, s2;
	p2 =	seq.s32 @!p0 s5, $0x0  }
0x1f: {  	s9 =	smul.u32 $0xF7A, s1;
	s8 =	simm.s32 @!p0 $0x1BF5;
	p2 =	por !p2, p0  }
0x20: {  	[sflag:s8] =	ssyncset.s32 @!p0 $0xFFFFF086;
	s6 =	sadd.s32 @!p0 s3, s7;
	s7 =	simm.s32 @!p0 $0x108  }
0x21: {  	s3 =	sadd.s32 s3, s9;
	s6 =	sadd.s32 @!p0 $0x88, s6;
	s7 =	simm.s32 @p2 $0x1082  }
0x22: {  	[simem:s7], [sflag:s8] =	dma.local @!p0 [hbm:s6], $0xF7A  }
0x23: {  	s9 =	sor.u32 $0xD0000000, s2;
	s6 =	simm.s32 $0x108;
	_ =	swait.ge @!p0 [sflag:s8], $0x0  }
0x24: {  	s3 =	sadd.s32 $0x88, s3;
	s6 =	simm.s32 @!p1 $0x1082;
	[sflag:s4] =	ssyncset.s32 $0xFFFFF086  }
0x25: {  	[simem:s6], [sflag:s4] =	dma.local [hbm:s3], $0xF7A  }
0x26: {  	[smem:$0x3F95] =	sst s1;
	(tag) =	ssettag s2;
	_ =	strace s9  }
0x27: {  	s1 =	sld [smem:$0x3FA5]  }
0x28: {  	s2 =	sld [smem:$0x3FA6]  }
0x29: {  	s4 =	sld [smem:$0x3FA8]  }
0x2a: {  	p0 =	seq.s32 s5, $0x0;
	s5 =	sld [smem:$0x3FA9]  }
0x2b: {  	s6 =	sld [smem:$0x3FAA]  }
0x2c: {  	s7 =	sld [smem:$0x3FAB]  }
0x2d: {  	s3 =	simm.s32 $0x108;
	s8 =	sld [smem:$0x3FAC]  }
0x2e: {  	s3 =	simm.s32 @!p0 $0x1082;
	s9 =	sld [smem:$0x3FAD]  }
0x2f: {  	lr =	sadd.s32 s0, s3;
	s0 =	sld [smem:$0x3FA4]  }
0x30: {  	s3 =	sld [smem:$0x3FA7]  }
0x31: {  	[smem:$0x3FB0] =	sst s10  }
0x32: {  	s10 =	sld [smem:$0x3FAE];
	_ =	sdelay $0x3  }
0x33: {  	p0 =	seq.s32 s10, $0x1;
	s10 =	sld [smem:$0x3FB0];
	_ =	sdelay $0x3  }
0x34: {  	[smem:$0x3FB0] =	sst s10  }
0x35: {  	s10 =	sld [smem:$0x3FAF];
	_ =	sdelay $0x3  }
0x36: {  	p1 =	seq.s32 s10, $0x1;
	s10 =	sld [smem:$0x3FB0];
	_ =	sdelay $0x3  }
0x37: {  	[smem:$0x3FB0] =	sst s10  }
0x38: {  	s10 =	sld [smem:$0x3FB1]  }
0x39: {  	_ = 	snop;
	(pc) =	sbr.ind lr, $3  }
0x3a: {  	_ = 	snop  }
0x3b: {  	_ = 	snop  }
0x3c: {  	p2 =	seq.s32 s10, $0x1;
	s10 =	sld [smem:$0x3FB0]  }
0x3d: {  	_ =	shalt  }
0x3e: {  	_ =	shalt  }
0x3f: {  	_ =	shalt  }
0x40: {  	_ =	shalt  }
0x41: {  	_ =	shalt  }
0x42: {  	_ =	shalt  }
0x43: {  	_ =	shalt  }
0x44: {  	_ =	shalt  }
0x45: {  	_ =	shalt  }
0x46: {  	_ =	shalt  }
0x47: {  	_ =	shalt  }
0x48: {  	_ =	shalt  }
0x49: {  	_ =	shalt  }
0x4a: {  	_ =	shalt  }
0x4b: {  	_ =	shalt  }
0x4c: {  	_ =	shalt  }
0x4d: {  	_ =	shalt  }
0x4e: {  	_ =	shalt  }
0x4f: {  	_ =	shalt  }
0x50: {  	_ =	shalt  }
0x51: {  	_ =	shalt  }
0x52: {  	_ =	shalt  }
0x53: {  	_ =	shalt  }
0x54: {  	_ =	shalt  }
0x55: {  	_ =	shalt  }
0x56: {  	_ =	shalt  }
0x57: {  	_ =	shalt  }
0x58: {  	_ =	shalt  }
0x59: {  	_ =	shalt  }
0x5a: {  	_ =	shalt  }
0x5b: {  	_ =	shalt  }
0x5c: {  	_ =	shalt  }
0x5d: {  	_ =	shalt  }
0x5e: {  	_ =	shalt  }
0x5f: {  	_ =	shalt  }
0x60: {  	_ =	shalt  }
0x61: {  	_ =	shalt  }
0x62: {  	_ =	shalt  }
0x63: {  	_ =	shalt  }
0x64: {  	_ =	shalt  }
0x65: {  	_ =	shalt  }
0x66: {  	_ =	shalt  }
0x67: {  	_ =	shalt  }
0x68: {  	_ =	shalt  }
0x69: {  	_ =	shalt  }
0x6a: {  	_ =	shalt  }
0x6b: {  	_ =	shalt  }
0x6c: {  	_ =	shalt  }
0x6d: {  	_ =	shalt  }
0x6e: {  	_ =	shalt  }
0x6f: {  	_ =	shalt  }
0x70: {  	_ =	shalt  }
0x71: {  	_ =	shalt  }
0x72: {  	_ =	shalt  }
0x73: {  	_ =	shalt  }
0x74: {  	_ =	shalt  }
0x75: {  	_ =	shalt  }
0x76: {  	_ =	shalt  }
0x77: {  	_ =	shalt  }
0x78: {  	_ =	shalt  }
0x79: {  	_ =	shalt  }
0x7a: {  	_ =	shalt  }
0x7b: {  	_ =	shalt  }
0x7c: {  	_ =	shalt  }
0x7d: {  	_ =	shalt  }
0x7e: {  	_ =	shalt  }
0x7f: {  	_ =	shalt  }
0x80: {  	_ =	shalt  }
0x81: {  	_ =	shalt  }
0x82: {  	_ =	shalt  }
0x83: {  	_ =	shalt  }
0x84: {  	_ =	shalt  }
0x85: {  	_ =	shalt  }
0x86: {  	_ =	shalt  }
0x87: {  	_ =	shalt  }
.Lfunc_end0:
.L_simem_size_0:
called_computation.2_lowered:
.L_overlay_start_0:
0x88: {  	s2 =	sld [smem:$0x3FD9]  }
0x89: {  	s3 =	sld [smem:$0x3FFE];
	_ =	sdelay $0x1  }
0x8a: {  	s1 =	srdreg.scid  }
0x8b: {  	s0 =	sand.u32 $0x1, s1  }
0x8c: {  	s17 =	sshll.u32 s0, $0xA;
	s2 =	sadd.s32 s3, s2  }
0x8d: {  	s2 =	sadd.s32 s2, s17  }
0x8e: {  	[smem:$0x3FBC] =	sst s2  }
0x8f: {  	_ = 	snop  }
0x90: {  	s2 =	sld [smem:$0x3FD0];
	(tm) =	ssettm $0x1  }
0x91: {  	s18 =	sld [smem:$0x3FFB];
	_ =	sdelay $0x3  }
0x92: {  	_ =	strace s18  }
0x93: {  	s3 =	sld [smem:$0x3FFC];
	_ =	sdelay $0x3  }
0x94: {  	_ =	strace s3  }
0x95: {  	s3 =	sld [smem:$0x3FFD];
	_ =	sdelay $0x3  }
0x96: {  	_ =	strace s3  }
0x97: {  	_ =	strace $0x8FFFFFFF  }
0x98: {  	s19 =	sld [smem:$0x3FDB];
	_ =	sdelay $0x1  }
0x99: {  	s4 =	simm.s32 $_scs_section_size  }
0x9a: {  	s5 =	simm.s32 $_size__tile_overlayer_lowered;
	s6 =	simm.s32 $_tile_overlayer_lowered  }
0x9b: {  	s22 =	simm.s32 $0x1BFF;
	s21 =	sshll.u32 s6, $0x1;
	s3 =	sadd.s32 s4, s19  }
0x9c: {  	s7 =	simm.s32 $0x0;
	s20 =	sshll.u32 s5, $0x1;
	s5 =	sadd.s32 s21, s3  }
0x9d: {  	[timem:s7], [sflag:s22] =	dma.local [hbm:s5], s20  }
0x9e: {  	_ =	swait.ge [sflag:s22], s20  }
0x9f: {  	s4 =	ssub.s32 $0x0, s20;
	[sflag:s22] =	ssyncset.done $0x0  }
0xa0: {  	[sflag:s22] =	ssyncadd.s32 s4;
	_ =	sdelay $0x1  }
0xa1: {  	s23 =	simm.s32 $0x1B8B  }
0xa2: {  	_ =	swait.ge [sflag:s23], $0x1  }
0xa3: {  	[sflag:s23] =	ssyncset.done $0x0  }
0xa4: {  	s25 =	simm.s32 $0x1B8E;
	s24 =	sld [smem:$0x3FFE];
	[sflag:s23] =	ssyncadd.s32 $0xFFFFFFFF  }
0xa5: {  	s26 =	simm.s32 $execute0_lowered;
	[smem:$0x3FD2] =	sst s25  }
0xa6: {  	s5 =	sshll.u32 s26, $0x1;
	_ =	strace $0x8000004C;
	[dreg:$0x1] =	wrdreg $0xFFFFFFFF  }
0xa7: {  	s28 =	simm.s32 $_size_execute0_lowered;
	s3 =	sadd.s32 s3, s5;
	[dreg:$0x0] =	wrdreg $0x0  }
0xa8: {  	s5 =	sshll.u32 s28, $0x1;
	[dreg:$0x2] =	wrdreg s3  }
0xa9: {  	[dreg:$0x3] =	wrdreg s5  }
0xaa: {  	[dreg:$0x4] =	wrdreg $0xC0  }
0xab: {  	_ =	task [dreg:s7], $0x5FFFF  }
0xac: {  	[dreg:$0x1] =	wrdreg $0xFFFFFFFF  }
0xad: {  	[dreg:$0x0] =	wrdreg $0x60  }
0xae: {  	[dreg:$0x2] =	wrdreg s24  }
0xaf: {  	[dreg:$0x3] =	wrdreg s2  }
0xb0: {  	[dreg:$0x4] =	wrdreg $0x90000  }
0xb1: {  	[dreg:$0x5] =	wrdreg $0x9  }
0xb2: {  	_ =	task.clear_ibuf [dreg:s7], $0x6FFFF;
	_ =	strace $0x9000004C  }
0xb3: {  	s29 =	simm.s32 $0x9;
	_ =	strace $0x8000004E  }
0xb4: {  	_ =	swait.ge [sflag:s29], $0x1  }
0xb5: {  	[sflag:s29] =	ssyncadd.s32 $0xFFFFFFFF  }
0xb6: {  	_ =	strace $0x9000004E  }
0xb7: {  	_ =	sfence  }
0xb8: {  	s30 =	sld [smem:$0x0];
	_ =	sdelay $0x2  }
0xb9: {  	s31 =	sshll.u32 s1, $0xD;
	s1 =	sshrl.u32 s1, $0x2  }
0xba: {  	s3 =	sand.u32 $0x4000, s31;
	s1 =	sadd.s32 s1, s30  }
0xbb: {  	s0 =	sor.u32 s3, s0;
	s1 =	sshll.u32 s1, $0x11  }
0xbc: {  	s0 =	sor.u32 s1, s0  }
0xbd: {  	s0 =	sadd.s32 $0x8F2B, s0  }
0xbe: {  	[sflag:s0] =	ssyncadd.remote.s32 $0x1  }
0xbf: {  	_ =	sfence.sel $0xFFFF  }
0xc0: {  	[dreg:$0x0] =	wrdreg $0xFFFFFFFF;
	(pc) =	sbr.abs _section_cstart, $3  }
0xc1: {  	[dreg:$0x1] =	wrdreg $0xFFFFFFFF  }
0xc2: {  	_ =	task.clear_ibuf [dreg:s7], $0x2FFFF;
	_ =	strace $0x9FFFFFFF  }
0xc3: {  	(tm) =	ssettm $0x7FFFFFFF  }
tec
execute0_lowered:
.L_overlay_start_1:
0x0: {  	(tag) =	ssettag $0x1  }
0x1: {  	s6 =	rddreg [dreg:$0x0]  }
0x2: {  	s7 =	rddreg [dreg:$0x1]  }
0x3: {  	s2 =	rddreg [dreg:$0x2]  }
0x4: {  	s0 =	rddreg [dreg:$0x3];
	s1 =	stileid.u32  }
0x5: {  	s4 =	srdreg.scid;
	s3 =	simm.s32 $0x0;
	s8 =	smul.u32 $0x2800, s1  }
0x6: {  	s15 =	simm.s32 $0x5000;
	s16 =	simm.s32 $0x0;
	s11 =	smul.u32 $0x14000, s1  }
0x7: {  	s9 =	sand.u32 $0x1, s4;
	[smem:$0x7FF] =	sst s3;
	s14 =	smul.u32 $0x50000, s1  }
0x8: {  	s4 =	sadd.s32 $0x57E00, s6;
	s30 =	sshll.u32 s1, $0x6;
	s10 =	smul.u32 $0x140000, s9  }
0x9: {  	_ =	strace $0x8000004D;
	s26 =	ssub.s32 $0x2, s9;
	s9 =	smul.u32 $0x28000, s9  }
0xa: {  	s5 =	sshrl.u32 s8, $0x3;
	s13 =	sshrl.u32 s26, $0x1;
	s29 =	sshrl.u32 s14, $0x2  }
0xb: {  	s12 =	sadd.s32 s5, s6;
	s5 =	sadd.s32 $0x55600, s6;
	s10 =	sadd.s32 s11, s10  }
0xc: {  	s11 =	ssub.s32 s26, s13;
	s28 =	sadd.s32 s8, s9;
	s14 =	sadd.s32 s29, s2  }
0xd: {  	s13 =	simm.s32 $0x2800;
	s10 =	sshrl.u32 s10, $0x3;
	s31 =	sshrl.u32 s28, $0x3  }
0xe: {  	s8 =	sadd.s32 $0x2400, s12;
	s12 =	simm.s32 $0x1;
	s10 =	sadd.s32 s10, s6  }
0xf: {  	s6 =	sor.u32 $0x1C01, s30;
	s7 =	sadd.s32 s7, s31;
	s9 =	sadd.s32 $0xA6000, s10  }
0x10: {  	s10 =	smax.u32 s11, $0x1;
	s11 =	sshrl.u32 s14, $0x3;
	s14 =	simm.s32 $0x7D  }
.LBB2_1:
0x11: {  	[spmem:s11], [sflag:s6] =	dma.local [hbm:s5], $0x2800  }
0x12: {  	_ =	swait.ge [sflag:s12], $0x2800  }
0x13: {  	[sflag:s12] =	ssyncset.done $0x0  }
0x14: {  	[sflag:s12] =	ssyncadd.s32 $0xFFFFD800  }
0x15: {  	[tilespmem:s3], [sflag:$0x1] =	stream.linear.gather [hbm4b:s7+s3], $0x2800, $0x38;
	[tilespmem:$0x1D000] =	vst v63  }
0x16: {  	_ =	swait.ge [sflag:s12], $0x2800  }
0x17: {  	[sflag:s12] =	ssyncset.done $0x0  }
0x18: {  	[sflag:s12] =	ssyncadd.s32 $0xFFFFD800  }
0x19: {  	[tilespmem:s13], [sflag:$0x1] =	stream.linear.gather [hbm4b:s8+s3], $0x2800, $0x38;
	[tilespmem:$0x1D000] =	vst v63  }
0x1a: {  	_ =	swait.ge [sflag:s12], $0x2800  }
0x1b: {  	[sflag:s12] =	ssyncset.done $0x0  }
0x1c: {  	[sflag:s12] =	ssyncadd.s32 $0xFFFFD800  }
0x1d: {  	s17 =	simm.s32 $0x0;
	[bflag:$0x0] =	sbarrier.arrive $0xFFFF  }
0x1e: {  	[tilespmem:s15], [sflag:$0x1] =	stream.indirect.gather [hbm4b:s4+s14], $0x80, s17, s14, $0xb8;
	[tilespmem:$0x1D000] =	vst v63  }
0x1f: {  	_ =	swait.ge [sflag:s12], $0x3E80  }
0x20: {  	[sflag:s12] =	ssyncset.done $0x0  }
0x21: {  	s31 =	simm.s32 $0x2800;
	[sflag:s12] =	ssyncadd.s32 $0xFFFFC180  }
0x22: {  	[spmem:s2] =	stream.indirect.scatter.add.f32 [tilespmem:s15], [sflag:$0x1], $0x80, s31, s14, $0xb8;
	[tilespmem:$0x1D000] =	vst v63  }
0x23: {  	_ =	swait.ge [sflag:s12], $0x3E80  }
0x24: {  	s18 =	simm.s32 $0x400;
	s17 =	simm.s32 $0x200;
	[sflag:s12] =	ssyncset.done $0x0  }
.LBB2_2:
0x25: {  	s19 =	sshra.s32 s17, $0x2  }
0x26: {  	[sflag:s12] =	ssyncadd.s32 $0xFFFFC180;
	s17 =	smov.u32 s18;
	s20 =	sadd.s32 $0x200, s18  }
0x27: {  	[tilespmem:s15], [sflag:$0x1] =	stream.indirect.gather [hbm4b:s4+s14], $0x80, s19, s14, $0xb8;
	[tilespmem:$0x1D000] =	vst v63  }
0x28: {  	p0 =	sne.s32 s18, $0x9E00;
	_ =	swait.ge [sflag:s12], $0x3E80  }
.Ltmp0:
0x29: {  	[sflag:s12] =	ssyncset.done $0x0;
	(pc) =	sbr.rel @p0 .LBB2_2-.Ltmp0, $4  }
0x2a: {  	s18 =	sadd.s32 $0x2800, s19;
	[sflag:s12] =	ssyncadd.s32 $0xFFFFC180  }
0x2b: {  	[spmem:s2] =	stream.indirect.scatter.add.f32 [tilespmem:s15], [sflag:$0x1], $0x80, s18, s14, $0xb8;
	[tilespmem:$0x1D000] =	vst v63  }
0x2c: {  	_ =	swait.ge [sflag:s12], $0x3E80  }
0x2d: {  	s18 =	smov.u32 s20;
	[sflag:s12] =	ssyncset.done $0x0  }
0x2e: {  	s17 =	sshra.s32 s17, $0x2;
	[sflag:s12] =	ssyncadd.s32 $0xFFFFC180  }
0x2f: {  	[tilespmem:s15], [sflag:$0x1] =	stream.indirect.gather [hbm4b:s4+s14], $0x80, s17, s14, $0xb8;
	[tilespmem:$0x1D000] =	vst v63  }
0x30: {  	_ =	swait.ge [sflag:s12], $0x3E80  }
0x31: {  	[sflag:s12] =	ssyncset.done $0x0  }
0x32: {  	s17 =	sadd.s32 $0x2800, s17;
	[sflag:s12] =	ssyncadd.s32 $0xFFFFC180  }
0x33: {  	[spmem:s2] =	stream.indirect.scatter.add.f32 [tilespmem:s15], [sflag:$0x1], $0x80, s17, s14, $0xb8;
	[tilespmem:$0x1D000] =	vst v63  }
0x34: {  	_ =	swait.ge [sflag:s12], $0x3E80  }
0x35: {  	s16 =	sadd.s32 $0x1, s16;
	[sflag:s12] =	ssyncset.done $0x0  }
0x36: {  	p0 =	sne.s32 s16, s10;
	[sflag:s12] =	ssyncadd.s32 $0xFFFFC180  }
.Ltmp1:
0x37: {  	[bflag:$0x0] =	sbarrier.arrive $0xFFFF;
	(pc) =	sbr.rel @p0 .LBB2_1-.Ltmp1, $4  }
0x38: {  	[hbm:s9], [sflag:s6] =	dma.local [spmem:s11], $0x2800  }
0x39: {  	_ =	swait.ge [sflag:s12], $0x2800  }
0x3a: {  	[sflag:s12] =	ssyncset.done $0x0  }
0x3b: {  	[sflag:s12] =	ssyncadd.s32 $0xFFFFD800  }
0x3c: {  	_ =	sfence.sel $0x180000  }
0x3d: {  	[bflag:$0x0] =	sbarrier.arrive $0xFFFF  }
0x3e: {  	p0 =	sne.s32 s1, $0x0;
	_ =	strace $0x9000004D  }
0x3f: {  	s0 =	sadd.s32 @!p0 $0x100000, s0;
	[bflag:$0x2] =	sbarrier.arrive $0xFFFF  }
0x40: {  	[sflag:s0] =	ssyncadd.tile.s32 @!p0 $0x1;
	_ =	shalt  }
.Lfunc_end2:
_tile_overlayer_lowered:
.L_overlay_start_2:
0x41: {  	(tag) =	ssettag $0x2  }
0x42: {  	s0 =	rddreg [dreg:$0x0];
	s2 =	stileid.u32  }
0x43: {  	s1 =	rddreg [dreg:$0x1];
	p0 =	sne.s32 s2, $0x0  }
0x44: {  	s3 =	rddreg [dreg:$0x2];
	[bflag:$0x3] =	sbarrier.arrive $0xFFFF;
	s2 =	simm.s32 @!p0 $0x1C01  }
0x45: {  	[timem:s3], [sflag:s2] =	dma.local @!p0 [hbm:s0], s1  }
0x46: {  	s0 =	simm.s32 @!p0 $0x1  }
0x47: {  	_ =	swait.ge @!p0 [sflag:s0], s1  }
0x48: {  	s1 =	ssub.s32 @!p0 $0x0, s1;
	[sflag:s0] =	ssyncset.done @!p0 $0x0  }
0x49: {  	[sflag:s0] =	ssyncadd.s32 @!p0 s1  }
0x4a: {  	[bflag:$0x3] =	sbarrier.arrive $0xFFFF  }
0x4b: {  	_ =	shalt  }

// kernel: kernel.20.cloned.1.call-start
scs
__scs_entry_jumppad:
0x0: {  	(pc) =	sbr.rel $0x88, $3  }
0x1: {  	(tag) =	ssettag $0x0;
	lr =	simm.s32 $0x1  }
0x2: {  	[smem:$0x3F95] =	sst lr;
	_ =	strace $0xD0000000  }
0x3: {  	_ = 	snop  }
0x4: {  	_ = 	snop  }
0x5: {  	_ = 	snop  }
0x6: {  	_ = 	snop  }
0x7: {  	_ = 	snop  }
__scs_overlays_trampoline_lowered:
0x8: {  	[smem:$0x3FA4] =	sst s0  }
0x9: {  	[smem:$0x3FA5] =	sst s1  }
0xa: {  	[smem:$0x3FA6] =	sst s2  }
0xb: {  	[smem:$0x3FA7] =	sst s3  }
0xc: {  	[smem:$0x3FA8] =	sst s4  }
0xd: {  	[smem:$0x3FA9] =	sst s5  }
0xe: {  	[smem:$0x3FAA] =	sst s6  }
0xf: {  	[smem:$0x3FAB] =	sst s7  }
0x10: {  	[smem:$0x3FAC] =	sst s8  }
0x11: {  	[smem:$0x3FAD] =	sst s9;
	s0 =	simm.s32 @!p0 $0x0  }
0x12: {  	s1 =	sld [smem:$0x3F93];
	s0 =	simm.s32 @p0 $0x1  }
0x13: {  	[smem:$0x3FAE] =	sst s0;
	s0 =	simm.s32 @!p1 $0x0  }
0x14: {  	s2 =	sld [smem:$0x3F92];
	s0 =	simm.s32 @p1 $0x1  }
0x15: {  	[smem:$0x3FAF] =	sst s0;
	s0 =	simm.s32 @!p2 $0x0  }
0x16: {  	s3 =	sld [smem:$0x3FDB];
	s0 =	simm.s32 @p2 $0x1  }
0x17: {  	s4 =	simm.s32 $0x1BF5;
	[smem:$0x3FB1] =	sst s0  }
0x18: {  	s0 =	sld [smem:$0x3F94];
	_ =	swait.ge [sflag:s4], $0x0  }
0x19: {  	s7 =	sld [smem:$0x3F95]  }
0x1a: {  	s8 =	sadd.s32 $0xFFFFE003, lr  }
0x1b: {  	s9 =	sadd.s32 $0xFFFFFEF7, lr;
	s5 =	simm.s32 $0xFFFFFFFF;
	p2 =	slt.u32 s8, $0xFFFFF086  }
0x1c: {  	p1 =	slt.u32 s9, $0xF7A;
	s5 =	simm.s32 @!p2 $0x0  }
0x1d: {  	s5 =	simm.s32 @p1 $0x1;
	p0 =	seq.s32 s7, s2  }
0x1e: {  	s7 =	smul.u32 @!p0 $0xF7A, s2;
	p2 =	seq.s32 @!p0 s5, $0x0  }
0x1f: {  	s9 =	smul.u32 $0xF7A, s1;
	s8 =	simm.s32 @!p0 $0x1BF5;
	p2 =	por !p2, p0  }
0x20: {  	[sflag:s8] =	ssyncset.s32 @!p0 $0xFFFFF086;
	s6 =	sadd.s32 @!p0 s3, s7;
	s7 =	simm.s32 @!p0 $0x108  }
0x21: {  	s3 =	sadd.s32 s3, s9;
	s6 =	sadd.s32 @!p0 $0x88, s6;
	s7 =	simm.s32 @p2 $0x1082  }
0x22: {  	[simem:s7], [sflag:s8] =	dma.local @!p0 [hbm:s6], $0xF7A  }
0x23: {  	s9 =	sor.u32 $0xD0000000, s2;
	s6 =	simm.s32 $0x108;
	_ =	swait.ge @!p0 [sflag:s8], $0x0  }
0x24: {  	s3 =	sadd.s32 $0x88, s3;
	s6 =	simm.s32 @!p1 $0x1082;
	[sflag:s4] =	ssyncset.s32 $0xFFFFF086  }
0x25: {  	[simem:s6], [sflag:s4] =	dma.local [hbm:s3], $0xF7A  }
0x26: {  	[smem:$0x3F95] =	sst s1;
	(tag) =	ssettag s2;
	_ =	strace s9  }
0x27: {  	s1 =	sld [smem:$0x3FA5]  }
0x28: {  	s2 =	sld [smem:$0x3FA6]  }
0x29: {  	s4 =	sld [smem:$0x3FA8]  }
0x2a: {  	p0 =	seq.s32 s5, $0x0;
	s5 =	sld [smem:$0x3FA9]  }
0x2b: {  	s6 =	sld [smem:$0x3FAA]  }
0x2c: {  	s7 =	sld [smem:$0x3FAB]  }
0x2d: {  	s3 =	simm.s32 $0x108;
	s8 =	sld [smem:$0x3FAC]  }
0x2e: {  	s3 =	simm.s32 @!p0 $0x1082;
	s9 =	sld [smem:$0x3FAD]  }
0x2f: {  	lr =	sadd.s32 s0, s3;
	s0 =	sld [smem:$0x3FA4]  }
0x30: {  	s3 =	sld [smem:$0x3FA7]  }
0x31: {  	[smem:$0x3FB0] =	sst s10  }
0x32: {  	s10 =	sld [smem:$0x3FAE];
	_ =	sdelay $0x3  }
0x33: {  	p0 =	seq.s32 s10, $0x1;
	s10 =	sld [smem:$0x3FB0];
	_ =	sdelay $0x3  }
0x34: {  	[smem:$0x3FB0] =	sst s10  }
0x35: {  	s10 =	sld [smem:$0x3FAF];
	_ =	sdelay $0x3  }
0x36: {  	p1 =	seq.s32 s10, $0x1;
	s10 =	sld [smem:$0x3FB0];
	_ =	sdelay $0x3  }
0x37: {  	[smem:$0x3FB0] =	sst s10  }
0x38: {  	s10 =	sld [smem:$0x3FB1]  }
0x39: {  	_ = 	snop;
	(pc) =	sbr.ind lr, $3  }
0x3a: {  	_ = 	snop  }
0x3b: {  	_ = 	snop  }
0x3c: {  	p2 =	seq.s32 s10, $0x1;
	s10 =	sld [smem:$0x3FB0]  }
0x3d: {  	_ =	shalt  }
0x3e: {  	_ =	shalt  }
0x3f: {  	_ =	shalt  }
0x40: {  	_ =	shalt  }
0x41: {  	_ =	shalt  }
0x42: {  	_ =	shalt  }
0x43: {  	_ =	shalt  }
0x44: {  	_ =	shalt  }
0x45: {  	_ =	shalt  }
0x46: {  	_ =	shalt  }
0x47: {  	_ =	shalt  }
0x48: {  	_ =	shalt  }
0x49: {  	_ =	shalt  }
0x4a: {  	_ =	shalt  }
0x4b: {  	_ =	shalt  }
0x4c: {  	_ =	shalt  }
0x4d: {  	_ =	shalt  }
0x4e: {  	_ =	shalt  }
0x4f: {  	_ =	shalt  }
0x50: {  	_ =	shalt  }
0x51: {  	_ =	shalt  }
0x52: {  	_ =	shalt  }
0x53: {  	_ =	shalt  }
0x54: {  	_ =	shalt  }
0x55: {  	_ =	shalt  }
0x56: {  	_ =	shalt  }
0x57: {  	_ =	shalt  }
0x58: {  	_ =	shalt  }
0x59: {  	_ =	shalt  }
0x5a: {  	_ =	shalt  }
0x5b: {  	_ =	shalt  }
0x5c: {  	_ =	shalt  }
0x5d: {  	_ =	shalt  }
0x5e: {  	_ =	shalt  }
0x5f: {  	_ =	shalt  }
0x60: {  	_ =	shalt  }
0x61: {  	_ =	shalt  }
0x62: {  	_ =	shalt  }
0x63: {  	_ =	shalt  }
0x64: {  	_ =	shalt  }
0x65: {  	_ =	shalt  }
0x66: {  	_ =	shalt  }
0x67: {  	_ =	shalt  }
0x68: {  	_ =	shalt  }
0x69: {  	_ =	shalt  }
0x6a: {  	_ =	shalt  }
0x6b: {  	_ =	shalt  }
0x6c: {  	_ =	shalt  }
0x6d: {  	_ =	shalt  }
0x6e: {  	_ =	shalt  }
0x6f: {  	_ =	shalt  }
0x70: {  	_ =	shalt  }
0x71: {  	_ =	shalt  }
0x72: {  	_ =	shalt  }
0x73: {  	_ =	shalt  }
0x74: {  	_ =	shalt  }
0x75: {  	_ =	shalt  }
0x76: {  	_ =	shalt  }
0x77: {  	_ =	shalt  }
0x78: {  	_ =	shalt  }
0x79: {  	_ =	shalt  }
0x7a: {  	_ =	shalt  }
0x7b: {  	_ =	shalt  }
0x7c: {  	_ =	shalt  }
0x7d: {  	_ =	shalt  }
0x7e: {  	_ =	shalt  }
0x7f: {  	_ =	shalt  }
0x80: {  	_ =	shalt  }
0x81: {  	_ =	shalt  }
0x82: {  	_ =	shalt  }
0x83: {  	_ =	shalt  }
0x84: {  	_ =	shalt  }
0x85: {  	_ =	shalt  }
0x86: {  	_ =	shalt  }
0x87: {  	_ =	shalt  }
.Lfunc_end0:
.L_simem_size_0:
called_computation.3_lowered:
.L_overlay_start_0:
0x88: {  	s2 =	sld [smem:$0x3FD9]  }
0x89: {  	s3 =	sld [smem:$0x3FFE];
	_ =	sdelay $0x1  }
0x8a: {  	s1 =	srdreg.scid  }
0x8b: {  	s0 =	sand.u32 $0x1, s1  }
0x8c: {  	s17 =	sshll.u32 s0, $0xA;
	s2 =	sadd.s32 s3, s2  }
0x8d: {  	s2 =	sadd.s32 s2, s17  }
0x8e: {  	[smem:$0x3FBC] =	sst s2  }
0x8f: {  	_ = 	snop  }
0x90: {  	s2 =	sld [smem:$0x3FD0];
	(tm) =	ssettm $0x1  }
0x91: {  	s18 =	sld [smem:$0x3FFB];
	_ =	sdelay $0x3  }
0x92: {  	_ =	strace s18  }
0x93: {  	s3 =	sld [smem:$0x3FFC];
	_ =	sdelay $0x3  }
0x94: {  	_ =	strace s3  }
0x95: {  	s3 =	sld [smem:$0x3FFD];
	_ =	sdelay $0x3  }
0x96: {  	_ =	strace s3  }
0x97: {  	_ =	strace $0x8FFFFFFF  }
0x98: {  	s19 =	sld [smem:$0x3FDB];
	_ =	sdelay $0x1  }
0x99: {  	s4 =	simm.s32 $_scs_section_size  }
0x9a: {  	s5 =	simm.s32 $_size__tile_overlayer_lowered;
	s6 =	simm.s32 $_tile_overlayer_lowered  }
0x9b: {  	s22 =	simm.s32 $0x1BFF;
	s21 =	sshll.u32 s6, $0x1;
	s3 =	sadd.s32 s4, s19  }
0x9c: {  	s7 =	simm.s32 $0x0;
	s20 =	sshll.u32 s5, $0x1;
	s5 =	sadd.s32 s21, s3  }
0x9d: {  	[timem:s7], [sflag:s22] =	dma.local [hbm:s5], s20  }
0x9e: {  	_ =	swait.ge [sflag:s22], s20  }
0x9f: {  	s4 =	ssub.s32 $0x0, s20;
	[sflag:s22] =	ssyncset.done $0x0  }
0xa0: {  	[sflag:s22] =	ssyncadd.s32 s4;
	_ =	sdelay $0x1  }
0xa1: {  	s23 =	simm.s32 $0x1B8B  }
0xa2: {  	_ =	swait.ge [sflag:s23], $0x1  }
0xa3: {  	[sflag:s23] =	ssyncset.done $0x0  }
0xa4: {  	s25 =	simm.s32 $0x1B8E;
	s24 =	sld [smem:$0x3FFE];
	[sflag:s23] =	ssyncadd.s32 $0xFFFFFFFF  }
0xa5: {  	s26 =	simm.s32 $execute0_lowered;
	[smem:$0x3FD2] =	sst s25  }
0xa6: {  	s5 =	sshll.u32 s26, $0x1;
	_ =	strace $0x8000004F;
	[dreg:$0x1] =	wrdreg $0xFFFFFFFF  }
0xa7: {  	s28 =	simm.s32 $_size_execute0_lowered;
	s3 =	sadd.s32 s3, s5;
	[dreg:$0x0] =	wrdreg $0x0  }
0xa8: {  	s5 =	sshll.u32 s28, $0x1;
	[dreg:$0x2] =	wrdreg s3  }
0xa9: {  	[dreg:$0x3] =	wrdreg s5  }
0xaa: {  	[dreg:$0x4] =	wrdreg $0xC0  }
0xab: {  	_ =	task [dreg:s7], $0x5FFFF  }
0xac: {  	[dreg:$0x1] =	wrdreg $0xFFFFFFFF  }
0xad: {  	[dreg:$0x0] =	wrdreg $0x60  }
0xae: {  	[dreg:$0x2] =	wrdreg s24  }
0xaf: {  	[dreg:$0x3] =	wrdreg s2  }
0xb0: {  	[dreg:$0x4] =	wrdreg $0x90000  }
0xb1: {  	[dreg:$0x5] =	wrdreg $0x9  }
0xb2: {  	_ =	task.clear_ibuf [dreg:s7], $0x6FFFF;
	_ =	strace $0x9000004F  }
0xb3: {  	s29 =	simm.s32 $0x9;
	_ =	strace $0x80000051  }
0xb4: {  	_ =	swait.ge [sflag:s29], $0x1  }
0xb5: {  	[sflag:s29] =	ssyncadd.s32 $0xFFFFFFFF  }
0xb6: {  	_ =	strace $0x90000051  }
0xb7: {  	_ =	sfence  }
0xb8: {  	s30 =	sld [smem:$0x0];
	_ =	sdelay $0x2  }
0xb9: {  	s31 =	sshll.u32 s1, $0xD;
	s1 =	sshrl.u32 s1, $0x2  }
0xba: {  	s3 =	sand.u32 $0x4000, s31;
	s1 =	sadd.s32 s1, s30  }
0xbb: {  	s0 =	sor.u32 s3, s0;
	s1 =	sshll.u32 s1, $0x11  }
0xbc: {  	s0 =	sor.u32 s1, s0  }
0xbd: {  	s0 =	sadd.s32 $0x8F2B, s0  }
0xbe: {  	[sflag:s0] =	ssyncadd.remote.s32 $0x1  }
0xbf: {  	_ =	sfence.sel $0xFFFF  }
0xc0: {  	[dreg:$0x0] =	wrdreg $0xFFFFFFFF;
	(pc) =	sbr.abs _section_cstart, $3  }
0xc1: {  	[dreg:$0x1] =	wrdreg $0xFFFFFFFF  }
0xc2: {  	_ =	task.clear_ibuf [dreg:s7], $0x2FFFF;
	_ =	strace $0x9FFFFFFF  }
0xc3: {  	(tm) =	ssettm $0x7FFFFFFF  }
tec
execute0_lowered:
.L_overlay_start_1:
0x0: {  	(tag) =	ssettag $0x1  }
0x1: {  	s6 =	rddreg [dreg:$0x0]  }
0x2: {  	s7 =	rddreg [dreg:$0x1]  }
0x3: {  	s2 =	rddreg [dreg:$0x2]  }
0x4: {  	s0 =	rddreg [dreg:$0x3];
	s1 =	stileid.u32  }
0x5: {  	s4 =	srdreg.scid;
	s3 =	simm.s32 $0x0;
	s8 =	smul.u32 $0x2800, s1  }
0x6: {  	s15 =	simm.s32 $0x5000;
	s16 =	simm.s32 $0x0;
	s11 =	smul.u32 $0x14000, s1  }
0x7: {  	s9 =	sand.u32 $0x1, s4;
	[smem:$0x7FF] =	sst s3;
	s14 =	smul.u32 $0x50000, s1  }
0x8: {  	s4 =	sadd.s32 $0x57E00, s6;
	s30 =	sshll.u32 s1, $0x6;
	s10 =	smul.u32 $0x140000, s9  }
0x9: {  	_ =	strace $0x80000050;
	s26 =	ssub.s32 $0x2, s9;
	s9 =	smul.u32 $0x28000, s9  }
0xa: {  	s5 =	sshrl.u32 s8, $0x3;
	s13 =	sshrl.u32 s26, $0x1;
	s29 =	sshrl.u32 s14, $0x2  }
0xb: {  	s12 =	sadd.s32 s5, s6;
	s5 =	sadd.s32 $0x55600, s6;
	s10 =	sadd.s32 s11, s10  }
0xc: {  	s11 =	ssub.s32 s26, s13;
	s28 =	sadd.s32 s8, s9;
	s14 =	sadd.s32 s29, s2  }
0xd: {  	s13 =	simm.s32 $0x2800;
	s10 =	sshrl.u32 s10, $0x3;
	s31 =	sshrl.u32 s28, $0x3  }
0xe: {  	s8 =	sadd.s32 $0x2400, s12;
	s12 =	simm.s32 $0x1;
	s10 =	sadd.s32 s10, s6  }
0xf: {  	s6 =	sor.u32 $0x1C01, s30;
	s7 =	sadd.s32 s7, s31;
	s9 =	sadd.s32 $0xA6000, s10  }
0x10: {  	s10 =	smax.u32 s11, $0x1;
	s11 =	sshrl.u32 s14, $0x3;
	s14 =	simm.s32 $0x7D  }
.LBB2_1:
0x11: {  	[spmem:s11], [sflag:s6] =	dma.local [hbm:s5], $0x2800  }
0x12: {  	_ =	swait.ge [sflag:s12], $0x2800  }
0x13: {  	[sflag:s12] =	ssyncset.done $0x0  }
0x14: {  	[sflag:s12] =	ssyncadd.s32 $0xFFFFD800  }
0x15: {  	[tilespmem:s3], [sflag:$0x1] =	stream.linear.gather [hbm4b:s7+s3], $0x2800, $0x38;
	[tilespmem:$0x1D000] =	vst v63  }
0x16: {  	_ =	swait.ge [sflag:s12], $0x2800  }
0x17: {  	[sflag:s12] =	ssyncset.done $0x0  }
0x18: {  	[sflag:s12] =	ssyncadd.s32 $0xFFFFD800  }
0x19: {  	[tilespmem:s13], [sflag:$0x1] =	stream.linear.gather [hbm4b:s8+s3], $0x2800, $0x38;
	[tilespmem:$0x1D000] =	vst v63  }
0x1a: {  	_ =	swait.ge [sflag:s12], $0x2800  }
0x1b: {  	[sflag:s12] =	ssyncset.done $0x0  }
0x1c: {  	[sflag:s12] =	ssyncadd.s32 $0xFFFFD800  }
0x1d: {  	s17 =	simm.s32 $0x0;
	[bflag:$0x0] =	sbarrier.arrive $0xFFFF  }
0x1e: {  	[tilespmem:s15], [sflag:$0x1] =	stream.indirect.gather [hbm4b:s4+s14], $0x80, s17, s14, $0xb8;
	[tilespmem:$0x1D000] =	vst v63  }
0x1f: {  	_ =	swait.ge [sflag:s12], $0x3E80  }
0x20: {  	[sflag:s12] =	ssyncset.done $0x0  }
0x21: {  	s31 =	simm.s32 $0x2800;
	[sflag:s12] =	ssyncadd.s32 $0xFFFFC180  }
0x22: {  	[spmem:s2] =	stream.indirect.scatter.add.f32 [tilespmem:s15], [sflag:$0x1], $0x80, s31, s14, $0xb8;
	[tilespmem:$0x1D000] =	vst v63  }
0x23: {  	_ =	swait.ge [sflag:s12], $0x3E80  }
0x24: {  	s18 =	simm.s32 $0x400;
	s17 =	simm.s32 $0x200;
	[sflag:s12] =	ssyncset.done $0x0  }
.LBB2_2:
0x25: {  	s19 =	sshra.s32 s17, $0x2  }
0x26: {  	[sflag:s12] =	ssyncadd.s32 $0xFFFFC180;
	s17 =	smov.u32 s18;
	s20 =	sadd.s32 $0x200, s18  }
0x27: {  	[tilespmem:s15], [sflag:$0x1] =	stream.indirect.gather [hbm4b:s4+s14], $0x80, s19, s14, $0xb8;
	[tilespmem:$0x1D000] =	vst v63  }
0x28: {  	p0 =	sne.s32 s18, $0x9E00;
	_ =	swait.ge [sflag:s12], $0x3E80  }
.Ltmp0:
0x29: {  	[sflag:s12] =	ssyncset.done $0x0;
	(pc) =	sbr.rel @p0 .LBB2_2-.Ltmp0, $4  }
0x2a: {  	s18 =	sadd.s32 $0x2800, s19;
	[sflag:s12] =	ssyncadd.s32 $0xFFFFC180  }
0x2b: {  	[spmem:s2] =	stream.indirect.scatter.add.f32 [tilespmem:s15], [sflag:$0x1], $0x80, s18, s14, $0xb8;
	[tilespmem:$0x1D000] =	vst v63  }
0x2c: {  	_ =	swait.ge [sflag:s12], $0x3E80  }
0x2d: {  	s18 =	smov.u32 s20;
	[sflag:s12] =	ssyncset.done $0x0  }
0x2e: {  	s17 =	sshra.s32 s17, $0x2;
	[sflag:s12] =	ssyncadd.s32 $0xFFFFC180  }
0x2f: {  	[tilespmem:s15], [sflag:$0x1] =	stream.indirect.gather [hbm4b:s4+s14], $0x80, s17, s14, $0xb8;
	[tilespmem:$0x1D000] =	vst v63  }
0x30: {  	_ =	swait.ge [sflag:s12], $0x3E80  }
0x31: {  	[sflag:s12] =	ssyncset.done $0x0  }
0x32: {  	s17 =	sadd.s32 $0x2800, s17;
	[sflag:s12] =	ssyncadd.s32 $0xFFFFC180  }
0x33: {  	[spmem:s2] =	stream.indirect.scatter.add.f32 [tilespmem:s15], [sflag:$0x1], $0x80, s17, s14, $0xb8;
	[tilespmem:$0x1D000] =	vst v63  }
0x34: {  	_ =	swait.ge [sflag:s12], $0x3E80  }
0x35: {  	s16 =	sadd.s32 $0x1, s16;
	[sflag:s12] =	ssyncset.done $0x0  }
0x36: {  	p0 =	sne.s32 s16, s10;
	[sflag:s12] =	ssyncadd.s32 $0xFFFFC180  }
.Ltmp1:
0x37: {  	[bflag:$0x0] =	sbarrier.arrive $0xFFFF;
	(pc) =	sbr.rel @p0 .LBB2_1-.Ltmp1, $4  }
0x38: {  	[hbm:s9], [sflag:s6] =	dma.local [spmem:s11], $0x2800  }
0x39: {  	_ =	swait.ge [sflag:s12], $0x2800  }
0x3a: {  	[sflag:s12] =	ssyncset.done $0x0  }
0x3b: {  	[sflag:s12] =	ssyncadd.s32 $0xFFFFD800  }
0x3c: {  	_ =	sfence.sel $0x180000  }
0x3d: {  	[bflag:$0x0] =	sbarrier.arrive $0xFFFF  }
0x3e: {  	p0 =	sne.s32 s1, $0x0;
	_ =	strace $0x90000050  }
0x3f: {  	s0 =	sadd.s32 @!p0 $0x100000, s0;
	[bflag:$0x2] =	sbarrier.arrive $0xFFFF  }
0x40: {  	[sflag:s0] =	ssyncadd.tile.s32 @!p0 $0x1;
	_ =	shalt  }
.Lfunc_end2:
_tile_overlayer_lowered:
.L_overlay_start_2:
0x41: {  	(tag) =	ssettag $0x2  }
0x42: {  	s0 =	rddreg [dreg:$0x0];
	s2 =	stileid.u32  }
0x43: {  	s1 =	rddreg [dreg:$0x1];
	p0 =	sne.s32 s2, $0x0  }
0x44: {  	s3 =	rddreg [dreg:$0x2];
	[bflag:$0x3] =	sbarrier.arrive $0xFFFF;
	s2 =	simm.s32 @!p0 $0x1C01  }
0x45: {  	[timem:s3], [sflag:s2] =	dma.local @!p0 [hbm:s0], s1  }
0x46: {  	s0 =	simm.s32 @!p0 $0x1  }
0x47: {  	_ =	swait.ge @!p0 [sflag:s0], s1  }
0x48: {  	s1 =	ssub.s32 @!p0 $0x0, s1;
	[sflag:s0] =	ssyncset.done @!p0 $0x0  }
0x49: {  	[sflag:s0] =	ssyncadd.s32 @!p0 s1  }
0x4a: {  	[bflag:$0x3] =	sbarrier.arrive $0xFFFF  }
0x4b: {  	_ =	shalt  }

// kernel: kernel.23.cloned.1.call-start
scs
__scs_entry_jumppad:
0x0: {  	(pc) =	sbr.rel $0x88, $3  }
0x1: {  	(tag) =	ssettag $0x0;
	lr =	simm.s32 $0x1  }
0x2: {  	[smem:$0x3F95] =	sst lr;
	_ =	strace $0xD0000000  }
0x3: {  	_ = 	snop  }
0x4: {  	_ = 	snop  }
0x5: {  	_ = 	snop  }
0x6: {  	_ = 	snop  }
0x7: {  	_ = 	snop  }
__scs_overlays_trampoline_lowered:
0x8: {  	[smem:$0x3FA4] =	sst s0  }
0x9: {  	[smem:$0x3FA5] =	sst s1  }
0xa: {  	[smem:$0x3FA6] =	sst s2  }
0xb: {  	[smem:$0x3FA7] =	sst s3  }
0xc: {  	[smem:$0x3FA8] =	sst s4  }
0xd: {  	[smem:$0x3FA9] =	sst s5  }
0xe: {  	[smem:$0x3FAA] =	sst s6  }
0xf: {  	[smem:$0x3FAB] =	sst s7  }
0x10: {  	[smem:$0x3FAC] =	sst s8  }
0x11: {  	[smem:$0x3FAD] =	sst s9;
	s0 =	simm.s32 @!p0 $0x0  }
0x12: {  	s1 =	sld [smem:$0x3F93];
	s0 =	simm.s32 @p0 $0x1  }
0x13: {  	[smem:$0x3FAE] =	sst s0;
	s0 =	simm.s32 @!p1 $0x0  }
0x14: {  	s2 =	sld [smem:$0x3F92];
	s0 =	simm.s32 @p1 $0x1  }
0x15: {  	[smem:$0x3FAF] =	sst s0;
	s0 =	simm.s32 @!p2 $0x0  }
0x16: {  	s3 =	sld [smem:$0x3FDB];
	s0 =	simm.s32 @p2 $0x1  }
0x17: {  	s4 =	simm.s32 $0x1BF5;
	[smem:$0x3FB1] =	sst s0  }
0x18: {  	s0 =	sld [smem:$0x3F94];
	_ =	swait.ge [sflag:s4], $0x0  }
0x19: {  	s7 =	sld [smem:$0x3F95]  }
0x1a: {  	s8 =	sadd.s32 $0xFFFFE003, lr  }
0x1b: {  	s9 =	sadd.s32 $0xFFFFFEF7, lr;
	s5 =	simm.s32 $0xFFFFFFFF;
	p2 =	slt.u32 s8, $0xFFFFF086  }
0x1c: {  	p1 =	slt.u32 s9, $0xF7A;
	s5 =	simm.s32 @!p2 $0x0  }
0x1d: {  	s5 =	simm.s32 @p1 $0x1;
	p0 =	seq.s32 s7, s2  }
0x1e: {  	s7 =	smul.u32 @!p0 $0xF7A, s2;
	p2 =	seq.s32 @!p0 s5, $0x0  }
0x1f: {  	s9 =	smul.u32 $0xF7A, s1;
	s8 =	simm.s32 @!p0 $0x1BF5;
	p2 =	por !p2, p0  }
0x20: {  	[sflag:s8] =	ssyncset.s32 @!p0 $0xFFFFF086;
	s6 =	sadd.s32 @!p0 s3, s7;
	s7 =	simm.s32 @!p0 $0x108  }
0x21: {  	s3 =	sadd.s32 s3, s9;
	s6 =	sadd.s32 @!p0 $0x88, s6;
	s7 =	simm.s32 @p2 $0x1082  }
0x22: {  	[simem:s7], [sflag:s8] =	dma.local @!p0 [hbm:s6], $0xF7A  }
0x23: {  	s9 =	sor.u32 $0xD0000000, s2;
	s6 =	simm.s32 $0x108;
	_ =	swait.ge @!p0 [sflag:s8], $0x0  }
0x24: {  	s3 =	sadd.s32 $0x88, s3;
	s6 =	simm.s32 @!p1 $0x1082;
	[sflag:s4] =	ssyncset.s32 $0xFFFFF086  }
0x25: {  	[simem:s6], [sflag:s4] =	dma.local [hbm:s3], $0xF7A  }
0x26: {  	[smem:$0x3F95] =	sst s1;
	(tag) =	ssettag s2;
	_ =	strace s9  }
0x27: {  	s1 =	sld [smem:$0x3FA5]  }
0x28: {  	s2 =	sld [smem:$0x3FA6]  }
0x29: {  	s4 =	sld [smem:$0x3FA8]  }
0x2a: {  	p0 =	seq.s32 s5, $0x0;
	s5 =	sld [smem:$0x3FA9]  }
0x2b: {  	s6 =	sld [smem:$0x3FAA]  }
0x2c: {  	s7 =	sld [smem:$0x3FAB]  }
0x2d: {  	s3 =	simm.s32 $0x108;
	s8 =	sld [smem:$0x3FAC]  }
0x2e: {  	s3 =	simm.s32 @!p0 $0x1082;
	s9 =	sld [smem:$0x3FAD]  }
0x2f: {  	lr =	sadd.s32 s0, s3;
	s0 =	sld [smem:$0x3FA4]  }
0x30: {  	s3 =	sld [smem:$0x3FA7]  }
0x31: {  	[smem:$0x3FB0] =	sst s10  }
0x32: {  	s10 =	sld [smem:$0x3FAE];
	_ =	sdelay $0x3  }
0x33: {  	p0 =	seq.s32 s10, $0x1;
	s10 =	sld [smem:$0x3FB0];
	_ =	sdelay $0x3  }
0x34: {  	[smem:$0x3FB0] =	sst s10  }
0x35: {  	s10 =	sld [smem:$0x3FAF];
	_ =	sdelay $0x3  }
0x36: {  	p1 =	seq.s32 s10, $0x1;
	s10 =	sld [smem:$0x3FB0];
	_ =	sdelay $0x3  }
0x37: {  	[smem:$0x3FB0] =	sst s10  }
0x38: {  	s10 =	sld [smem:$0x3FB1]  }
0x39: {  	_ = 	snop;
	(pc) =	sbr.ind lr, $3  }
0x3a: {  	_ = 	snop  }
0x3b: {  	_ = 	snop  }
0x3c: {  	p2 =	seq.s32 s10, $0x1;
	s10 =	sld [smem:$0x3FB0]  }
0x3d: {  	_ =	shalt  }
0x3e: {  	_ =	shalt  }
0x3f: {  	_ =	shalt  }
0x40: {  	_ =	shalt  }
0x41: {  	_ =	shalt  }
0x42: {  	_ =	shalt  }
0x43: {  	_ =	shalt  }
0x44: {  	_ =	shalt  }
0x45: {  	_ =	shalt  }
0x46: {  	_ =	shalt  }
0x47: {  	_ =	shalt  }
0x48: {  	_ =	shalt  }
0x49: {  	_ =	shalt  }
0x4a: {  	_ =	shalt  }
0x4b: {  	_ =	shalt  }
0x4c: {  	_ =	shalt  }
0x4d: {  	_ =	shalt  }
0x4e: {  	_ =	shalt  }
0x4f: {  	_ =	shalt  }
0x50: {  	_ =	shalt  }
0x51: {  	_ =	shalt  }
0x52: {  	_ =	shalt  }
0x53: {  	_ =	shalt  }
0x54: {  	_ =	shalt  }
0x55: {  	_ =	shalt  }
0x56: {  	_ =	shalt  }
0x57: {  	_ =	shalt  }
0x58: {  	_ =	shalt  }
0x59: {  	_ =	shalt  }
0x5a: {  	_ =	shalt  }
0x5b: {  	_ =	shalt  }
0x5c: {  	_ =	shalt  }
0x5d: {  	_ =	shalt  }
0x5e: {  	_ =	shalt  }
0x5f: {  	_ =	shalt  }
0x60: {  	_ =	shalt  }
0x61: {  	_ =	shalt  }
0x62: {  	_ =	shalt  }
0x63: {  	_ =	shalt  }
0x64: {  	_ =	shalt  }
0x65: {  	_ =	shalt  }
0x66: {  	_ =	shalt  }
0x67: {  	_ =	shalt  }
0x68: {  	_ =	shalt  }
0x69: {  	_ =	shalt  }
0x6a: {  	_ =	shalt  }
0x6b: {  	_ =	shalt  }
0x6c: {  	_ =	shalt  }
0x6d: {  	_ =	shalt  }
0x6e: {  	_ =	shalt  }
0x6f: {  	_ =	shalt  }
0x70: {  	_ =	shalt  }
0x71: {  	_ =	shalt  }
0x72: {  	_ =	shalt  }
0x73: {  	_ =	shalt  }
0x74: {  	_ =	shalt  }
0x75: {  	_ =	shalt  }
0x76: {  	_ =	shalt  }
0x77: {  	_ =	shalt  }
0x78: {  	_ =	shalt  }
0x79: {  	_ =	shalt  }
0x7a: {  	_ =	shalt  }
0x7b: {  	_ =	shalt  }
0x7c: {  	_ =	shalt  }
0x7d: {  	_ =	shalt  }
0x7e: {  	_ =	shalt  }
0x7f: {  	_ =	shalt  }
0x80: {  	_ =	shalt  }
0x81: {  	_ =	shalt  }
0x82: {  	_ =	shalt  }
0x83: {  	_ =	shalt  }
0x84: {  	_ =	shalt  }
0x85: {  	_ =	shalt  }
0x86: {  	_ =	shalt  }
0x87: {  	_ =	shalt  }
.Lfunc_end0:
.L_simem_size_0:
called_computation.4_lowered:
.L_overlay_start_0:
0x88: {  	s2 =	sld [smem:$0x3FD9]  }
0x89: {  	s3 =	sld [smem:$0x3FFE];
	_ =	sdelay $0x1  }
0x8a: {  	s1 =	srdreg.scid  }
0x8b: {  	s0 =	sand.u32 $0x1, s1  }
0x8c: {  	s17 =	sshll.u32 s0, $0xA;
	s2 =	sadd.s32 s3, s2  }
0x8d: {  	s2 =	sadd.s32 s2, s17  }
0x8e: {  	[smem:$0x3FBC] =	sst s2  }
0x8f: {  	_ = 	snop  }
0x90: {  	s2 =	sld [smem:$0x3FD0];
	(tm) =	ssettm $0x1  }
0x91: {  	s18 =	sld [smem:$0x3FFB];
	_ =	sdelay $0x3  }
0x92: {  	_ =	strace s18  }
0x93: {  	s3 =	sld [smem:$0x3FFC];
	_ =	sdelay $0x3  }
0x94: {  	_ =	strace s3  }
0x95: {  	s3 =	sld [smem:$0x3FFD];
	_ =	sdelay $0x3  }
0x96: {  	_ =	strace s3  }
0x97: {  	_ =	strace $0x8FFFFFFF  }
0x98: {  	s19 =	sld [smem:$0x3FDB];
	_ =	sdelay $0x1  }
0x99: {  	s4 =	simm.s32 $_scs_section_size  }
0x9a: {  	s5 =	simm.s32 $_size__tile_overlayer_lowered;
	s6 =	simm.s32 $_tile_overlayer_lowered  }
0x9b: {  	s22 =	simm.s32 $0x1BFF;
	s21 =	sshll.u32 s6, $0x1;
	s3 =	sadd.s32 s4, s19  }
0x9c: {  	s7 =	simm.s32 $0x0;
	s20 =	sshll.u32 s5, $0x1;
	s5 =	sadd.s32 s21, s3  }
0x9d: {  	[timem:s7], [sflag:s22] =	dma.local [hbm:s5], s20  }
0x9e: {  	_ =	swait.ge [sflag:s22], s20  }
0x9f: {  	s4 =	ssub.s32 $0x0, s20;
	[sflag:s22] =	ssyncset.done $0x0  }
0xa0: {  	[sflag:s22] =	ssyncadd.s32 s4;
	_ =	sdelay $0x1  }
0xa1: {  	s23 =	simm.s32 $0x1B8B  }
0xa2: {  	_ =	swait.ge [sflag:s23], $0x1  }
0xa3: {  	[sflag:s23] =	ssyncset.done $0x0  }
0xa4: {  	s25 =	simm.s32 $0x1B8E;
	s24 =	sld [smem:$0x3FFE];
	[sflag:s23] =	ssyncadd.s32 $0xFFFFFFFF  }
0xa5: {  	s26 =	simm.s32 $execute0_lowered;
	[smem:$0x3FD2] =	sst s25  }
0xa6: {  	s5 =	sshll.u32 s26, $0x1;
	_ =	strace $0x80000052;
	[dreg:$0x1] =	wrdreg $0xFFFFFFFF  }
0xa7: {  	s28 =	simm.s32 $_size_execute0_lowered;
	s3 =	sadd.s32 s3, s5;
	[dreg:$0x0] =	wrdreg $0x0  }
0xa8: {  	s5 =	sshll.u32 s28, $0x1;
	[dreg:$0x2] =	wrdreg s3  }
0xa9: {  	[dreg:$0x3] =	wrdreg s5  }
0xaa: {  	[dreg:$0x4] =	wrdreg $0xC0  }
0xab: {  	_ =	task [dreg:s7], $0x5FFFF  }
0xac: {  	[dreg:$0x1] =	wrdreg $0xFFFFFFFF  }
0xad: {  	[dreg:$0x0] =	wrdreg $0x60  }
0xae: {  	[dreg:$0x2] =	wrdreg s24  }
0xaf: {  	[dreg:$0x3] =	wrdreg s2  }
0xb0: {  	[dreg:$0x4] =	wrdreg $0x9  }
0xb1: {  	_ =	task.clear_ibuf [dreg:s7], $0x5FFFF;
	_ =	strace $0x90000052  }
0xb2: {  	s29 =	simm.s32 $0x9;
	_ =	strace $0x80000054  }
0xb3: {  	_ =	swait.ge [sflag:s29], $0x1  }
0xb4: {  	[sflag:s29] =	ssyncadd.s32 $0xFFFFFFFF  }
0xb5: {  	_ =	strace $0x90000054  }
0xb6: {  	_ =	sfence  }
0xb7: {  	s30 =	sld [smem:$0x0];
	_ =	sdelay $0x2  }
0xb8: {  	s31 =	sshll.u32 s1, $0xD;
	s1 =	sshrl.u32 s1, $0x2  }
0xb9: {  	s3 =	sand.u32 $0x4000, s31;
	s1 =	sadd.s32 s1, s30  }
0xba: {  	s0 =	sor.u32 s3, s0;
	s1 =	sshll.u32 s1, $0x11  }
0xbb: {  	s0 =	sor.u32 s1, s0  }
0xbc: {  	s0 =	sadd.s32 $0x8F2B, s0  }
0xbd: {  	[sflag:s0] =	ssyncadd.remote.s32 $0x1  }
0xbe: {  	_ =	sfence.sel $0xFFFF  }
0xbf: {  	[dreg:$0x0] =	wrdreg $0xFFFFFFFF;
	(pc) =	sbr.abs _section_cstart, $3  }
0xc0: {  	[dreg:$0x1] =	wrdreg $0xFFFFFFFF  }
0xc1: {  	_ =	task.clear_ibuf [dreg:s7], $0x2FFFF;
	_ =	strace $0x9FFFFFFF  }
0xc2: {  	(tm) =	ssettm $0x7FFFFFFF  }
0xc3: {  	_ =	shalt  }
tec
execute0_lowered:
.L_overlay_start_1:
0x0: {  	(tag) =	ssettag $0x1  }
0x1: {  	s4 =	rddreg [dreg:$0x0]  }
0x2: {  	s5 =	rddreg [dreg:$0x1]  }
0x3: {  	s1 =	srdreg.scid;
	s0 =	rddreg [dreg:$0x2]  }
0x4: {  	s2 =	simm.s32 $0x0;
	s10 =	simm.s32 $0x1080;
	s11 =	simm.s32 $0x1880  }
0x5: {  	s12 =	simm.s32 $0x2080;
	s13 =	simm.s32 $0x2880;
	s14 =	simm.s32 $0x3080  }
0x6: {  	s15 =	simm.s32 $0x3880;
	s6 =	sand.u32 $0x1, s1;
	[smem:$0x7FF] =	sst s2  }
0x7: {  	s1 =	stileid.u32;
	s3 =	sshll.u32 s6, $0x4;
	_ =	strace $0x80000053  }
0x8: {  	s29 =	ssub.s32 $0x2, s6;
	s30 =	sshll.u32 s1, $0x4;
	s7 =	sor.u32 s1, s3  }
0x9: {  	s3 =	sadd.s32 $0x2400, s4;
	s9 =	sshrl.u32 s29, $0x1;
	s6 =	sand.u32 $0x70, s30  }
0xa: {  	s8 =	sshll.u32 s7, $0xB;
	s7 =	sshll.u32 s7, $0x4;
	s9 =	ssub.s32 s29, s9  }
0xb: {  	v2 =	vlaneseq.u32;
	s5 =	sadd.s32 s5, s6;
	s8 =	sadd.s32 s8, s4;
	s31 =	sand.u32 $0x180, s7  }
0xc: {  	vm0 =	vmmov $0xffff;
	v1 =	vshrl.u32 v2, $0x3;
	s6 =	smax.u32 s9, $0x1;
	s7 =	simm.s32 $0x1;
	s9 =	simm.s32 $0x880  }
0xd: {  	v0 =	vand.u32 $0x7, v2;
	v2 =	vor.u32 $0x8, v2;
	v1 =	vmul.u32 $0x8, v1;
	s4 =	sadd.s32 s31, s5;
	s5 =	sadd.s32 $0x50800, s8;
	s8 =	simm.s32 $0x80  }
.LBB2_1:
0xe: {  	[tilespmem:s2], [sflag:$0x1] =	stream.linear.gather [hbm4b:s4+s2], $0x80, $0x38;
	[tilespmem:$0x4080] =	vst v63  }
0xf: {  	_ =	swait.ge [sflag:s7], $0x80  }
0x10: {  	[sflag:s7] =	ssyncset.done $0x0  }
0x11: {  	[sflag:s7] =	ssyncadd.s32 $0xFFFFFF80  }
0x12: {  	v3 =	vld [tilespmem:$0x0];
	_ =	sdelay $0x4  }
0x13: {  	v4 =	vshll.u32 v3, $0x1  }
0x14: {  	v3 =	vand.u32 $0x7, v3;
	v4 =	vand.u32 $0xFFFFFFF0, v4  }
0x15: {  	v3 =	vor.u32 v3, v4  }
0x16: {  	v4 =	vperm.xlane v3, v0;
	_ =	sdelay $0x1  }
0x17: {  	v3 =	vperm.xlane v3, v2;
	v4 =	vadd.s32 v1, v4;
	_ =	sdelay $0x1  }
0x18: {  	v3 =	vadd.s32 v1, v3;
	_ =	sdelay $0x2  }
0x19: {  	[tilespmem:s8], [sflag:$0x1] =	stream.indirect_vreg.gather [hbm4b:s3+s2], $0x80, v4, vm0, $0xb8;
	[tilespmem:$0x4080] =	vst v63  }
0x1a: {  	_ = 	snop  }
0x1b: {  	[tilespmem:s9], [sflag:$0x1] =	stream.indirect_vreg.gather [hbm4b:s3+s2], $0x80, v3, vm0, $0xb8;
	[tilespmem:$0x4080] =	vst v63  }
0x1c: {  	v3 =	vld [tilespmem:$0x10];
	_ =	sdelay $0x4  }
0x1d: {  	v61 =	vshll.u32 v3, $0x1  }
0x1e: {  	v3 =	vand.u32 $0x7, v3;
	v4 =	vand.u32 $0xFFFFFFF0, v61  }
0x1f: {  	v3 =	vor.u32 v3, v4  }
0x20: {  	v4 =	vperm.xlane v3, v0;
	_ =	sdelay $0x1  }
0x21: {  	v3 =	vperm.xlane v3, v2;
	v4 =	vadd.s32 v1, v4;
	_ =	sdelay $0x1  }
0x22: {  	v3 =	vadd.s32 v1, v3;
	_ =	sdelay $0x2  }
0x23: {  	[tilespmem:s10], [sflag:$0x1] =	stream.indirect_vreg.gather [hbm4b:s3+s2], $0x80, v4, vm0, $0xb8;
	[tilespmem:$0x4080] =	vst v63  }
0x24: {  	_ = 	snop  }
0x25: {  	[tilespmem:s11], [sflag:$0x1] =	stream.indirect_vreg.gather [hbm4b:s3+s2], $0x80, v3, vm0, $0xb8;
	[tilespmem:$0x4080] =	vst v63  }
0x26: {  	v3 =	vld [tilespmem:$0x20];
	_ =	sdelay $0x4  }
0x27: {  	v62 =	vshll.u32 v3, $0x1  }
0x28: {  	v3 =	vand.u32 $0x7, v3;
	v4 =	vand.u32 $0xFFFFFFF0, v62  }
0x29: {  	v3 =	vor.u32 v3, v4  }
0x2a: {  	v4 =	vperm.xlane v3, v0;
	_ =	sdelay $0x1  }
0x2b: {  	v3 =	vperm.xlane v3, v2;
	v4 =	vadd.s32 v1, v4;
	_ =	sdelay $0x1  }
0x2c: {  	v3 =	vadd.s32 v1, v3;
	_ =	sdelay $0x2  }
0x2d: {  	[tilespmem:s12], [sflag:$0x1] =	stream.indirect_vreg.gather [hbm4b:s3+s2], $0x80, v4, vm0, $0xb8;
	[tilespmem:$0x4080] =	vst v63  }
0x2e: {  	_ = 	snop  }
0x2f: {  	[tilespmem:s13], [sflag:$0x1] =	stream.indirect_vreg.gather [hbm4b:s3+s2], $0x80, v3, vm0, $0xb8;
	[tilespmem:$0x4080] =	vst v63  }
0x30: {  	v3 =	vld [tilespmem:$0x30];
	_ =	sdelay $0x4  }
0x31: {  	v63 =	vshll.u32 v3, $0x1  }
0x32: {  	v3 =	vand.u32 $0x7, v3;
	v4 =	vand.u32 $0xFFFFFFF0, v63  }
0x33: {  	v3 =	vor.u32 v3, v4  }
0x34: {  	v4 =	vperm.xlane v3, v0;
	_ =	sdelay $0x1  }
0x35: {  	v3 =	vperm.xlane v3, v2;
	v4 =	vadd.s32 v1, v4;
	_ =	sdelay $0x1  }
0x36: {  	v3 =	vadd.s32 v1, v3;
	_ =	sdelay $0x2  }
0x37: {  	[tilespmem:s14], [sflag:$0x1] =	stream.indirect_vreg.gather [hbm4b:s3+s2], $0x80, v4, vm0, $0xb8;
	[tilespmem:$0x4080] =	vst v63  }
0x38: {  	_ = 	snop  }
0x39: {  	[tilespmem:s15], [sflag:$0x1] =	stream.indirect_vreg.gather [hbm4b:s3+s2], $0x80, v3, vm0, $0xb8;
	[tilespmem:$0x4080] =	vst v63  }
0x3a: {  	_ =	swait.ge [sflag:s7], $0x4000  }
0x3b: {  	p0 =	sne.s32 s6, $0x1;
	[sflag:s7] =	ssyncset.done $0x0  }
.Ltmp0:
0x3c: {  	[sflag:s7] =	ssyncadd.s32 $0xFFFFC000;
	(pc) =	sbr.rel @p0 .LBB2_1-.Ltmp0, $4  }
0x3d: {  	[hbm4b:s5+s2] =	stream.linear.scatter [tilespmem:s8], [sflag:$0x1], $0x4000, $0x38;
	[tilespmem:$0x4080] =	vst v63  }
0x3e: {  	_ =	swait.ge [sflag:s7], $0x4000  }
0x3f: {  	[sflag:s7] =	ssyncset.done $0x0  }
0x40: {  	s6 =	sadd.s32 $0xFFFFFFFF, s6;
	[sflag:s7] =	ssyncadd.s32 $0xFFFFC000  }
0x41: {  	_ =	sfence.sel $0x180000  }
0x42: {  	[bflag:$0x0] =	sbarrier.arrive $0xFFFF  }
0x43: {  	p0 =	sne.s32 s1, $0x0;
	_ =	strace $0x90000053  }
0x44: {  	s0 =	sadd.s32 @!p0 $0x100000, s0;
	[bflag:$0x2] =	sbarrier.arrive $0xFFFF  }
0x45: {  	[sflag:s0] =	ssyncadd.tile.s32 @!p0 $0x1;
	_ =	shalt  }
.Lfunc_end2:
_tile_overlayer_lowered:
.L_overlay_start_2:
0x46: {  	(tag) =	ssettag $0x2  }
0x47: {  	s0 =	rddreg [dreg:$0x0];
	s2 =	stileid.u32  }
0x48: {  	s1 =	rddreg [dreg:$0x1];
	p0 =	sne.s32 s2, $0x0  }
0x49: {  	s3 =	rddreg [dreg:$0x2];
	[bflag:$0x3] =	sbarrier.arrive $0xFFFF;
	s2 =	simm.s32 @!p0 $0x1C01  }
0x4a: {  	[timem:s3], [sflag:s2] =	dma.local @!p0 [hbm:s0], s1  }
0x4b: {  	s0 =	simm.s32 @!p0 $0x1  }
0x4c: {  	_ =	swait.ge @!p0 [sflag:s0], s1  }
0x4d: {  	s1 =	ssub.s32 @!p0 $0x0, s1;
	[sflag:s0] =	ssyncset.done @!p0 $0x0  }
0x4e: {  	[sflag:s0] =	ssyncadd.s32 @!p0 s1  }
0x4f: {  	[bflag:$0x3] =	sbarrier.arrive $0xFFFF  }
0x50: {  	_ =	shalt  }

</sc_bundles>
